<compile_context>
chip_gen: v7x
topology: tpu7x:2x2x1
jax: 0.10.2.dev20260603
libtpu: 0.0.44.dev20260713+nightly
codegen_flags: <defaults>
</compile_context>

<pallas_src>
import functools

import jax
import jax.numpy as jnp
from jax import lax
from jax.experimental import pallas as pl
from jax.experimental.pallas import tpu as pltpu
from jax.experimental.pallas import tpu_sc as plsc

_NC = 2
_NS = 16
_NW = _NC * _NS
_U = 64

_MESH = dict(core_axis_name="c", subcore_axis_name="s")
_PARAMS = pltpu.CompilerParams(use_tc_tiling_on_sc=True,
                               needs_layout_passes=False)


def _mk_pipeline(bufs):

    def fire(tab_h, idxv, j, p):
        ba, bb, sem = bufs[p]
        pltpu.async_copy(tab_h.at[idxv.at[0, j]], ba, sem)
        pltpu.async_copy(tab_h.at[idxv.at[1, j]], bb, sem)

    def wait(tab_h, idxv, p):
        ba, bb, sem = bufs[p]
        pltpu.make_async_copy(tab_h.at[idxv.at[0, 0]], ba, sem).wait()
        pltpu.make_async_copy(tab_h.at[idxv.at[1, 0]], bb, sem).wait()

    def pipeline(tab_h, idxv, n_units, compute):
        fire(tab_h, idxv, 0, 0)

        def body(j2, carry):
            u = 2 * j2
            fire(tab_h, idxv, u + 1, 1)
            wait(tab_h, idxv, 0)
            compute(u, 0)
            fire(tab_h, idxv, jnp.minimum(u + 2, n_units - 1), 0)
            wait(tab_h, idxv, 1)
            compute(u + 1, 1)
            return carry

        lax.fori_loop(0, n_units // 2, body, 0)
        wait(tab_h, idxv, 0)

    return pipeline


def _sc_center_sums(ctab, cidx, B, D):
    uc = B // _U // _NW
    nd16 = D // 16
    w = 2 * D

    @functools.partial(
        pl.kernel,
        mesh=plsc.VectorSubcoreMesh(**_MESH),
        out_type=jax.ShapeDtypeStruct((B // 2, w), jnp.float32),
        scratch_types=[
            pltpu.VMEM((2, uc, _U), jnp.int32),
            pltpu.VMEM((_U // 2, w), jnp.float32),
            pltpu.VMEM((_U, w), jnp.float32),
            pltpu.VMEM((_U, w), jnp.float32),
            pltpu.VMEM((_U, w), jnp.float32),
            pltpu.VMEM((_U, w), jnp.float32),
            pltpu.SemaphoreType.DMA,
            pltpu.SemaphoreType.DMA,
        ],
        compiler_params=_PARAMS,
    )
    def sc_a(ctab_h, cidx_h, csum_h, idxc, stage, ba0, bb0, ba1, bb1,
             sem0, sem1):
        wid = lax.axis_index("s") * _NC + lax.axis_index("c")
        bufs = ((ba0, bb0, sem0), (ba1, bb1, sem1))
        pipeline = _mk_pipeline(bufs)

        base = pl.multiple_of(wid * uc, 8)
        for f in range(2):
            pltpu.sync_copy(cidx_h.at[f, pl.ds(base, uc)], idxc.at[f])

        def csum(j, p):
            ba, bb, _ = bufs[p]

            def srow(r, c2):
                row = r // 2
                colb = (r % 2) * D
                for c in range(nd16):
                    stage[row, pl.ds(colb + c * 16, 16)] = (
                        ba[r, pl.ds(c * 16, 16)]
                        + bb[r, pl.ds(D + c * 16, 16)])
                return c2

            lax.fori_loop(0, _U, srow, 0)
            rowout = pl.multiple_of((wid * uc + j) * (_U // 2), 8)
            pltpu.sync_copy(stage, csum_h.at[pl.ds(rowout, _U // 2)])

        pipeline(ctab_h, idxc, uc, csum)

    return sc_a(ctab, cidx)


def _sc_scores(xtab, csum, xidx, nidx, B, BN, D, neg):
    ub = 2 * _U
    uc = B // ub // _NW
    un = BN // ub // _NW
    rc = uc * ub
    rn = un * ub
    w = 2 * D

    @functools.partial(
        pl.kernel,
        mesh=plsc.VectorSubcoreMesh(**_MESH),
        out_type=[
            jax.ShapeDtypeStruct((B,), jnp.float32),
            jax.ShapeDtypeStruct((BN,), jnp.float32),
        ],
        scratch_types=[
            pltpu.VMEM((2, uc + 4, ub), jnp.int32),
            pltpu.VMEM((2, un + 4, ub), jnp.int32),
            pltpu.VMEM((rc // 2, w), jnp.float32),
            pltpu.VMEM((ub, w), jnp.float32),
            pltpu.VMEM((ub, w), jnp.float32),
            pltpu.VMEM((ub, w), jnp.float32),
            pltpu.VMEM((ub, w), jnp.float32),
            pltpu.VMEM((rc,), jnp.float32),
            pltpu.VMEM((rn,), jnp.float32),
            pltpu.SemaphoreType.DMA,
            pltpu.SemaphoreType.DMA,
        ],
        compiler_params=_PARAMS,
    )
    def sc_b(xtab_h, csum_h, xidx_h, nidx_h, pos_h, negout_h,
             idxx, idxn, cbuf, ba0, bb0, ba1, bb1, pbuf, nbuf, sem0, sem1):
        wid = lax.axis_index("s") * _NC + lax.axis_index("c")
        iota = lax.iota(jnp.int32, 16)
        zero16 = jnp.zeros((16,), jnp.float32)
        bufs = ((ba0, bb0, sem0), (ba1, bb1, sem1))
        pipeline = _mk_pipeline(bufs)

        cbase = pl.multiple_of(wid * (rc // 2), 8)
        pltpu.sync_copy(csum_h.at[pl.ds(cbase, rc // 2)], cbuf)
        offx = lax.rem(wid * uc, 8)
        offn = lax.rem(wid * un, 8)
        basex = pl.multiple_of(wid * uc - offx, 8)
        basen = pl.multiple_of(wid * un - offn, 8)
        for f in range(2):
            pltpu.sync_copy(xidx_h.at[f, pl.ds(basex, uc + 4)], idxx.at[f])
            pltpu.sync_copy(nidx_h.at[f, pl.ds(basen, un + 4)], idxn.at[f])

        def dots(j, p, rows_c_of, out_buf):
            ba, bb, _ = bufs[p]

            def dotg(g, c2):
                rows_u = g * 16 + iota
                bloc = rows_c_of(j * ub + rows_u)
                rows_c = lax.shift_right_logical(bloc, 1)
                colb_c = jnp.bitwise_and(bloc, 1) * D

                def dd(k4, acc):
                    for kk in range(4):
                        dcol = jnp.bitwise_and(iota + (k4 * 4 + kk), D - 1)
                        va = plsc.load_gather(cbuf, [rows_c, colb_c + dcol])
                        xa = plsc.load_gather(ba, [rows_u, dcol])
                        xb = plsc.load_gather(bb, [rows_u, dcol + D])
                        acc = acc + va * (xa + xb)
                    return acc

                acc = lax.fori_loop(0, D // 4, dd, zero16)
                out_buf[pl.ds(j * ub + g * 16, 16)] = acc
                return c2

            lax.fori_loop(0, ub // 16, dotg, 0)

        def mkidx(idxv, off):
            class _Sl:
                def __init__(self, ref):
                    self.ref = ref
                @property
                def at(self):
                    return self
                def __getitem__(self, key):
                    f, j = key
                    return idxv.at[f, off + j]
            return _Sl(idxv)

        pipeline(xtab_h, mkidx(idxx, offx), uc,
                 lambda j, p: dots(j, p, lambda r: r, pbuf))
        pltpu.sync_copy(pbuf, pos_h.at[pl.ds(wid * rc, rc)])

        pipeline(xtab_h, mkidx(idxn, offn), un,
                 lambda j, p: dots(j, p, lambda r: r // neg, nbuf))
        pltpu.sync_copy(nbuf, negout_h.at[pl.ds(wid * rn, rn)])

    return sc_b(xtab, csum, xidx, nidx)


def _tc_loss(pos2d, neg2d, B):
    s = 0.0625

    def tc_fn(p_ref, n_ref, o_ref):
        ps = jnp.clip(s * p_ref[...], -10.0, 10.0)
        ns = jnp.clip(s * n_ref[...], -10.0, 10.0)
        pos_loss = jnp.sum(jnp.log(1.0 + jnp.exp(-ps)))
        neg_loss = jnp.sum(jnp.log(1.0 + jnp.exp(ns)))
        o_ref[0, 0] = (pos_loss + neg_loss) * (1.0 / B)

    out = pl.pallas_call(
        tc_fn,
        out_specs=pl.BlockSpec(memory_space=pltpu.SMEM),
        out_shape=jax.ShapeDtypeStruct((1, 1), jnp.float32),
    )(pos2d, neg2d)
    return out[0, 0]


def kernel(centers, contexts, neg_contexts, center_emb, context_emb):
    F, V, D = center_emb.shape
    B = centers.shape[0]
    BN = neg_contexts.shape[0]
    neg = BN // B

    ctab = jnp.transpose(center_emb, (1, 0, 2)).reshape(V, F * D)
    xtab = jnp.transpose(context_emb, (1, 0, 2)).reshape(V, F * D)
    cidx = centers.T.reshape(F, B // _U, _U)
    xidx = contexts.T.reshape(F, B // (2 * _U), 2 * _U)
    nidx = neg_contexts.T.reshape(F, BN // (2 * _U), 2 * _U)

    csum = _sc_center_sums(ctab, cidx, B, D)
    pos, negraw = _sc_scores(xtab, csum, xidx, nidx, B, BN, D, neg)
    return _tc_loss(pos.reshape(B // 128, 128), negraw.reshape(BN // 128, 128), B)

# --- scband reference (transcript-rebuilt; emitter-appended) ---
"""Pipeline reference for scband-skip-gram-60516089201163 (READ-ONLY COPY).

The authoritative reference and input builder live on the scoring server;
editing this copy changes nothing except your own understanding.
"""

import jax, jax.numpy as jnp
import numpy as np

V = 100000
D = 64
F = 2
B = 16384
NEG = 5


def setup_inputs(seed: int = 0) -> dict:
    key = jax.random.key(seed)
    k1, k2, k3, k4, k5 = jax.random.split(key, 5)
    centers = jax.random.randint(k1, (B, F), 0, V, dtype=jnp.int32)
    contexts = jax.random.randint(k2, (B, F), 0, V, dtype=jnp.int32)
    neg_contexts = jax.random.randint(k3, (B * NEG, F), 0, V, dtype=jnp.int32)
    emb_range = 0.5 / D
    # stacked per-field tables: [F, V, D]
    center_emb = jax.random.uniform(k4, (F, V, D), minval=-emb_range, maxval=emb_range, dtype=jnp.float32)
    # torch init is zeros for context; use small random values so the computation is non-degenerate
    context_emb = jax.random.normal(k5, (F, V, D), dtype=jnp.float32) * 0.01
    return {
        "centers": centers,
        "contexts": contexts,
        "neg_contexts": neg_contexts,
        "center_emb": center_emb,
        "context_emb": context_emb,
    }


def reference(centers, contexts, neg_contexts, center_emb, context_emb):
    # per-field center embedding lookups, then mean over fields
    emb_centers = [jnp.take(center_emb[i], centers[:, i], axis=0) for i in range(F)]
    emb_center = jnp.mean(jnp.stack(emb_centers), axis=0)  # [B, D]

    emb_contexts = [jnp.take(context_emb[i], contexts[:, i], axis=0) for i in range(F)]
    emb_context = jnp.mean(jnp.stack(emb_contexts), axis=0)  # [B, D]

    neg = neg_contexts.reshape(-1, F)
    emb_neg_list = [jnp.take(context_emb[i], neg[:, i], axis=0) for i in range(F)]
    emb_neg_context = jnp.mean(jnp.stack(emb_neg_list), axis=0)  # [B*NEG, D]

    score = jnp.sum(emb_center * emb_context, axis=1)
    score = jnp.clip(score, -10.0, 10.0)
    score = -jax.nn.log_sigmoid(score)  # [B]

    # bmm: [B, NEG, D] @ [B, D, 1] -> [B, NEG]
    neg_score = jnp.einsum('bnd,bd->bn', emb_neg_context.reshape(emb_center.shape[0], -1, emb_center.shape[1]), emb_center)
    neg_score = jnp.clip(neg_score, -10.0, 10.0)
    neg_score = -jnp.sum(jax.nn.log_sigmoid(-neg_score), axis=1)  # [B]

    return jnp.mean(score + neg_score)

if __name__ == "__main__":
    import jax
    _d = setup_inputs()
    print(jax.jit(kernel)(*tuple(_d.values())))

</pallas_src>

<mosaic_0001>
#map = affine_map<(d0, d1) -> (0, 0)>
#map1 = affine_map<(d0, d1) -> (0, 0, 0)>
#map2 = affine_map<(d0, d1) -> (0)>
module attributes {stable_mosaic.version = 14 : i64} {
  func.func @sc_b(%arg0: i32, %arg1: i32, %arg2: memref<100000x128xf32, #tpu.memory_space<hbm>>, %arg3: memref<8192x128xf32, #tpu.memory_space<hbm>>, %arg4: memref<2x128x128xi32, #tpu.memory_space<hbm>>, %arg5: memref<2x640x128xi32, #tpu.memory_space<hbm>>, %arg6: memref<16384xf32, #tpu.memory_space<hbm>>, %arg7: memref<81920xf32, #tpu.memory_space<hbm>>, %arg8: memref<2x8x128xi32, #tpu.memory_space<vmem>>, %arg9: memref<2x24x128xi32, #tpu.memory_space<vmem>>, %arg10: memref<256x128xf32, #tpu.memory_space<vmem>>, %arg11: memref<128x128xf32, #tpu.memory_space<vmem>>, %arg12: memref<128x128xf32, #tpu.memory_space<vmem>>, %arg13: memref<128x128xf32, #tpu.memory_space<vmem>>, %arg14: memref<128x128xf32, #tpu.memory_space<vmem>>, %arg15: memref<512xf32, #tpu.memory_space<vmem>>, %arg16: memref<2560xf32, #tpu.memory_space<vmem>>, %arg17: memref<!tpu.dma_semaphore, #tpu.memory_space<semaphore_mem>>, %arg18: memref<!tpu.dma_semaphore, #tpu.memory_space<semaphore_mem>>) attributes {dimension_semantics = [#tpu.dimension_semantics<core_parallel>, #tpu.dimension_semantics<subcore_parallel>], iteration_bounds = array<i64: 2, 16>, scalar_prefetch = 0 : i64, scratch_operands = 11 : i64, tpu.core_type = #tpu.core_type<sc_vector_subcore>, window_params = [{transform_indices = #map}, {transform_indices = #map}, {transform_indices = #map1}, {transform_indices = #map1}, {transform_indices = #map2}, {transform_indices = #map2}]} {
    %mul3A = arith.constant 2 : i32
    %mul3A_0 = arith.muli %arg1, %mul3A : i32
    %add3A = arith.addi %mul3A_0, %arg0 : i32
    %iota3A = tpu.iota {dimensions = array<i32: 0>} : vector<16xi32>
    %broadcast_in_dim3A = arith.constant 0.000000e+00 : f32
    %broadcast_in_dim3A_1 = vector.broadcast %broadcast_in_dim3A : f32 to vector<16xf32>
    %mul3A_2 = arith.constant 256 : i32
    %mul3A_3 = arith.muli %add3A, %mul3A_2 : i32
    %multiple_of3A = tpu.assume_multiple %mul3A_3, 8 : i32
    "tpu.region"() ({
      %run_scoped3A_110 = tpu.sem_alloc : memref<!tpu.dma_semaphore, #tpu.memory_space<semaphore_mem>>
      %dma_start3A_111 = arith.constant 0 : i32
      %dma_start3A_112 = tpu.memref_slice %arg3[%multiple_of3A, %dma_start3A_111] : memref<8192x128xf32, #tpu.memory_space<hbm>> -> memref<256x128xf32, #tpu.memory_space<hbm>>
      %dma_start3A_113 = arith.constant 0 : i32
      %dma_start3A_114 = tpu.memref_slice %arg3[%multiple_of3A, %dma_start3A_113] : memref<8192x128xf32, #tpu.memory_space<hbm>> -> memref<256x128xf32, #tpu.memory_space<hbm>>
      tpu.enqueue_dma source(%dma_start3A_114 : memref<256x128xf32, #tpu.memory_space<hbm>>) target(%arg10 : memref<256x128xf32, #tpu.memory_space<vmem>>) target_semaphore(%run_scoped3A_110 : memref<!tpu.dma_semaphore, #tpu.memory_space<semaphore_mem>>)
      %dma_wait3A_115 = arith.constant 0 : i32
      %dma_wait3A_116 = tpu.memref_slice %arg3[%multiple_of3A, %dma_wait3A_115] : memref<8192x128xf32, #tpu.memory_space<hbm>> -> memref<256x128xf32, #tpu.memory_space<hbm>>
      %dma_wait3A_117 = arith.constant 0 : i32
      %dma_wait3A_118 = tpu.memref_slice %arg3[%multiple_of3A, %dma_wait3A_117] : memref<8192x128xf32, #tpu.memory_space<hbm>> -> memref<256x128xf32, #tpu.memory_space<hbm>>
      tpu.wait_dma2 semaphore(%run_scoped3A_110 : memref<!tpu.dma_semaphore, #tpu.memory_space<semaphore_mem>>) src(%dma_wait3A_118 : memref<256x128xf32, #tpu.memory_space<hbm>>) dst(%arg10 : memref<256x128xf32, #tpu.memory_space<vmem>>)
      tpu.yield
    }) : () -> ()
    %mul3A_4 = arith.constant 4 : i32
    %mul3A_5 = arith.muli %add3A, %mul3A_4 : i32
    %rem3A = arith.constant 8 : i32
    %rem3A_6 = arith.remsi %mul3A_5, %rem3A : i32
    %mul3A_7 = arith.constant 20 : i32
    %mul3A_8 = arith.muli %add3A, %mul3A_7 : i32
    %rem3A_9 = arith.constant 8 : i32
    %rem3A_10 = arith.remsi %mul3A_8, %rem3A_9 : i32
    %mul3A_11 = arith.constant 4 : i32
    %mul3A_12 = arith.muli %add3A, %mul3A_11 : i32
    %sub3A = arith.subi %mul3A_12, %rem3A_6 : i32
    %multiple_of3A_13 = tpu.assume_multiple %sub3A, 8 : i32
    %mul3A_14 = arith.constant 20 : i32
    %mul3A_15 = arith.muli %add3A, %mul3A_14 : i32
    %sub3A_16 = arith.subi %mul3A_15, %rem3A_10 : i32
    %multiple_of3A_17 = tpu.assume_multiple %sub3A_16, 8 : i32
    %run_scoped3A = arith.constant 0 : i32
    %run_scoped3A_18 = arith.constant 0 : i32
    "tpu.region"() ({
      %run_scoped3A_110 = tpu.sem_alloc : memref<!tpu.dma_semaphore, #tpu.memory_space<semaphore_mem>>
      %dma_start3A_111 = arith.constant 0 : i32
      %dma_start3A_112 = arith.constant 0 : i32
      %dma_start3A_113 = tpu.memref_slice %arg8[%run_scoped3A_18, %dma_start3A_111, %dma_start3A_112] : memref<2x8x128xi32, #tpu.memory_space<vmem>> -> memref<1x8x128xi32, #tpu.memory_space<vmem>>
      %dma_start3A_114 = tpu.memref_squeeze %dma_start3A_113 : memref<1x8x128xi32, #tpu.memory_space<vmem>> -> memref<8x128xi32, #tpu.memory_space<vmem>>
      %dma_start3A_115 = arith.constant 0 : i32
      %dma_start3A_116 = tpu.memref_slice %arg4[%run_scoped3A, %multiple_of3A_13, %dma_start3A_115] : memref<2x128x128xi32, #tpu.memory_space<hbm>> -> memref<1x8x128xi32, #tpu.memory_space<hbm>>
      %dma_start3A_117 = tpu.memref_squeeze %dma_start3A_116 : memref<1x8x128xi32, #tpu.memory_space<hbm>> -> memref<8x128xi32, #tpu.memory_space<hbm>>
      %dma_start3A_118 = arith.constant 0 : i32
      %dma_start3A_119 = arith.constant 0 : i32
      %dma_start3A_120 = tpu.memref_slice %arg8[%run_scoped3A_18, %dma_start3A_118, %dma_start3A_119] : memref<2x8x128xi32, #tpu.memory_space<vmem>> -> memref<1x8x128xi32, #tpu.memory_space<vmem>>
      %dma_start3A_121 = tpu.memref_squeeze %dma_start3A_120 : memref<1x8x128xi32, #tpu.memory_space<vmem>> -> memref<8x128xi32, #tpu.memory_space<vmem>>
      %dma_start3A_122 = arith.constant 0 : i32
      %dma_start3A_123 = tpu.memref_slice %arg4[%run_scoped3A, %multiple_of3A_13, %dma_start3A_122] : memref<2x128x128xi32, #tpu.memory_space<hbm>> -> memref<1x8x128xi32, #tpu.memory_space<hbm>>
      %dma_start3A_124 = tpu.memref_squeeze %dma_start3A_123 : memref<1x8x128xi32, #tpu.memory_space<hbm>> -> memref<8x128xi32, #tpu.memory_space<hbm>>
      tpu.enqueue_dma source(%dma_start3A_124 : memref<8x128xi32, #tpu.memory_space<hbm>>) target(%dma_start3A_121 : memref<8x128xi32, #tpu.memory_space<vmem>>) target_semaphore(%run_scoped3A_110 : memref<!tpu.dma_semaphore, #tpu.memory_space<semaphore_mem>>)
      %dma_wait3A_125 = arith.constant 0 : i32
      %dma_wait3A_126 = arith.constant 0 : i32
      %dma_wait3A_127 = tpu.memref_slice %arg8[%run_scoped3A_18, %dma_wait3A_125, %dma_wait3A_126] : memref<2x8x128xi32, #tpu.memory_space<vmem>> -> memref<1x8x128xi32, #tpu.memory_space<vmem>>
      %dma_wait3A_128 = tpu.memref_squeeze %dma_wait3A_127 : memref<1x8x128xi32, #tpu.memory_space<vmem>> -> memref<8x128xi32, #tpu.memory_space<vmem>>
      %dma_wait3A_129 = arith.constant 0 : i32
      %dma_wait3A_130 = tpu.memref_slice %arg4[%run_scoped3A, %multiple_of3A_13, %dma_wait3A_129] : memref<2x128x128xi32, #tpu.memory_space<hbm>> -> memref<1x8x128xi32, #tpu.memory_space<hbm>>
      %dma_wait3A_131 = tpu.memref_squeeze %dma_wait3A_130 : memref<1x8x128xi32, #tpu.memory_space<hbm>> -> memref<8x128xi32, #tpu.memory_space<hbm>>
      %dma_wait3A_132 = arith.constant 0 : i32
      %dma_wait3A_133 = arith.constant 0 : i32
      %dma_wait3A_134 = tpu.memref_slice %arg8[%run_scoped3A_18, %dma_wait3A_132, %dma_wait3A_133] : memref<2x8x128xi32, #tpu.memory_space<vmem>> -> memref<1x8x128xi32, #tpu.memory_space<vmem>>
      %dma_wait3A_135 = tpu.memref_squeeze %dma_wait3A_134 : memref<1x8x128xi32, #tpu.memory_space<vmem>> -> memref<8x128xi32, #tpu.memory_space<vmem>>
      %dma_wait3A_136 = arith.constant 0 : i32
      %dma_wait3A_137 = tpu.memref_slice %arg4[%run_scoped3A, %multiple_of3A_13, %dma_wait3A_136] : memref<2x128x128xi32, #tpu.memory_space<hbm>> -> memref<1x8x128xi32, #tpu.memory_space<hbm>>
      %dma_wait3A_138 = tpu.memref_squeeze %dma_wait3A_137 : memref<1x8x128xi32, #tpu.memory_space<hbm>> -> memref<8x128xi32, #tpu.memory_space<hbm>>
      tpu.wait_dma2 semaphore(%run_scoped3A_110 : memref<!tpu.dma_semaphore, #tpu.memory_space<semaphore_mem>>) src(%dma_wait3A_138 : memref<8x128xi32, #tpu.memory_space<hbm>>) dst(%dma_wait3A_135 : memref<8x128xi32, #tpu.memory_space<vmem>>)
      tpu.yield
    }) : () -> ()
    %run_scoped3A_19 = arith.constant 0 : i32
    %run_scoped3A_20 = arith.constant 0 : i32
    "tpu.region"() ({
      %run_scoped3A_110 = tpu.sem_alloc : memref<!tpu.dma_semaphore, #tpu.memory_space<semaphore_mem>>
      %dma_start3A_111 = arith.constant 0 : i32
      %dma_start3A_112 = arith.constant 0 : i32
      %dma_start3A_113 = tpu.memref_slice %arg9[%run_scoped3A_20, %dma_start3A_111, %dma_start3A_112] : memref<2x24x128xi32, #tpu.memory_space<vmem>> -> memref<1x24x128xi32, #tpu.memory_space<vmem>>
      %dma_start3A_114 = tpu.memref_squeeze %dma_start3A_113 : memref<1x24x128xi32, #tpu.memory_space<vmem>> -> memref<24x128xi32, #tpu.memory_space<vmem>>
      %dma_start3A_115 = arith.constant 0 : i32
      %dma_start3A_116 = tpu.memref_slice %arg5[%run_scoped3A_19, %multiple_of3A_17, %dma_start3A_115] : memref<2x640x128xi32, #tpu.memory_space<hbm>> -> memref<1x24x128xi32, #tpu.memory_space<hbm>>
      %dma_start3A_117 = tpu.memref_squeeze %dma_start3A_116 : memref<1x24x128xi32, #tpu.memory_space<hbm>> -> memref<24x128xi32, #tpu.memory_space<hbm>>
      %dma_start3A_118 = arith.constant 0 : i32
      %dma_start3A_119 = arith.constant 0 : i32
      %dma_start3A_120 = tpu.memref_slice %arg9[%run_scoped3A_20, %dma_start3A_118, %dma_start3A_119] : memref<2x24x128xi32, #tpu.memory_space<vmem>> -> memref<1x24x128xi32, #tpu.memory_space<vmem>>
      %dma_start3A_121 = tpu.memref_squeeze %dma_start3A_120 : memref<1x24x128xi32, #tpu.memory_space<vmem>> -> memref<24x128xi32, #tpu.memory_space<vmem>>
      %dma_start3A_122 = arith.constant 0 : i32
      %dma_start3A_123 = tpu.memref_slice %arg5[%run_scoped3A_19, %multiple_of3A_17, %dma_start3A_122] : memref<2x640x128xi32, #tpu.memory_space<hbm>> -> memref<1x24x128xi32, #tpu.memory_space<hbm>>
      %dma_start3A_124 = tpu.memref_squeeze %dma_start3A_123 : memref<1x24x128xi32, #tpu.memory_space<hbm>> -> memref<24x128xi32, #tpu.memory_space<hbm>>
      tpu.enqueue_dma source(%dma_start3A_124 : memref<24x128xi32, #tpu.memory_space<hbm>>) target(%dma_start3A_121 : memref<24x128xi32, #tpu.memory_space<vmem>>) target_semaphore(%run_scoped3A_110 : memref<!tpu.dma_semaphore, #tpu.memory_space<semaphore_mem>>)
      %dma_wait3A_125 = arith.constant 0 : i32
      %dma_wait3A_126 = arith.constant 0 : i32
      %dma_wait3A_127 = tpu.memref_slice %arg9[%run_scoped3A_20, %dma_wait3A_125, %dma_wait3A_126] : memref<2x24x128xi32, #tpu.memory_space<vmem>> -> memref<1x24x128xi32, #tpu.memory_space<vmem>>
      %dma_wait3A_128 = tpu.memref_squeeze %dma_wait3A_127 : memref<1x24x128xi32, #tpu.memory_space<vmem>> -> memref<24x128xi32, #tpu.memory_space<vmem>>
      %dma_wait3A_129 = arith.constant 0 : i32
      %dma_wait3A_130 = tpu.memref_slice %arg5[%run_scoped3A_19, %multiple_of3A_17, %dma_wait3A_129] : memref<2x640x128xi32, #tpu.memory_space<hbm>> -> memref<1x24x128xi32, #tpu.memory_space<hbm>>
      %dma_wait3A_131 = tpu.memref_squeeze %dma_wait3A_130 : memref<1x24x128xi32, #tpu.memory_space<hbm>> -> memref<24x128xi32, #tpu.memory_space<hbm>>
      %dma_wait3A_132 = arith.constant 0 : i32
      %dma_wait3A_133 = arith.constant 0 : i32
      %dma_wait3A_134 = tpu.memref_slice %arg9[%run_scoped3A_20, %dma_wait3A_132, %dma_wait3A_133] : memref<2x24x128xi32, #tpu.memory_space<vmem>> -> memref<1x24x128xi32, #tpu.memory_space<vmem>>
      %dma_wait3A_135 = tpu.memref_squeeze %dma_wait3A_134 : memref<1x24x128xi32, #tpu.memory_space<vmem>> -> memref<24x128xi32, #tpu.memory_space<vmem>>
      %dma_wait3A_136 = arith.constant 0 : i32
      %dma_wait3A_137 = tpu.memref_slice %arg5[%run_scoped3A_19, %multiple_of3A_17, %dma_wait3A_136] : memref<2x640x128xi32, #tpu.memory_space<hbm>> -> memref<1x24x128xi32, #tpu.memory_space<hbm>>
      %dma_wait3A_138 = tpu.memref_squeeze %dma_wait3A_137 : memref<1x24x128xi32, #tpu.memory_space<hbm>> -> memref<24x128xi32, #tpu.memory_space<hbm>>
      tpu.wait_dma2 semaphore(%run_scoped3A_110 : memref<!tpu.dma_semaphore, #tpu.memory_space<semaphore_mem>>) src(%dma_wait3A_138 : memref<24x128xi32, #tpu.memory_space<hbm>>) dst(%dma_wait3A_135 : memref<24x128xi32, #tpu.memory_space<vmem>>)
      tpu.yield
    }) : () -> ()
    %run_scoped3A_21 = arith.constant 1 : i32
    %run_scoped3A_22 = arith.constant 1 : i32
    "tpu.region"() ({
      %run_scoped3A_110 = tpu.sem_alloc : memref<!tpu.dma_semaphore, #tpu.memory_space<semaphore_mem>>
      %dma_start3A_111 = arith.constant 0 : i32
      %dma_start3A_112 = arith.constant 0 : i32
      %dma_start3A_113 = tpu.memref_slice %arg8[%run_scoped3A_22, %dma_start3A_111, %dma_start3A_112] : memref<2x8x128xi32, #tpu.memory_space<vmem>> -> memref<1x8x128xi32, #tpu.memory_space<vmem>>
      %dma_start3A_114 = tpu.memref_squeeze %dma_start3A_113 : memref<1x8x128xi32, #tpu.memory_space<vmem>> -> memref<8x128xi32, #tpu.memory_space<vmem>>
      %dma_start3A_115 = arith.constant 0 : i32
      %dma_start3A_116 = tpu.memref_slice %arg4[%run_scoped3A_21, %multiple_of3A_13, %dma_start3A_115] : memref<2x128x128xi32, #tpu.memory_space<hbm>> -> memref<1x8x128xi32, #tpu.memory_space<hbm>>
      %dma_start3A_117 = tpu.memref_squeeze %dma_start3A_116 : memref<1x8x128xi32, #tpu.memory_space<hbm>> -> memref<8x128xi32, #tpu.memory_space<hbm>>
      %dma_start3A_118 = arith.constant 0 : i32
      %dma_start3A_119 = arith.constant 0 : i32
      %dma_start3A_120 = tpu.memref_slice %arg8[%run_scoped3A_22, %dma_start3A_118, %dma_start3A_119] : memref<2x8x128xi32, #tpu.memory_space<vmem>> -> memref<1x8x128xi32, #tpu.memory_space<vmem>>
      %dma_start3A_121 = tpu.memref_squeeze %dma_start3A_120 : memref<1x8x128xi32, #tpu.memory_space<vmem>> -> memref<8x128xi32, #tpu.memory_space<vmem>>
      %dma_start3A_122 = arith.constant 0 : i32
      %dma_start3A_123 = tpu.memref_slice %arg4[%run_scoped3A_21, %multiple_of3A_13, %dma_start3A_122] : memref<2x128x128xi32, #tpu.memory_space<hbm>> -> memref<1x8x128xi32, #tpu.memory_space<hbm>>
      %dma_start3A_124 = tpu.memref_squeeze %dma_start3A_123 : memref<1x8x128xi32, #tpu.memory_space<hbm>> -> memref<8x128xi32, #tpu.memory_space<hbm>>
      tpu.enqueue_dma source(%dma_start3A_124 : memref<8x128xi32, #tpu.memory_space<hbm>>) target(%dma_start3A_121 : memref<8x128xi32, #tpu.memory_space<vmem>>) target_semaphore(%run_scoped3A_110 : memref<!tpu.dma_semaphore, #tpu.memory_space<semaphore_mem>>)
      %dma_wait3A_125 = arith.constant 0 : i32
      %dma_wait3A_126 = arith.constant 0 : i32
      %dma_wait3A_127 = tpu.memref_slice %arg8[%run_scoped3A_22, %dma_wait3A_125, %dma_wait3A_126] : memref<2x8x128xi32, #tpu.memory_space<vmem>> -> memref<1x8x128xi32, #tpu.memory_space<vmem>>
      %dma_wait3A_128 = tpu.memref_squeeze %dma_wait3A_127 : memref<1x8x128xi32, #tpu.memory_space<vmem>> -> memref<8x128xi32, #tpu.memory_space<vmem>>
      %dma_wait3A_129 = arith.constant 0 : i32
      %dma_wait3A_130 = tpu.memref_slice %arg4[%run_scoped3A_21, %multiple_of3A_13, %dma_wait3A_129] : memref<2x128x128xi32, #tpu.memory_space<hbm>> -> memref<1x8x128xi32, #tpu.memory_space<hbm>>
      %dma_wait3A_131 = tpu.memref_squeeze %dma_wait3A_130 : memref<1x8x128xi32, #tpu.memory_space<hbm>> -> memref<8x128xi32, #tpu.memory_space<hbm>>
      %dma_wait3A_132 = arith.constant 0 : i32
      %dma_wait3A_133 = arith.constant 0 : i32
      %dma_wait3A_134 = tpu.memref_slice %arg8[%run_scoped3A_22, %dma_wait3A_132, %dma_wait3A_133] : memref<2x8x128xi32, #tpu.memory_space<vmem>> -> memref<1x8x128xi32, #tpu.memory_space<vmem>>
      %dma_wait3A_135 = tpu.memref_squeeze %dma_wait3A_134 : memref<1x8x128xi32, #tpu.memory_space<vmem>> -> memref<8x128xi32, #tpu.memory_space<vmem>>
      %dma_wait3A_136 = arith.constant 0 : i32
      %dma_wait3A_137 = tpu.memref_slice %arg4[%run_scoped3A_21, %multiple_of3A_13, %dma_wait3A_136] : memref<2x128x128xi32, #tpu.memory_space<hbm>> -> memref<1x8x128xi32, #tpu.memory_space<hbm>>
      %dma_wait3A_138 = tpu.memref_squeeze %dma_wait3A_137 : memref<1x8x128xi32, #tpu.memory_space<hbm>> -> memref<8x128xi32, #tpu.memory_space<hbm>>
      tpu.wait_dma2 semaphore(%run_scoped3A_110 : memref<!tpu.dma_semaphore, #tpu.memory_space<semaphore_mem>>) src(%dma_wait3A_138 : memref<8x128xi32, #tpu.memory_space<hbm>>) dst(%dma_wait3A_135 : memref<8x128xi32, #tpu.memory_space<vmem>>)
      tpu.yield
    }) : () -> ()
    %run_scoped3A_23 = arith.constant 1 : i32
    %run_scoped3A_24 = arith.constant 1 : i32
    "tpu.region"() ({
      %run_scoped3A_110 = tpu.sem_alloc : memref<!tpu.dma_semaphore, #tpu.memory_space<semaphore_mem>>
      %dma_start3A_111 = arith.constant 0 : i32
      %dma_start3A_112 = arith.constant 0 : i32
      %dma_start3A_113 = tpu.memref_slice %arg9[%run_scoped3A_24, %dma_start3A_111, %dma_start3A_112] : memref<2x24x128xi32, #tpu.memory_space<vmem>> -> memref<1x24x128xi32, #tpu.memory_space<vmem>>
      %dma_start3A_114 = tpu.memref_squeeze %dma_start3A_113 : memref<1x24x128xi32, #tpu.memory_space<vmem>> -> memref<24x128xi32, #tpu.memory_space<vmem>>
      %dma_start3A_115 = arith.constant 0 : i32
      %dma_start3A_116 = tpu.memref_slice %arg5[%run_scoped3A_23, %multiple_of3A_17, %dma_start3A_115] : memref<2x640x128xi32, #tpu.memory_space<hbm>> -> memref<1x24x128xi32, #tpu.memory_space<hbm>>
      %dma_start3A_117 = tpu.memref_squeeze %dma_start3A_116 : memref<1x24x128xi32, #tpu.memory_space<hbm>> -> memref<24x128xi32, #tpu.memory_space<hbm>>
      %dma_start3A_118 = arith.constant 0 : i32
      %dma_start3A_119 = arith.constant 0 : i32
      %dma_start3A_120 = tpu.memref_slice %arg9[%run_scoped3A_24, %dma_start3A_118, %dma_start3A_119] : memref<2x24x128xi32, #tpu.memory_space<vmem>> -> memref<1x24x128xi32, #tpu.memory_space<vmem>>
      %dma_start3A_121 = tpu.memref_squeeze %dma_start3A_120 : memref<1x24x128xi32, #tpu.memory_space<vmem>> -> memref<24x128xi32, #tpu.memory_space<vmem>>
      %dma_start3A_122 = arith.constant 0 : i32
      %dma_start3A_123 = tpu.memref_slice %arg5[%run_scoped3A_23, %multiple_of3A_17, %dma_start3A_122] : memref<2x640x128xi32, #tpu.memory_space<hbm>> -> memref<1x24x128xi32, #tpu.memory_space<hbm>>
      %dma_start3A_124 = tpu.memref_squeeze %dma_start3A_123 : memref<1x24x128xi32, #tpu.memory_space<hbm>> -> memref<24x128xi32, #tpu.memory_space<hbm>>
      tpu.enqueue_dma source(%dma_start3A_124 : memref<24x128xi32, #tpu.memory_space<hbm>>) target(%dma_start3A_121 : memref<24x128xi32, #tpu.memory_space<vmem>>) target_semaphore(%run_scoped3A_110 : memref<!tpu.dma_semaphore, #tpu.memory_space<semaphore_mem>>)
      %dma_wait3A_125 = arith.constant 0 : i32
      %dma_wait3A_126 = arith.constant 0 : i32
      %dma_wait3A_127 = tpu.memref_slice %arg9[%run_scoped3A_24, %dma_wait3A_125, %dma_wait3A_126] : memref<2x24x128xi32, #tpu.memory_space<vmem>> -> memref<1x24x128xi32, #tpu.memory_space<vmem>>
      %dma_wait3A_128 = tpu.memref_squeeze %dma_wait3A_127 : memref<1x24x128xi32, #tpu.memory_space<vmem>> -> memref<24x128xi32, #tpu.memory_space<vmem>>
      %dma_wait3A_129 = arith.constant 0 : i32
      %dma_wait3A_130 = tpu.memref_slice %arg5[%run_scoped3A_23, %multiple_of3A_17, %dma_wait3A_129] : memref<2x640x128xi32, #tpu.memory_space<hbm>> -> memref<1x24x128xi32, #tpu.memory_space<hbm>>
      %dma_wait3A_131 = tpu.memref_squeeze %dma_wait3A_130 : memref<1x24x128xi32, #tpu.memory_space<hbm>> -> memref<24x128xi32, #tpu.memory_space<hbm>>
      %dma_wait3A_132 = arith.constant 0 : i32
      %dma_wait3A_133 = arith.constant 0 : i32
      %dma_wait3A_134 = tpu.memref_slice %arg9[%run_scoped3A_24, %dma_wait3A_132, %dma_wait3A_133] : memref<2x24x128xi32, #tpu.memory_space<vmem>> -> memref<1x24x128xi32, #tpu.memory_space<vmem>>
      %dma_wait3A_135 = tpu.memref_squeeze %dma_wait3A_134 : memref<1x24x128xi32, #tpu.memory_space<vmem>> -> memref<24x128xi32, #tpu.memory_space<vmem>>
      %dma_wait3A_136 = arith.constant 0 : i32
      %dma_wait3A_137 = tpu.memref_slice %arg5[%run_scoped3A_23, %multiple_of3A_17, %dma_wait3A_136] : memref<2x640x128xi32, #tpu.memory_space<hbm>> -> memref<1x24x128xi32, #tpu.memory_space<hbm>>
      %dma_wait3A_138 = tpu.memref_squeeze %dma_wait3A_137 : memref<1x24x128xi32, #tpu.memory_space<hbm>> -> memref<24x128xi32, #tpu.memory_space<hbm>>
      tpu.wait_dma2 semaphore(%run_scoped3A_110 : memref<!tpu.dma_semaphore, #tpu.memory_space<semaphore_mem>>) src(%dma_wait3A_138 : memref<24x128xi32, #tpu.memory_space<hbm>>) dst(%dma_wait3A_135 : memref<24x128xi32, #tpu.memory_space<vmem>>)
      tpu.yield
    }) : () -> ()
    %add3A_25 = arith.constant 0 : i32
    %add3A_26 = arith.addi %rem3A_6, %add3A_25 : i32
    %dma_start3A = arith.constant 0 : i32
    %dma_start3A_27 = arith.constant 0 : i32
    %dma_start3A_28 = tpu.memref_slice %arg8[%dma_start3A, %add3A_26, %dma_start3A_27] : memref<2x8x128xi32, #tpu.memory_space<vmem>> -> memref<1x1x128xi32, #tpu.memory_space<vmem>>
    %dma_start3A_29 = tpu.memref_squeeze %dma_start3A_28 : memref<1x1x128xi32, #tpu.memory_space<vmem>> -> memref<128xi32, #tpu.memory_space<vmem>>
    %dma_start3A_30 = arith.constant 0 : i32
    %dma_start3A_31 = arith.constant 0 : i32
    %dma_start3A_32 = tpu.memref_slice %arg2[%dma_start3A_30, %dma_start3A_31] : memref<100000x128xf32, #tpu.memory_space<hbm>> -> memref<100000x128xf32, #tpu.memory_space<hbm>>
    tpu.enqueue_indirect_dma source(%dma_start3A_32 : memref<100000x128xf32, #tpu.memory_space<hbm>>) target(%arg11 : memref<128x128xf32, #tpu.memory_space<vmem>>) offsets(%dma_start3A_29 : memref<128xi32, #tpu.memory_space<vmem>>) semaphore(%arg17 : memref<!tpu.dma_semaphore, #tpu.memory_space<semaphore_mem>>)
    %add3A_33 = arith.constant 0 : i32
    %add3A_34 = arith.addi %rem3A_6, %add3A_33 : i32
    %dma_start3A_35 = arith.constant 1 : i32
    %dma_start3A_36 = arith.constant 0 : i32
    %dma_start3A_37 = tpu.memref_slice %arg8[%dma_start3A_35, %add3A_34, %dma_start3A_36] : memref<2x8x128xi32, #tpu.memory_space<vmem>> -> memref<1x1x128xi32, #tpu.memory_space<vmem>>
    %dma_start3A_38 = tpu.memref_squeeze %dma_start3A_37 : memref<1x1x128xi32, #tpu.memory_space<vmem>> -> memref<128xi32, #tpu.memory_space<vmem>>
    %dma_start3A_39 = arith.constant 0 : i32
    %dma_start3A_40 = arith.constant 0 : i32
    %dma_start3A_41 = tpu.memref_slice %arg2[%dma_start3A_39, %dma_start3A_40] : memref<100000x128xf32, #tpu.memory_space<hbm>> -> memref<100000x128xf32, #tpu.memory_space<hbm>>
    tpu.enqueue_indirect_dma source(%dma_start3A_41 : memref<100000x128xf32, #tpu.memory_space<hbm>>) target(%arg12 : memref<128x128xf32, #tpu.memory_space<vmem>>) offsets(%dma_start3A_38 : memref<128xi32, #tpu.memory_space<vmem>>) semaphore(%arg17 : memref<!tpu.dma_semaphore, #tpu.memory_space<semaphore_mem>>)
    %scan3A = arith.constant 0 : i32
    %scan3A_42 = arith.constant 0 : i32
    %scan3A_43 = arith.constant 2 : i32
    %scan3A_44 = arith.addi %scan3A_42, %scan3A_43 : i32
    %scan3A_45 = arith.constant 1 : i32
    scf.for %scan3A_110 = %scan3A_42 to %scan3A_44 step %scan3A_45  : i32 {
      %mul3A_111 = arith.constant 2 : i32
      %mul3A_112 = arith.muli %mul3A_111, %scan3A_110 : i32
      %add3A_113 = arith.constant 1 : i32
      %add3A_114 = arith.addi %mul3A_112, %add3A_113 : i32
      %add3A_115 = arith.addi %rem3A_6, %add3A_114 : i32
      %dma_start3A_116 = arith.constant 0 : i32
      %dma_start3A_117 = arith.constant 0 : i32
      %dma_start3A_118 = tpu.memref_slice %arg8[%dma_start3A_116, %add3A_115, %dma_start3A_117] : memref<2x8x128xi32, #tpu.memory_space<vmem>> -> memref<1x1x128xi32, #tpu.memory_space<vmem>>
      %dma_start3A_119 = tpu.memref_squeeze %dma_start3A_118 : memref<1x1x128xi32, #tpu.memory_space<vmem>> -> memref<128xi32, #tpu.memory_space<vmem>>
      %dma_start3A_120 = arith.constant 0 : i32
      %dma_start3A_121 = arith.constant 0 : i32
      %dma_start3A_122 = tpu.memref_slice %arg2[%dma_start3A_120, %dma_start3A_121] : memref<100000x128xf32, #tpu.memory_space<hbm>> -> memref<100000x128xf32, #tpu.memory_space<hbm>>
      tpu.enqueue_indirect_dma source(%dma_start3A_122 : memref<100000x128xf32, #tpu.memory_space<hbm>>) target(%arg13 : memref<128x128xf32, #tpu.memory_space<vmem>>) offsets(%dma_start3A_119 : memref<128xi32, #tpu.memory_space<vmem>>) semaphore(%arg18 : memref<!tpu.dma_semaphore, #tpu.memory_space<semaphore_mem>>)
      %add3A_123 = arith.addi %rem3A_6, %add3A_114 : i32
      %dma_start3A_124 = arith.constant 1 : i32
      %dma_start3A_125 = arith.constant 0 : i32
      %dma_start3A_126 = tpu.memref_slice %arg8[%dma_start3A_124, %add3A_123, %dma_start3A_125] : memref<2x8x128xi32, #tpu.memory_space<vmem>> -> memref<1x1x128xi32, #tpu.memory_space<vmem>>
      %dma_start3A_127 = tpu.memref_squeeze %dma_start3A_126 : memref<1x1x128xi32, #tpu.memory_space<vmem>> -> memref<128xi32, #tpu.memory_space<vmem>>
      %dma_start3A_128 = arith.constant 0 : i32
      %dma_start3A_129 = arith.constant 0 : i32
      %dma_start3A_130 = tpu.memref_slice %arg2[%dma_start3A_128, %dma_start3A_129] : memref<100000x128xf32, #tpu.memory_space<hbm>> -> memref<100000x128xf32, #tpu.memory_space<hbm>>
      tpu.enqueue_indirect_dma source(%dma_start3A_130 : memref<100000x128xf32, #tpu.memory_space<hbm>>) target(%arg14 : memref<128x128xf32, #tpu.memory_space<vmem>>) offsets(%dma_start3A_127 : memref<128xi32, #tpu.memory_space<vmem>>) semaphore(%arg18 : memref<!tpu.dma_semaphore, #tpu.memory_space<semaphore_mem>>)
      %add3A_131 = arith.constant 0 : i32
      %add3A_132 = arith.addi %rem3A_6, %add3A_131 : i32
      %dma_wait3A_133 = arith.constant 0 : i32
      %dma_wait3A_134 = arith.constant 0 : i32
      %dma_wait3A_135 = tpu.memref_slice %arg8[%dma_wait3A_133, %add3A_132, %dma_wait3A_134] : memref<2x8x128xi32, #tpu.memory_space<vmem>> -> memref<1x1x128xi32, #tpu.memory_space<vmem>>
      %dma_wait3A_136 = tpu.memref_squeeze %dma_wait3A_135 : memref<1x1x128xi32, #tpu.memory_space<vmem>> -> memref<128xi32, #tpu.memory_space<vmem>>
      %dma_wait3A_137 = arith.constant 0 : i32
      %dma_wait3A_138 = arith.constant 0 : i32
      %dma_wait3A_139 = tpu.memref_slice %arg2[%dma_wait3A_137, %dma_wait3A_138] : memref<100000x128xf32, #tpu.memory_space<hbm>> -> memref<100000x128xf32, #tpu.memory_space<hbm>>
      tpu.wait_indirect_dma semaphore(%arg17 : memref<!tpu.dma_semaphore, #tpu.memory_space<semaphore_mem>>) src(%dma_wait3A_139 : memref<100000x128xf32, #tpu.memory_space<hbm>>) dst(%arg11 : memref<128x128xf32, #tpu.memory_space<vmem>>)
      %add3A_140 = arith.constant 0 : i32
      %add3A_141 = arith.addi %rem3A_6, %add3A_140 : i32
      %dma_wait3A_142 = arith.constant 1 : i32
      %dma_wait3A_143 = arith.constant 0 : i32
      %dma_wait3A_144 = tpu.memref_slice %arg8[%dma_wait3A_142, %add3A_141, %dma_wait3A_143] : memref<2x8x128xi32, #tpu.memory_space<vmem>> -> memref<1x1x128xi32, #tpu.memory_space<vmem>>
      %dma_wait3A_145 = tpu.memref_squeeze %dma_wait3A_144 : memref<1x1x128xi32, #tpu.memory_space<vmem>> -> memref<128xi32, #tpu.memory_space<vmem>>
      %dma_wait3A_146 = arith.constant 0 : i32
      %dma_wait3A_147 = arith.constant 0 : i32
      %dma_wait3A_148 = tpu.memref_slice %arg2[%dma_wait3A_146, %dma_wait3A_147] : memref<100000x128xf32, #tpu.memory_space<hbm>> -> memref<100000x128xf32, #tpu.memory_space<hbm>>
      tpu.wait_indirect_dma semaphore(%arg17 : memref<!tpu.dma_semaphore, #tpu.memory_space<semaphore_mem>>) src(%dma_wait3A_148 : memref<100000x128xf32, #tpu.memory_space<hbm>>) dst(%arg12 : memref<128x128xf32, #tpu.memory_space<vmem>>)
      %scan3A_149 = arith.constant 0 : i32
      %scan3A_150 = arith.constant 0 : i32
      %scan3A_151 = arith.constant 8 : i32
      %scan3A_152 = arith.addi %scan3A_150, %scan3A_151 : i32
      %scan3A_153 = arith.constant 1 : i32
      scf.for %scan3A_200 = %scan3A_150 to %scan3A_152 step %scan3A_153  : i32 {
        %mul3A_201 = arith.constant 16 : i32
        %mul3A_202 = arith.muli %scan3A_200, %mul3A_201 : i32
        %add3A_203 = vector.broadcast %mul3A_202 : i32 to vector<16xi32>
        %add3A_204 = arith.addi %add3A_203, %iota3A : vector<16xi32>
        %mul3A_205 = arith.constant 128 : i32
        %mul3A_206 = arith.muli %mul3A_112, %mul3A_205 : i32
        %add3A_207 = vector.broadcast %mul3A_206 : i32 to vector<16xi32>
        %add3A_208 = arith.addi %add3A_207, %add3A_204 : vector<16xi32>
        %shift_right_logical3A = arith.constant 1 : i32
        %shift_right_logical3A_209 = vector.broadcast %shift_right_logical3A : i32 to vector<16xi32>
        %shift_right_logical3A_210 = arith.shrui %add3A_208, %shift_right_logical3A_209 : vector<16xi32>
        %and3A = arith.constant 1 : i32
        %and3A_211 = vector.broadcast %and3A : i32 to vector<16xi32>
        %and3A_212 = arith.andi %add3A_208, %and3A_211 : vector<16xi32>
        %mul3A_213 = arith.constant 64 : i32
        %mul3A_214 = vector.broadcast %mul3A_213 : i32 to vector<16xi32>
        %mul3A_215 = arith.muli %and3A_212, %mul3A_214 : vector<16xi32>
        %scan3A_216 = arith.constant 0 : i32
        %scan3A_217 = arith.constant 16 : i32
        %scan3A_218 = arith.addi %scan3A_216, %scan3A_217 : i32
        %scan3A_219 = arith.constant 1 : i32
        %scan3A_220 = scf.for %scan3A_228 = %scan3A_216 to %scan3A_218 step %scan3A_219 iter_args(%scan3A_229 = %broadcast_in_dim3A_1) -> (vector<16xf32>)  : i32 {
          %mul3A_230 = arith.constant 4 : i32
          %mul3A_231 = arith.muli %scan3A_228, %mul3A_230 : i32
          %add3A_232 = arith.constant 0 : i32
          %add3A_233 = arith.addi %mul3A_231, %add3A_232 : i32
          %add3A_234 = vector.broadcast %add3A_233 : i32 to vector<16xi32>
          %add3A_235 = arith.addi %iota3A, %add3A_234 : vector<16xi32>
          %and3A_236 = arith.constant 63 : i32
          %and3A_237 = vector.broadcast %and3A_236 : i32 to vector<16xi32>
          %and3A_238 = arith.andi %add3A_235, %and3A_237 : vector<16xi32>
          %add3A_239 = arith.addi %mul3A_215, %and3A_238 : vector<16xi32>
          %gather3A = tpu.vector_load_idx %arg10[%shift_right_logical3A_210, %add3A_239] : memref<256x128xf32, #tpu.memory_space<vmem>>[vector<16xi32>, vector<16xi32>], vector<16xf32>,
          %gather3A_240 = tpu.vector_load_idx %arg11[%add3A_204, %and3A_238] : memref<128x128xf32, #tpu.memory_space<vmem>>[vector<16xi32>, vector<16xi32>], vector<16xf32>,
          %add3A_241 = arith.constant 64 : i32
          %add3A_242 = vector.broadcast %add3A_241 : i32 to vector<16xi32>
          %add3A_243 = arith.addi %and3A_238, %add3A_242 : vector<16xi32>
          %gather3A_244 = tpu.vector_load_idx %arg12[%add3A_204, %add3A_243] : memref<128x128xf32, #tpu.memory_space<vmem>>[vector<16xi32>, vector<16xi32>], vector<16xf32>,
          %add3A_245 = arith.addf %gather3A_240, %gather3A_244 : vector<16xf32>
          %mul3A_246 = arith.mulf %gather3A, %add3A_245 : vector<16xf32>
          %add3A_247 = arith.addf %scan3A_229, %mul3A_246 : vector<16xf32>
          %mul3A_248 = arith.constant 4 : i32
          %mul3A_249 = arith.muli %scan3A_228, %mul3A_248 : i32
          %add3A_250 = arith.constant 1 : i32
          %add3A_251 = arith.addi %mul3A_249, %add3A_250 : i32
          %add3A_252 = vector.broadcast %add3A_251 : i32 to vector<16xi32>
          %add3A_253 = arith.addi %iota3A, %add3A_252 : vector<16xi32>
          %and3A_254 = arith.constant 63 : i32
          %and3A_255 = vector.broadcast %and3A_254 : i32 to vector<16xi32>
          %and3A_256 = arith.andi %add3A_253, %and3A_255 : vector<16xi32>
          %add3A_257 = arith.addi %mul3A_215, %and3A_256 : vector<16xi32>
          %gather3A_258 = tpu.vector_load_idx %arg10[%shift_right_logical3A_210, %add3A_257] : memref<256x128xf32, #tpu.memory_space<vmem>>[vector<16xi32>, vector<16xi32>], vector<16xf32>,
          %gather3A_259 = tpu.vector_load_idx %arg11[%add3A_204, %and3A_256] : memref<128x128xf32, #tpu.memory_space<vmem>>[vector<16xi32>, vector<16xi32>], vector<16xf32>,
          %add3A_260 = arith.constant 64 : i32
          %add3A_261 = vector.broadcast %add3A_260 : i32 to vector<16xi32>
          %add3A_262 = arith.addi %and3A_256, %add3A_261 : vector<16xi32>
          %gather3A_263 = tpu.vector_load_idx %arg12[%add3A_204, %add3A_262] : memref<128x128xf32, #tpu.memory_space<vmem>>[vector<16xi32>, vector<16xi32>], vector<16xf32>,
          %add3A_264 = arith.addf %gather3A_259, %gather3A_263 : vector<16xf32>
          %mul3A_265 = arith.mulf %gather3A_258, %add3A_264 : vector<16xf32>
          %add3A_266 = arith.addf %add3A_247, %mul3A_265 : vector<16xf32>
          %mul3A_267 = arith.constant 4 : i32
          %mul3A_268 = arith.muli %scan3A_228, %mul3A_267 : i32
          %add3A_269 = arith.constant 2 : i32
          %add3A_270 = arith.addi %mul3A_268, %add3A_269 : i32
          %add3A_271 = vector.broadcast %add3A_270 : i32 to vector<16xi32>
          %add3A_272 = arith.addi %iota3A, %add3A_271 : vector<16xi32>
          %and3A_273 = arith.constant 63 : i32
          %and3A_274 = vector.broadcast %and3A_273 : i32 to vector<16xi32>
          %and3A_275 = arith.andi %add3A_272, %and3A_274 : vector<16xi32>
          %add3A_276 = arith.addi %mul3A_215, %and3A_275 : vector<16xi32>
          %gather3A_277 = tpu.vector_load_idx %arg10[%shift_right_logical3A_210, %add3A_276] : memref<256x128xf32, #tpu.memory_space<vmem>>[vector<16xi32>, vector<16xi32>], vector<16xf32>,
          %gather3A_278 = tpu.vector_load_idx %arg11[%add3A_204, %and3A_275] : memref<128x128xf32, #tpu.memory_space<vmem>>[vector<16xi32>, vector<16xi32>], vector<16xf32>,
          %add3A_279 = arith.constant 64 : i32
          %add3A_280 = vector.broadcast %add3A_279 : i32 to vector<16xi32>
          %add3A_281 = arith.addi %and3A_275, %add3A_280 : vector<16xi32>
          %gather3A_282 = tpu.vector_load_idx %arg12[%add3A_204, %add3A_281] : memref<128x128xf32, #tpu.memory_space<vmem>>[vector<16xi32>, vector<16xi32>], vector<16xf32>,
          %add3A_283 = arith.addf %gather3A_278, %gather3A_282 : vector<16xf32>
          %mul3A_284 = arith.mulf %gather3A_277, %add3A_283 : vector<16xf32>
          %add3A_285 = arith.addf %add3A_266, %mul3A_284 : vector<16xf32>
          %mul3A_286 = arith.constant 4 : i32
          %mul3A_287 = arith.muli %scan3A_228, %mul3A_286 : i32
          %add3A_288 = arith.constant 3 : i32
          %add3A_289 = arith.addi %mul3A_287, %add3A_288 : i32
          %add3A_290 = vector.broadcast %add3A_289 : i32 to vector<16xi32>
          %add3A_291 = arith.addi %iota3A, %add3A_290 : vector<16xi32>
          %and3A_292 = arith.constant 63 : i32
          %and3A_293 = vector.broadcast %and3A_292 : i32 to vector<16xi32>
          %and3A_294 = arith.andi %add3A_291, %and3A_293 : vector<16xi32>
          %add3A_295 = arith.addi %mul3A_215, %and3A_294 : vector<16xi32>
          %gather3A_296 = tpu.vector_load_idx %arg10[%shift_right_logical3A_210, %add3A_295] : memref<256x128xf32, #tpu.memory_space<vmem>>[vector<16xi32>, vector<16xi32>], vector<16xf32>,
          %gather3A_297 = tpu.vector_load_idx %arg11[%add3A_204, %and3A_294] : memref<128x128xf32, #tpu.memory_space<vmem>>[vector<16xi32>, vector<16xi32>], vector<16xf32>,
          %add3A_298 = arith.constant 64 : i32
          %add3A_299 = vector.broadcast %add3A_298 : i32 to vector<16xi32>
          %add3A_300 = arith.addi %and3A_294, %add3A_299 : vector<16xi32>
          %gather3A_301 = tpu.vector_load_idx %arg12[%add3A_204, %add3A_300] : memref<128x128xf32, #tpu.memory_space<vmem>>[vector<16xi32>, vector<16xi32>], vector<16xf32>,
          %add3A_302 = arith.addf %gather3A_297, %gather3A_301 : vector<16xf32>
          %mul3A_303 = arith.mulf %gather3A_296, %add3A_302 : vector<16xf32>
          %add3A_304 = arith.addf %add3A_285, %mul3A_303 : vector<16xf32>
          scf.yield %add3A_304 : vector<16xf32>
        }
        %scan3A_221 = arith.constant 16 : i32
        %mul3A_222 = arith.constant 128 : i32
        %mul3A_223 = arith.muli %mul3A_112, %mul3A_222 : i32
        %mul3A_224 = arith.constant 16 : i32
        %mul3A_225 = arith.muli %scan3A_200, %mul3A_224 : i32
        %add3A_226 = arith.addi %mul3A_223, %mul3A_225 : i32
        %swap3A = arith.index_cast %add3A_226 : i32 to index
        %swap3A_227 = tpu.vector_load %arg15[%swap3A] {strides = array<i32>} : memref<512xf32, #tpu.memory_space<vmem>>, vector<16xf32>,
        tpu.vector_store %arg15[%swap3A], %scan3A_220 {strides = array<i32>} : memref<512xf32, #tpu.memory_space<vmem>>, vector<16xf32>,
      }
      %scan3A_154 = arith.constant 8 : i32
      %add3A_155 = arith.constant 2 : i32
      %add3A_156 = arith.addi %mul3A_112, %add3A_155 : i32
      %min3A = arith.constant 3 : i32
      %min3A_157 = arith.minsi %add3A_156, %min3A : i32
      %add3A_158 = arith.addi %rem3A_6, %min3A_157 : i32
      %dma_start3A_159 = arith.constant 0 : i32
      %dma_start3A_160 = arith.constant 0 : i32
      %dma_start3A_161 = tpu.memref_slice %arg8[%dma_start3A_159, %add3A_158, %dma_start3A_160] : memref<2x8x128xi32, #tpu.memory_space<vmem>> -> memref<1x1x128xi32, #tpu.memory_space<vmem>>
      %dma_start3A_162 = tpu.memref_squeeze %dma_start3A_161 : memref<1x1x128xi32, #tpu.memory_space<vmem>> -> memref<128xi32, #tpu.memory_space<vmem>>
      %dma_start3A_163 = arith.constant 0 : i32
      %dma_start3A_164 = arith.constant 0 : i32
      %dma_start3A_165 = tpu.memref_slice %arg2[%dma_start3A_163, %dma_start3A_164] : memref<100000x128xf32, #tpu.memory_space<hbm>> -> memref<100000x128xf32, #tpu.memory_space<hbm>>
      tpu.enqueue_indirect_dma source(%dma_start3A_165 : memref<100000x128xf32, #tpu.memory_space<hbm>>) target(%arg11 : memref<128x128xf32, #tpu.memory_space<vmem>>) offsets(%dma_start3A_162 : memref<128xi32, #tpu.memory_space<vmem>>) semaphore(%arg17 : memref<!tpu.dma_semaphore, #tpu.memory_space<semaphore_mem>>)
      %add3A_166 = arith.addi %rem3A_6, %min3A_157 : i32
      %dma_start3A_167 = arith.constant 1 : i32
      %dma_start3A_168 = arith.constant 0 : i32
      %dma_start3A_169 = tpu.memref_slice %arg8[%dma_start3A_167, %add3A_166, %dma_start3A_168] : memref<2x8x128xi32, #tpu.memory_space<vmem>> -> memref<1x1x128xi32, #tpu.memory_space<vmem>>
      %dma_start3A_170 = tpu.memref_squeeze %dma_start3A_169 : memref<1x1x128xi32, #tpu.memory_space<vmem>> -> memref<128xi32, #tpu.memory_space<vmem>>
      %dma_start3A_171 = arith.constant 0 : i32
      %dma_start3A_172 = arith.constant 0 : i32
      %dma_start3A_173 = tpu.memref_slice %arg2[%dma_start3A_171, %dma_start3A_172] : memref<100000x128xf32, #tpu.memory_space<hbm>> -> memref<100000x128xf32, #tpu.memory_space<hbm>>
      tpu.enqueue_indirect_dma source(%dma_start3A_173 : memref<100000x128xf32, #tpu.memory_space<hbm>>) target(%arg12 : memref<128x128xf32, #tpu.memory_space<vmem>>) offsets(%dma_start3A_170 : memref<128xi32, #tpu.memory_space<vmem>>) semaphore(%arg17 : memref<!tpu.dma_semaphore, #tpu.memory_space<semaphore_mem>>)
      %add3A_174 = arith.constant 0 : i32
      %add3A_175 = arith.addi %rem3A_6, %add3A_174 : i32
      %dma_wait3A_176 = arith.constant 0 : i32
      %dma_wait3A_177 = arith.constant 0 : i32
      %dma_wait3A_178 = tpu.memref_slice %arg8[%dma_wait3A_176, %add3A_175, %dma_wait3A_177] : memref<2x8x128xi32, #tpu.memory_space<vmem>> -> memref<1x1x128xi32, #tpu.memory_space<vmem>>
      %dma_wait3A_179 = tpu.memref_squeeze %dma_wait3A_178 : memref<1x1x128xi32, #tpu.memory_space<vmem>> -> memref<128xi32, #tpu.memory_space<vmem>>
      %dma_wait3A_180 = arith.constant 0 : i32
      %dma_wait3A_181 = arith.constant 0 : i32
      %dma_wait3A_182 = tpu.memref_slice %arg2[%dma_wait3A_180, %dma_wait3A_181] : memref<100000x128xf32, #tpu.memory_space<hbm>> -> memref<100000x128xf32, #tpu.memory_space<hbm>>
      tpu.wait_indirect_dma semaphore(%arg18 : memref<!tpu.dma_semaphore, #tpu.memory_space<semaphore_mem>>) src(%dma_wait3A_182 : memref<100000x128xf32, #tpu.memory_space<hbm>>) dst(%arg13 : memref<128x128xf32, #tpu.memory_space<vmem>>)
      %add3A_183 = arith.constant 0 : i32
      %add3A_184 = arith.addi %rem3A_6, %add3A_183 : i32
      %dma_wait3A_185 = arith.constant 1 : i32
      %dma_wait3A_186 = arith.constant 0 : i32
      %dma_wait3A_187 = tpu.memref_slice %arg8[%dma_wait3A_185, %add3A_184, %dma_wait3A_186] : memref<2x8x128xi32, #tpu.memory_space<vmem>> -> memref<1x1x128xi32, #tpu.memory_space<vmem>>
      %dma_wait3A_188 = tpu.memref_squeeze %dma_wait3A_187 : memref<1x1x128xi32, #tpu.memory_space<vmem>> -> memref<128xi32, #tpu.memory_space<vmem>>
      %dma_wait3A_189 = arith.constant 0 : i32
      %dma_wait3A_190 = arith.constant 0 : i32
      %dma_wait3A_191 = tpu.memref_slice %arg2[%dma_wait3A_189, %dma_wait3A_190] : memref<100000x128xf32, #tpu.memory_space<hbm>> -> memref<100000x128xf32, #tpu.memory_space<hbm>>
      tpu.wait_indirect_dma semaphore(%arg18 : memref<!tpu.dma_semaphore, #tpu.memory_space<semaphore_mem>>) src(%dma_wait3A_191 : memref<100000x128xf32, #tpu.memory_space<hbm>>) dst(%arg14 : memref<128x128xf32, #tpu.memory_space<vmem>>)
      %add3A_192 = arith.constant 1 : i32
      %add3A_193 = arith.addi %mul3A_112, %add3A_192 : i32
      %scan3A_194 = arith.constant 0 : i32
      %scan3A_195 = arith.constant 0 : i32
      %scan3A_196 = arith.constant 8 : i32
      %scan3A_197 = arith.addi %scan3A_195, %scan3A_196 : i32
      %scan3A_198 = arith.constant 1 : i32
      scf.for %scan3A_200 = %scan3A_195 to %scan3A_197 step %scan3A_198  : i32 {
        %mul3A_201 = arith.constant 16 : i32
        %mul3A_202 = arith.muli %scan3A_200, %mul3A_201 : i32
        %add3A_203 = vector.broadcast %mul3A_202 : i32 to vector<16xi32>
        %add3A_204 = arith.addi %add3A_203, %iota3A : vector<16xi32>
        %mul3A_205 = arith.constant 128 : i32
        %mul3A_206 = arith.muli %add3A_193, %mul3A_205 : i32
        %add3A_207 = vector.broadcast %mul3A_206 : i32 to vector<16xi32>
        %add3A_208 = arith.addi %add3A_207, %add3A_204 : vector<16xi32>
        %shift_right_logical3A = arith.constant 1 : i32
        %shift_right_logical3A_209 = vector.broadcast %shift_right_logical3A : i32 to vector<16xi32>
        %shift_right_logical3A_210 = arith.shrui %add3A_208, %shift_right_logical3A_209 : vector<16xi32>
        %and3A = arith.constant 1 : i32
        %and3A_211 = vector.broadcast %and3A : i32 to vector<16xi32>
        %and3A_212 = arith.andi %add3A_208, %and3A_211 : vector<16xi32>
        %mul3A_213 = arith.constant 64 : i32
        %mul3A_214 = vector.broadcast %mul3A_213 : i32 to vector<16xi32>
        %mul3A_215 = arith.muli %and3A_212, %mul3A_214 : vector<16xi32>
        %scan3A_216 = arith.constant 0 : i32
        %scan3A_217 = arith.constant 16 : i32
        %scan3A_218 = arith.addi %scan3A_216, %scan3A_217 : i32
        %scan3A_219 = arith.constant 1 : i32
        %scan3A_220 = scf.for %scan3A_228 = %scan3A_216 to %scan3A_218 step %scan3A_219 iter_args(%scan3A_229 = %broadcast_in_dim3A_1) -> (vector<16xf32>)  : i32 {
          %mul3A_230 = arith.constant 4 : i32
          %mul3A_231 = arith.muli %scan3A_228, %mul3A_230 : i32
          %add3A_232 = arith.constant 0 : i32
          %add3A_233 = arith.addi %mul3A_231, %add3A_232 : i32
          %add3A_234 = vector.broadcast %add3A_233 : i32 to vector<16xi32>
          %add3A_235 = arith.addi %iota3A, %add3A_234 : vector<16xi32>
          %and3A_236 = arith.constant 63 : i32
          %and3A_237 = vector.broadcast %and3A_236 : i32 to vector<16xi32>
          %and3A_238 = arith.andi %add3A_235, %and3A_237 : vector<16xi32>
          %add3A_239 = arith.addi %mul3A_215, %and3A_238 : vector<16xi32>
          %gather3A = tpu.vector_load_idx %arg10[%shift_right_logical3A_210, %add3A_239] : memref<256x128xf32, #tpu.memory_space<vmem>>[vector<16xi32>, vector<16xi32>], vector<16xf32>,
          %gather3A_240 = tpu.vector_load_idx %arg13[%add3A_204, %and3A_238] : memref<128x128xf32, #tpu.memory_space<vmem>>[vector<16xi32>, vector<16xi32>], vector<16xf32>,
          %add3A_241 = arith.constant 64 : i32
          %add3A_242 = vector.broadcast %add3A_241 : i32 to vector<16xi32>
          %add3A_243 = arith.addi %and3A_238, %add3A_242 : vector<16xi32>
          %gather3A_244 = tpu.vector_load_idx %arg14[%add3A_204, %add3A_243] : memref<128x128xf32, #tpu.memory_space<vmem>>[vector<16xi32>, vector<16xi32>], vector<16xf32>,
          %add3A_245 = arith.addf %gather3A_240, %gather3A_244 : vector<16xf32>
          %mul3A_246 = arith.mulf %gather3A, %add3A_245 : vector<16xf32>
          %add3A_247 = arith.addf %scan3A_229, %mul3A_246 : vector<16xf32>
          %mul3A_248 = arith.constant 4 : i32
          %mul3A_249 = arith.muli %scan3A_228, %mul3A_248 : i32
          %add3A_250 = arith.constant 1 : i32
          %add3A_251 = arith.addi %mul3A_249, %add3A_250 : i32
          %add3A_252 = vector.broadcast %add3A_251 : i32 to vector<16xi32>
          %add3A_253 = arith.addi %iota3A, %add3A_252 : vector<16xi32>
          %and3A_254 = arith.constant 63 : i32
          %and3A_255 = vector.broadcast %and3A_254 : i32 to vector<16xi32>
          %and3A_256 = arith.andi %add3A_253, %and3A_255 : vector<16xi32>
          %add3A_257 = arith.addi %mul3A_215, %and3A_256 : vector<16xi32>
          %gather3A_258 = tpu.vector_load_idx %arg10[%shift_right_logical3A_210, %add3A_257] : memref<256x128xf32, #tpu.memory_space<vmem>>[vector<16xi32>, vector<16xi32>], vector<16xf32>,
          %gather3A_259 = tpu.vector_load_idx %arg13[%add3A_204, %and3A_256] : memref<128x128xf32, #tpu.memory_space<vmem>>[vector<16xi32>, vector<16xi32>], vector<16xf32>,
          %add3A_260 = arith.constant 64 : i32
          %add3A_261 = vector.broadcast %add3A_260 : i32 to vector<16xi32>
          %add3A_262 = arith.addi %and3A_256, %add3A_261 : vector<16xi32>
          %gather3A_263 = tpu.vector_load_idx %arg14[%add3A_204, %add3A_262] : memref<128x128xf32, #tpu.memory_space<vmem>>[vector<16xi32>, vector<16xi32>], vector<16xf32>,
          %add3A_264 = arith.addf %gather3A_259, %gather3A_263 : vector<16xf32>
          %mul3A_265 = arith.mulf %gather3A_258, %add3A_264 : vector<16xf32>
          %add3A_266 = arith.addf %add3A_247, %mul3A_265 : vector<16xf32>
          %mul3A_267 = arith.constant 4 : i32
          %mul3A_268 = arith.muli %scan3A_228, %mul3A_267 : i32
          %add3A_269 = arith.constant 2 : i32
          %add3A_270 = arith.addi %mul3A_268, %add3A_269 : i32
          %add3A_271 = vector.broadcast %add3A_270 : i32 to vector<16xi32>
          %add3A_272 = arith.addi %iota3A, %add3A_271 : vector<16xi32>
          %and3A_273 = arith.constant 63 : i32
          %and3A_274 = vector.broadcast %and3A_273 : i32 to vector<16xi32>
          %and3A_275 = arith.andi %add3A_272, %and3A_274 : vector<16xi32>
          %add3A_276 = arith.addi %mul3A_215, %and3A_275 : vector<16xi32>
          %gather3A_277 = tpu.vector_load_idx %arg10[%shift_right_logical3A_210, %add3A_276] : memref<256x128xf32, #tpu.memory_space<vmem>>[vector<16xi32>, vector<16xi32>], vector<16xf32>,
          %gather3A_278 = tpu.vector_load_idx %arg13[%add3A_204, %and3A_275] : memref<128x128xf32, #tpu.memory_space<vmem>>[vector<16xi32>, vector<16xi32>], vector<16xf32>,
          %add3A_279 = arith.constant 64 : i32
          %add3A_280 = vector.broadcast %add3A_279 : i32 to vector<16xi32>
          %add3A_281 = arith.addi %and3A_275, %add3A_280 : vector<16xi32>
          %gather3A_282 = tpu.vector_load_idx %arg14[%add3A_204, %add3A_281] : memref<128x128xf32, #tpu.memory_space<vmem>>[vector<16xi32>, vector<16xi32>], vector<16xf32>,
          %add3A_283 = arith.addf %gather3A_278, %gather3A_282 : vector<16xf32>
          %mul3A_284 = arith.mulf %gather3A_277, %add3A_283 : vector<16xf32>
          %add3A_285 = arith.addf %add3A_266, %mul3A_284 : vector<16xf32>
          %mul3A_286 = arith.constant 4 : i32
          %mul3A_287 = arith.muli %scan3A_228, %mul3A_286 : i32
          %add3A_288 = arith.constant 3 : i32
          %add3A_289 = arith.addi %mul3A_287, %add3A_288 : i32
          %add3A_290 = vector.broadcast %add3A_289 : i32 to vector<16xi32>
          %add3A_291 = arith.addi %iota3A, %add3A_290 : vector<16xi32>
          %and3A_292 = arith.constant 63 : i32
          %and3A_293 = vector.broadcast %and3A_292 : i32 to vector<16xi32>
          %and3A_294 = arith.andi %add3A_291, %and3A_293 : vector<16xi32>
          %add3A_295 = arith.addi %mul3A_215, %and3A_294 : vector<16xi32>
          %gather3A_296 = tpu.vector_load_idx %arg10[%shift_right_logical3A_210, %add3A_295] : memref<256x128xf32, #tpu.memory_space<vmem>>[vector<16xi32>, vector<16xi32>], vector<16xf32>,
          %gather3A_297 = tpu.vector_load_idx %arg13[%add3A_204, %and3A_294] : memref<128x128xf32, #tpu.memory_space<vmem>>[vector<16xi32>, vector<16xi32>], vector<16xf32>,
          %add3A_298 = arith.constant 64 : i32
          %add3A_299 = vector.broadcast %add3A_298 : i32 to vector<16xi32>
          %add3A_300 = arith.addi %and3A_294, %add3A_299 : vector<16xi32>
          %gather3A_301 = tpu.vector_load_idx %arg14[%add3A_204, %add3A_300] : memref<128x128xf32, #tpu.memory_space<vmem>>[vector<16xi32>, vector<16xi32>], vector<16xf32>,
          %add3A_302 = arith.addf %gather3A_297, %gather3A_301 : vector<16xf32>
          %mul3A_303 = arith.mulf %gather3A_296, %add3A_302 : vector<16xf32>
          %add3A_304 = arith.addf %add3A_285, %mul3A_303 : vector<16xf32>
          scf.yield %add3A_304 : vector<16xf32>
        }
        %scan3A_221 = arith.constant 16 : i32
        %mul3A_222 = arith.constant 128 : i32
        %mul3A_223 = arith.muli %add3A_193, %mul3A_222 : i32
        %mul3A_224 = arith.constant 16 : i32
        %mul3A_225 = arith.muli %scan3A_200, %mul3A_224 : i32
        %add3A_226 = arith.addi %mul3A_223, %mul3A_225 : i32
        %swap3A = arith.index_cast %add3A_226 : i32 to index
        %swap3A_227 = tpu.vector_load %arg15[%swap3A] {strides = array<i32>} : memref<512xf32, #tpu.memory_space<vmem>>, vector<16xf32>,
        tpu.vector_store %arg15[%swap3A], %scan3A_220 {strides = array<i32>} : memref<512xf32, #tpu.memory_space<vmem>>, vector<16xf32>,
      }
      %scan3A_199 = arith.constant 8 : i32
    }
    %scan3A_46 = arith.constant 2 : i32
    %add3A_47 = arith.constant 0 : i32
    %add3A_48 = arith.addi %rem3A_6, %add3A_47 : i32
    %dma_wait3A = arith.constant 0 : i32
    %dma_wait3A_49 = arith.constant 0 : i32
    %dma_wait3A_50 = tpu.memref_slice %arg8[%dma_wait3A, %add3A_48, %dma_wait3A_49] : memref<2x8x128xi32, #tpu.memory_space<vmem>> -> memref<1x1x128xi32, #tpu.memory_space<vmem>>
    %dma_wait3A_51 = tpu.memref_squeeze %dma_wait3A_50 : memref<1x1x128xi32, #tpu.memory_space<vmem>> -> memref<128xi32, #tpu.memory_space<vmem>>
    %dma_wait3A_52 = arith.constant 0 : i32
    %dma_wait3A_53 = arith.constant 0 : i32
    %dma_wait3A_54 = tpu.memref_slice %arg2[%dma_wait3A_52, %dma_wait3A_53] : memref<100000x128xf32, #tpu.memory_space<hbm>> -> memref<100000x128xf32, #tpu.memory_space<hbm>>
    tpu.wait_indirect_dma semaphore(%arg17 : memref<!tpu.dma_semaphore, #tpu.memory_space<semaphore_mem>>) src(%dma_wait3A_54 : memref<100000x128xf32, #tpu.memory_space<hbm>>) dst(%arg11 : memref<128x128xf32, #tpu.memory_space<vmem>>)
    %add3A_55 = arith.constant 0 : i32
    %add3A_56 = arith.addi %rem3A_6, %add3A_55 : i32
    %dma_wait3A_57 = arith.constant 1 : i32
    %dma_wait3A_58 = arith.constant 0 : i32
    %dma_wait3A_59 = tpu.memref_slice %arg8[%dma_wait3A_57, %add3A_56, %dma_wait3A_58] : memref<2x8x128xi32, #tpu.memory_space<vmem>> -> memref<1x1x128xi32, #tpu.memory_space<vmem>>
    %dma_wait3A_60 = tpu.memref_squeeze %dma_wait3A_59 : memref<1x1x128xi32, #tpu.memory_space<vmem>> -> memref<128xi32, #tpu.memory_space<vmem>>
    %dma_wait3A_61 = arith.constant 0 : i32
    %dma_wait3A_62 = arith.constant 0 : i32
    %dma_wait3A_63 = tpu.memref_slice %arg2[%dma_wait3A_61, %dma_wait3A_62] : memref<100000x128xf32, #tpu.memory_space<hbm>> -> memref<100000x128xf32, #tpu.memory_space<hbm>>
    tpu.wait_indirect_dma semaphore(%arg17 : memref<!tpu.dma_semaphore, #tpu.memory_space<semaphore_mem>>) src(%dma_wait3A_63 : memref<100000x128xf32, #tpu.memory_space<hbm>>) dst(%arg12 : memref<128x128xf32, #tpu.memory_space<vmem>>)
    %mul3A_64 = arith.constant 512 : i32
    %mul3A_65 = arith.muli %add3A, %mul3A_64 : i32
    "tpu.region"() ({
      %run_scoped3A_110 = tpu.sem_alloc : memref<!tpu.dma_semaphore, #tpu.memory_space<semaphore_mem>>
      %dma_start3A_111 = tpu.memref_slice %arg6[%mul3A_65] : memref<16384xf32, #tpu.memory_space<hbm>> -> memref<512xf32, #tpu.memory_space<hbm>>
      %dma_start3A_112 = tpu.memref_slice %arg6[%mul3A_65] : memref<16384xf32, #tpu.memory_space<hbm>> -> memref<512xf32, #tpu.memory_space<hbm>>
      tpu.enqueue_dma source(%arg15 : memref<512xf32, #tpu.memory_space<vmem>>) target(%dma_start3A_112 : memref<512xf32, #tpu.memory_space<hbm>>) target_semaphore(%run_scoped3A_110 : memref<!tpu.dma_semaphore, #tpu.memory_space<semaphore_mem>>)
      %dma_wait3A_113 = tpu.memref_slice %arg6[%mul3A_65] : memref<16384xf32, #tpu.memory_space<hbm>> -> memref<512xf32, #tpu.memory_space<hbm>>
      %dma_wait3A_114 = tpu.memref_slice %arg6[%mul3A_65] : memref<16384xf32, #tpu.memory_space<hbm>> -> memref<512xf32, #tpu.memory_space<hbm>>
      tpu.wait_dma2 semaphore(%run_scoped3A_110 : memref<!tpu.dma_semaphore, #tpu.memory_space<semaphore_mem>>) src(%arg15 : memref<512xf32, #tpu.memory_space<vmem>>) dst(%dma_wait3A_114 : memref<512xf32, #tpu.memory_space<hbm>>)
      tpu.yield
    }) : () -> ()
    %add3A_66 = arith.constant 0 : i32
    %add3A_67 = arith.addi %rem3A_10, %add3A_66 : i32
    %dma_start3A_68 = arith.constant 0 : i32
    %dma_start3A_69 = arith.constant 0 : i32
    %dma_start3A_70 = tpu.memref_slice %arg9[%dma_start3A_68, %add3A_67, %dma_start3A_69] : memref<2x24x128xi32, #tpu.memory_space<vmem>> -> memref<1x1x128xi32, #tpu.memory_space<vmem>>
    %dma_start3A_71 = tpu.memref_squeeze %dma_start3A_70 : memref<1x1x128xi32, #tpu.memory_space<vmem>> -> memref<128xi32, #tpu.memory_space<vmem>>
    %dma_start3A_72 = arith.constant 0 : i32
    %dma_start3A_73 = arith.constant 0 : i32
    %dma_start3A_74 = tpu.memref_slice %arg2[%dma_start3A_72, %dma_start3A_73] : memref<100000x128xf32, #tpu.memory_space<hbm>> -> memref<100000x128xf32, #tpu.memory_space<hbm>>
    tpu.enqueue_indirect_dma source(%dma_start3A_74 : memref<100000x128xf32, #tpu.memory_space<hbm>>) target(%arg11 : memref<128x128xf32, #tpu.memory_space<vmem>>) offsets(%dma_start3A_71 : memref<128xi32, #tpu.memory_space<vmem>>) semaphore(%arg17 : memref<!tpu.dma_semaphore, #tpu.memory_space<semaphore_mem>>)
    %add3A_75 = arith.constant 0 : i32
    %add3A_76 = arith.addi %rem3A_10, %add3A_75 : i32
    %dma_start3A_77 = arith.constant 1 : i32
    %dma_start3A_78 = arith.constant 0 : i32
    %dma_start3A_79 = tpu.memref_slice %arg9[%dma_start3A_77, %add3A_76, %dma_start3A_78] : memref<2x24x128xi32, #tpu.memory_space<vmem>> -> memref<1x1x128xi32, #tpu.memory_space<vmem>>
    %dma_start3A_80 = tpu.memref_squeeze %dma_start3A_79 : memref<1x1x128xi32, #tpu.memory_space<vmem>> -> memref<128xi32, #tpu.memory_space<vmem>>
    %dma_start3A_81 = arith.constant 0 : i32
    %dma_start3A_82 = arith.constant 0 : i32
    %dma_start3A_83 = tpu.memref_slice %arg2[%dma_start3A_81, %dma_start3A_82] : memref<100000x128xf32, #tpu.memory_space<hbm>> -> memref<100000x128xf32, #tpu.memory_space<hbm>>
    tpu.enqueue_indirect_dma source(%dma_start3A_83 : memref<100000x128xf32, #tpu.memory_space<hbm>>) target(%arg12 : memref<128x128xf32, #tpu.memory_space<vmem>>) offsets(%dma_start3A_80 : memref<128xi32, #tpu.memory_space<vmem>>) semaphore(%arg17 : memref<!tpu.dma_semaphore, #tpu.memory_space<semaphore_mem>>)
    %scan3A_84 = arith.constant 0 : i32
    %scan3A_85 = arith.constant 0 : i32
    %scan3A_86 = arith.constant 10 : i32
    %scan3A_87 = arith.addi %scan3A_85, %scan3A_86 : i32
    %scan3A_88 = arith.constant 1 : i32
    scf.for %scan3A_110 = %scan3A_85 to %scan3A_87 step %scan3A_88  : i32 {
      %mul3A_111 = arith.constant 2 : i32
      %mul3A_112 = arith.muli %mul3A_111, %scan3A_110 : i32
      %add3A_113 = arith.constant 1 : i32
      %add3A_114 = arith.addi %mul3A_112, %add3A_113 : i32
      %add3A_115 = arith.addi %rem3A_10, %add3A_114 : i32
      %dma_start3A_116 = arith.constant 0 : i32
      %dma_start3A_117 = arith.constant 0 : i32
      %dma_start3A_118 = tpu.memref_slice %arg9[%dma_start3A_116, %add3A_115, %dma_start3A_117] : memref<2x24x128xi32, #tpu.memory_space<vmem>> -> memref<1x1x128xi32, #tpu.memory_space<vmem>>
      %dma_start3A_119 = tpu.memref_squeeze %dma_start3A_118 : memref<1x1x128xi32, #tpu.memory_space<vmem>> -> memref<128xi32, #tpu.memory_space<vmem>>
      %dma_start3A_120 = arith.constant 0 : i32
      %dma_start3A_121 = arith.constant 0 : i32
      %dma_start3A_122 = tpu.memref_slice %arg2[%dma_start3A_120, %dma_start3A_121] : memref<100000x128xf32, #tpu.memory_space<hbm>> -> memref<100000x128xf32, #tpu.memory_space<hbm>>
      tpu.enqueue_indirect_dma source(%dma_start3A_122 : memref<100000x128xf32, #tpu.memory_space<hbm>>) target(%arg13 : memref<128x128xf32, #tpu.memory_space<vmem>>) offsets(%dma_start3A_119 : memref<128xi32, #tpu.memory_space<vmem>>) semaphore(%arg18 : memref<!tpu.dma_semaphore, #tpu.memory_space<semaphore_mem>>)
      %add3A_123 = arith.addi %rem3A_10, %add3A_114 : i32
      %dma_start3A_124 = arith.constant 1 : i32
      %dma_start3A_125 = arith.constant 0 : i32
      %dma_start3A_126 = tpu.memref_slice %arg9[%dma_start3A_124, %add3A_123, %dma_start3A_125] : memref<2x24x128xi32, #tpu.memory_space<vmem>> -> memref<1x1x128xi32, #tpu.memory_space<vmem>>
      %dma_start3A_127 = tpu.memref_squeeze %dma_start3A_126 : memref<1x1x128xi32, #tpu.memory_space<vmem>> -> memref<128xi32, #tpu.memory_space<vmem>>
      %dma_start3A_128 = arith.constant 0 : i32
      %dma_start3A_129 = arith.constant 0 : i32
      %dma_start3A_130 = tpu.memref_slice %arg2[%dma_start3A_128, %dma_start3A_129] : memref<100000x128xf32, #tpu.memory_space<hbm>> -> memref<100000x128xf32, #tpu.memory_space<hbm>>
      tpu.enqueue_indirect_dma source(%dma_start3A_130 : memref<100000x128xf32, #tpu.memory_space<hbm>>) target(%arg14 : memref<128x128xf32, #tpu.memory_space<vmem>>) offsets(%dma_start3A_127 : memref<128xi32, #tpu.memory_space<vmem>>) semaphore(%arg18 : memref<!tpu.dma_semaphore, #tpu.memory_space<semaphore_mem>>)
      %add3A_131 = arith.constant 0 : i32
      %add3A_132 = arith.addi %rem3A_10, %add3A_131 : i32
      %dma_wait3A_133 = arith.constant 0 : i32
      %dma_wait3A_134 = arith.constant 0 : i32
      %dma_wait3A_135 = tpu.memref_slice %arg9[%dma_wait3A_133, %add3A_132, %dma_wait3A_134] : memref<2x24x128xi32, #tpu.memory_space<vmem>> -> memref<1x1x128xi32, #tpu.memory_space<vmem>>
      %dma_wait3A_136 = tpu.memref_squeeze %dma_wait3A_135 : memref<1x1x128xi32, #tpu.memory_space<vmem>> -> memref<128xi32, #tpu.memory_space<vmem>>
      %dma_wait3A_137 = arith.constant 0 : i32
      %dma_wait3A_138 = arith.constant 0 : i32
      %dma_wait3A_139 = tpu.memref_slice %arg2[%dma_wait3A_137, %dma_wait3A_138] : memref<100000x128xf32, #tpu.memory_space<hbm>> -> memref<100000x128xf32, #tpu.memory_space<hbm>>
      tpu.wait_indirect_dma semaphore(%arg17 : memref<!tpu.dma_semaphore, #tpu.memory_space<semaphore_mem>>) src(%dma_wait3A_139 : memref<100000x128xf32, #tpu.memory_space<hbm>>) dst(%arg11 : memref<128x128xf32, #tpu.memory_space<vmem>>)
      %add3A_140 = arith.constant 0 : i32
      %add3A_141 = arith.addi %rem3A_10, %add3A_140 : i32
      %dma_wait3A_142 = arith.constant 1 : i32
      %dma_wait3A_143 = arith.constant 0 : i32
      %dma_wait3A_144 = tpu.memref_slice %arg9[%dma_wait3A_142, %add3A_141, %dma_wait3A_143] : memref<2x24x128xi32, #tpu.memory_space<vmem>> -> memref<1x1x128xi32, #tpu.memory_space<vmem>>
      %dma_wait3A_145 = tpu.memref_squeeze %dma_wait3A_144 : memref<1x1x128xi32, #tpu.memory_space<vmem>> -> memref<128xi32, #tpu.memory_space<vmem>>
      %dma_wait3A_146 = arith.constant 0 : i32
      %dma_wait3A_147 = arith.constant 0 : i32
      %dma_wait3A_148 = tpu.memref_slice %arg2[%dma_wait3A_146, %dma_wait3A_147] : memref<100000x128xf32, #tpu.memory_space<hbm>> -> memref<100000x128xf32, #tpu.memory_space<hbm>>
      tpu.wait_indirect_dma semaphore(%arg17 : memref<!tpu.dma_semaphore, #tpu.memory_space<semaphore_mem>>) src(%dma_wait3A_148 : memref<100000x128xf32, #tpu.memory_space<hbm>>) dst(%arg12 : memref<128x128xf32, #tpu.memory_space<vmem>>)
      %scan3A_149 = arith.constant 0 : i32
      %scan3A_150 = arith.constant 0 : i32
      %scan3A_151 = arith.constant 8 : i32
      %scan3A_152 = arith.addi %scan3A_150, %scan3A_151 : i32
      %scan3A_153 = arith.constant 1 : i32
      scf.for %scan3A_200 = %scan3A_150 to %scan3A_152 step %scan3A_153  : i32 {
        %mul3A_201 = arith.constant 16 : i32
        %mul3A_202 = arith.muli %scan3A_200, %mul3A_201 : i32
        %add3A_203 = vector.broadcast %mul3A_202 : i32 to vector<16xi32>
        %add3A_204 = arith.addi %add3A_203, %iota3A : vector<16xi32>
        %mul3A_205 = arith.constant 128 : i32
        %mul3A_206 = arith.muli %mul3A_112, %mul3A_205 : i32
        %add3A_207 = vector.broadcast %mul3A_206 : i32 to vector<16xi32>
        %add3A_208 = arith.addi %add3A_207, %add3A_204 : vector<16xi32>
        %jit3A = arith.constant 5 : i32
        %div3A = vector.broadcast %jit3A : i32 to vector<16xi32>
        %div3A_209 = arith.divsi %add3A_208, %div3A : vector<16xi32>
        %sign3A = arith.constant 0 : i32
        %sign3A_210 = vector.broadcast %sign3A : i32 to vector<16xi32>
        %sign3A_211 = arith.cmpi sgt, %add3A_208, %sign3A_210 : vector<16xi32>
        %sign3A_212 = arith.extui %sign3A_211 : vector<16xi1> to vector<16xi32>
        %sign3A_213 = arith.constant 0 : i32
        %sign3A_214 = vector.broadcast %sign3A_213 : i32 to vector<16xi32>
        %sign3A_215 = arith.cmpi slt, %add3A_208, %sign3A_214 : vector<16xi32>
        %sign3A_216 = arith.extui %sign3A_215 : vector<16xi1> to vector<16xi32>
        %sign3A_217 = arith.subi %sign3A_212, %sign3A_216 : vector<16xi32>
        %sign3A_218 = arith.constant 0 : i32
        %sign3A_219 = arith.cmpi sgt, %jit3A, %sign3A_218 : i32
        %sign3A_220 = arith.extui %sign3A_219 : i1 to i32
        %sign3A_221 = arith.constant 0 : i32
        %sign3A_222 = arith.cmpi slt, %jit3A, %sign3A_221 : i32
        %sign3A_223 = arith.extui %sign3A_222 : i1 to i32
        %sign3A_224 = arith.subi %sign3A_220, %sign3A_223 : i32
        %ne3A = vector.broadcast %sign3A_224 : i32 to vector<16xi32>
        %ne3A_225 = arith.cmpi ne, %sign3A_217, %ne3A : vector<16xi32>
        %rem3A_226 = vector.broadcast %jit3A : i32 to vector<16xi32>
        %rem3A_227 = arith.remsi %add3A_208, %rem3A_226 : vector<16xi32>
        %ne3A_228 = arith.constant 0 : i32
        %ne3A_229 = vector.broadcast %ne3A_228 : i32 to vector<16xi32>
        %ne3A_230 = arith.cmpi ne, %rem3A_227, %ne3A_229 : vector<16xi32>
        %and3A = arith.andi %ne3A_225, %ne3A_230 : vector<16xi1>
        %sub3A_231 = arith.constant 1 : i32
        %sub3A_232 = vector.broadcast %sub3A_231 : i32 to vector<16xi32>
        %sub3A_233 = arith.subi %div3A_209, %sub3A_232 : vector<16xi32>
        %select_n3A = arith.select %and3A, %sub3A_233, %div3A_209 : vector<16xi1>, vector<16xi32>
        %shift_right_logical3A = arith.constant 1 : i32
        %shift_right_logical3A_234 = vector.broadcast %shift_right_logical3A : i32 to vector<16xi32>
        %shift_right_logical3A_235 = arith.shrui %select_n3A, %shift_right_logical3A_234 : vector<16xi32>
        %and3A_236 = arith.constant 1 : i32
        %and3A_237 = vector.broadcast %and3A_236 : i32 to vector<16xi32>
        %and3A_238 = arith.andi %select_n3A, %and3A_237 : vector<16xi32>
        %mul3A_239 = arith.constant 64 : i32
        %mul3A_240 = vector.broadcast %mul3A_239 : i32 to vector<16xi32>
        %mul3A_241 = arith.muli %and3A_238, %mul3A_240 : vector<16xi32>
        %scan3A_242 = arith.constant 0 : i32
        %scan3A_243 = arith.constant 16 : i32
        %scan3A_244 = arith.addi %scan3A_242, %scan3A_243 : i32
        %scan3A_245 = arith.constant 1 : i32
        %scan3A_246 = scf.for %scan3A_254 = %scan3A_242 to %scan3A_244 step %scan3A_245 iter_args(%scan3A_255 = %broadcast_in_dim3A_1) -> (vector<16xf32>)  : i32 {
          %mul3A_256 = arith.constant 4 : i32
          %mul3A_257 = arith.muli %scan3A_254, %mul3A_256 : i32
          %add3A_258 = arith.constant 0 : i32
          %add3A_259 = arith.addi %mul3A_257, %add3A_258 : i32
          %add3A_260 = vector.broadcast %add3A_259 : i32 to vector<16xi32>
          %add3A_261 = arith.addi %iota3A, %add3A_260 : vector<16xi32>
          %and3A_262 = arith.constant 63 : i32
          %and3A_263 = vector.broadcast %and3A_262 : i32 to vector<16xi32>
          %and3A_264 = arith.andi %add3A_261, %and3A_263 : vector<16xi32>
          %add3A_265 = arith.addi %mul3A_241, %and3A_264 : vector<16xi32>
          %gather3A = tpu.vector_load_idx %arg10[%shift_right_logical3A_235, %add3A_265] : memref<256x128xf32, #tpu.memory_space<vmem>>[vector<16xi32>, vector<16xi32>], vector<16xf32>,
          %gather3A_266 = tpu.vector_load_idx %arg11[%add3A_204, %and3A_264] : memref<128x128xf32, #tpu.memory_space<vmem>>[vector<16xi32>, vector<16xi32>], vector<16xf32>,
          %add3A_267 = arith.constant 64 : i32
          %add3A_268 = vector.broadcast %add3A_267 : i32 to vector<16xi32>
          %add3A_269 = arith.addi %and3A_264, %add3A_268 : vector<16xi32>
          %gather3A_270 = tpu.vector_load_idx %arg12[%add3A_204, %add3A_269] : memref<128x128xf32, #tpu.memory_space<vmem>>[vector<16xi32>, vector<16xi32>], vector<16xf32>,
          %add3A_271 = arith.addf %gather3A_266, %gather3A_270 : vector<16xf32>
          %mul3A_272 = arith.mulf %gather3A, %add3A_271 : vector<16xf32>
          %add3A_273 = arith.addf %scan3A_255, %mul3A_272 : vector<16xf32>
          %mul3A_274 = arith.constant 4 : i32
          %mul3A_275 = arith.muli %scan3A_254, %mul3A_274 : i32
          %add3A_276 = arith.constant 1 : i32
          %add3A_277 = arith.addi %mul3A_275, %add3A_276 : i32
          %add3A_278 = vector.broadcast %add3A_277 : i32 to vector<16xi32>
          %add3A_279 = arith.addi %iota3A, %add3A_278 : vector<16xi32>
          %and3A_280 = arith.constant 63 : i32
          %and3A_281 = vector.broadcast %and3A_280 : i32 to vector<16xi32>
          %and3A_282 = arith.andi %add3A_279, %and3A_281 : vector<16xi32>
          %add3A_283 = arith.addi %mul3A_241, %and3A_282 : vector<16xi32>
          %gather3A_284 = tpu.vector_load_idx %arg10[%shift_right_logical3A_235, %add3A_283] : memref<256x128xf32, #tpu.memory_space<vmem>>[vector<16xi32>, vector<16xi32>], vector<16xf32>,
          %gather3A_285 = tpu.vector_load_idx %arg11[%add3A_204, %and3A_282] : memref<128x128xf32, #tpu.memory_space<vmem>>[vector<16xi32>, vector<16xi32>], vector<16xf32>,
          %add3A_286 = arith.constant 64 : i32
          %add3A_287 = vector.broadcast %add3A_286 : i32 to vector<16xi32>
          %add3A_288 = arith.addi %and3A_282, %add3A_287 : vector<16xi32>
          %gather3A_289 = tpu.vector_load_idx %arg12[%add3A_204, %add3A_288] : memref<128x128xf32, #tpu.memory_space<vmem>>[vector<16xi32>, vector<16xi32>], vector<16xf32>,
          %add3A_290 = arith.addf %gather3A_285, %gather3A_289 : vector<16xf32>
          %mul3A_291 = arith.mulf %gather3A_284, %add3A_290 : vector<16xf32>
          %add3A_292 = arith.addf %add3A_273, %mul3A_291 : vector<16xf32>
          %mul3A_293 = arith.constant 4 : i32
          %mul3A_294 = arith.muli %scan3A_254, %mul3A_293 : i32
          %add3A_295 = arith.constant 2 : i32
          %add3A_296 = arith.addi %mul3A_294, %add3A_295 : i32
          %add3A_297 = vector.broadcast %add3A_296 : i32 to vector<16xi32>
          %add3A_298 = arith.addi %iota3A, %add3A_297 : vector<16xi32>
          %and3A_299 = arith.constant 63 : i32
          %and3A_300 = vector.broadcast %and3A_299 : i32 to vector<16xi32>
          %and3A_301 = arith.andi %add3A_298, %and3A_300 : vector<16xi32>
          %add3A_302 = arith.addi %mul3A_241, %and3A_301 : vector<16xi32>
          %gather3A_303 = tpu.vector_load_idx %arg10[%shift_right_logical3A_235, %add3A_302] : memref<256x128xf32, #tpu.memory_space<vmem>>[vector<16xi32>, vector<16xi32>], vector<16xf32>,
          %gather3A_304 = tpu.vector_load_idx %arg11[%add3A_204, %and3A_301] : memref<128x128xf32, #tpu.memory_space<vmem>>[vector<16xi32>, vector<16xi32>], vector<16xf32>,
          %add3A_305 = arith.constant 64 : i32
          %add3A_306 = vector.broadcast %add3A_305 : i32 to vector<16xi32>
          %add3A_307 = arith.addi %and3A_301, %add3A_306 : vector<16xi32>
          %gather3A_308 = tpu.vector_load_idx %arg12[%add3A_204, %add3A_307] : memref<128x128xf32, #tpu.memory_space<vmem>>[vector<16xi32>, vector<16xi32>], vector<16xf32>,
          %add3A_309 = arith.addf %gather3A_304, %gather3A_308 : vector<16xf32>
          %mul3A_310 = arith.mulf %gather3A_303, %add3A_309 : vector<16xf32>
          %add3A_311 = arith.addf %add3A_292, %mul3A_310 : vector<16xf32>
          %mul3A_312 = arith.constant 4 : i32
          %mul3A_313 = arith.muli %scan3A_254, %mul3A_312 : i32
          %add3A_314 = arith.constant 3 : i32
          %add3A_315 = arith.addi %mul3A_313, %add3A_314 : i32
          %add3A_316 = vector.broadcast %add3A_315 : i32 to vector<16xi32>
          %add3A_317 = arith.addi %iota3A, %add3A_316 : vector<16xi32>
          %and3A_318 = arith.constant 63 : i32
          %and3A_319 = vector.broadcast %and3A_318 : i32 to vector<16xi32>
          %and3A_320 = arith.andi %add3A_317, %and3A_319 : vector<16xi32>
          %add3A_321 = arith.addi %mul3A_241, %and3A_320 : vector<16xi32>
          %gather3A_322 = tpu.vector_load_idx %arg10[%shift_right_logical3A_235, %add3A_321] : memref<256x128xf32, #tpu.memory_space<vmem>>[vector<16xi32>, vector<16xi32>], vector<16xf32>,
          %gather3A_323 = tpu.vector_load_idx %arg11[%add3A_204, %and3A_320] : memref<128x128xf32, #tpu.memory_space<vmem>>[vector<16xi32>, vector<16xi32>], vector<16xf32>,
          %add3A_324 = arith.constant 64 : i32
          %add3A_325 = vector.broadcast %add3A_324 : i32 to vector<16xi32>
          %add3A_326 = arith.addi %and3A_320, %add3A_325 : vector<16xi32>
          %gather3A_327 = tpu.vector_load_idx %arg12[%add3A_204, %add3A_326] : memref<128x128xf32, #tpu.memory_space<vmem>>[vector<16xi32>, vector<16xi32>], vector<16xf32>,
          %add3A_328 = arith.addf %gather3A_323, %gather3A_327 : vector<16xf32>
          %mul3A_329 = arith.mulf %gather3A_322, %add3A_328 : vector<16xf32>
          %add3A_330 = arith.addf %add3A_311, %mul3A_329 : vector<16xf32>
          scf.yield %add3A_330 : vector<16xf32>
        }
        %scan3A_247 = arith.constant 16 : i32
        %mul3A_248 = arith.constant 128 : i32
        %mul3A_249 = arith.muli %mul3A_112, %mul3A_248 : i32
        %mul3A_250 = arith.constant 16 : i32
        %mul3A_251 = arith.muli %scan3A_200, %mul3A_250 : i32
        %add3A_252 = arith.addi %mul3A_249, %mul3A_251 : i32
        %swap3A = arith.index_cast %add3A_252 : i32 to index
        %swap3A_253 = tpu.vector_load %arg16[%swap3A] {strides = array<i32>} : memref<2560xf32, #tpu.memory_space<vmem>>, vector<16xf32>,
        tpu.vector_store %arg16[%swap3A], %scan3A_246 {strides = array<i32>} : memref<2560xf32, #tpu.memory_space<vmem>>, vector<16xf32>,
      }
      %scan3A_154 = arith.constant 8 : i32
      %add3A_155 = arith.constant 2 : i32
      %add3A_156 = arith.addi %mul3A_112, %add3A_155 : i32
      %min3A = arith.constant 19 : i32
      %min3A_157 = arith.minsi %add3A_156, %min3A : i32
      %add3A_158 = arith.addi %rem3A_10, %min3A_157 : i32
      %dma_start3A_159 = arith.constant 0 : i32
      %dma_start3A_160 = arith.constant 0 : i32
      %dma_start3A_161 = tpu.memref_slice %arg9[%dma_start3A_159, %add3A_158, %dma_start3A_160] : memref<2x24x128xi32, #tpu.memory_space<vmem>> -> memref<1x1x128xi32, #tpu.memory_space<vmem>>
      %dma_start3A_162 = tpu.memref_squeeze %dma_start3A_161 : memref<1x1x128xi32, #tpu.memory_space<vmem>> -> memref<128xi32, #tpu.memory_space<vmem>>
      %dma_start3A_163 = arith.constant 0 : i32
      %dma_start3A_164 = arith.constant 0 : i32
      %dma_start3A_165 = tpu.memref_slice %arg2[%dma_start3A_163, %dma_start3A_164] : memref<100000x128xf32, #tpu.memory_space<hbm>> -> memref<100000x128xf32, #tpu.memory_space<hbm>>
      tpu.enqueue_indirect_dma source(%dma_start3A_165 : memref<100000x128xf32, #tpu.memory_space<hbm>>) target(%arg11 : memref<128x128xf32, #tpu.memory_space<vmem>>) offsets(%dma_start3A_162 : memref<128xi32, #tpu.memory_space<vmem>>) semaphore(%arg17 : memref<!tpu.dma_semaphore, #tpu.memory_space<semaphore_mem>>)
      %add3A_166 = arith.addi %rem3A_10, %min3A_157 : i32
      %dma_start3A_167 = arith.constant 1 : i32
      %dma_start3A_168 = arith.constant 0 : i32
      %dma_start3A_169 = tpu.memref_slice %arg9[%dma_start3A_167, %add3A_166, %dma_start3A_168] : memref<2x24x128xi32, #tpu.memory_space<vmem>> -> memref<1x1x128xi32, #tpu.memory_space<vmem>>
      %dma_start3A_170 = tpu.memref_squeeze %dma_start3A_169 : memref<1x1x128xi32, #tpu.memory_space<vmem>> -> memref<128xi32, #tpu.memory_space<vmem>>
      %dma_start3A_171 = arith.constant 0 : i32
      %dma_start3A_172 = arith.constant 0 : i32
      %dma_start3A_173 = tpu.memref_slice %arg2[%dma_start3A_171, %dma_start3A_172] : memref<100000x128xf32, #tpu.memory_space<hbm>> -> memref<100000x128xf32, #tpu.memory_space<hbm>>
      tpu.enqueue_indirect_dma source(%dma_start3A_173 : memref<100000x128xf32, #tpu.memory_space<hbm>>) target(%arg12 : memref<128x128xf32, #tpu.memory_space<vmem>>) offsets(%dma_start3A_170 : memref<128xi32, #tpu.memory_space<vmem>>) semaphore(%arg17 : memref<!tpu.dma_semaphore, #tpu.memory_space<semaphore_mem>>)
      %add3A_174 = arith.constant 0 : i32
      %add3A_175 = arith.addi %rem3A_10, %add3A_174 : i32
      %dma_wait3A_176 = arith.constant 0 : i32
      %dma_wait3A_177 = arith.constant 0 : i32
      %dma_wait3A_178 = tpu.memref_slice %arg9[%dma_wait3A_176, %add3A_175, %dma_wait3A_177] : memref<2x24x128xi32, #tpu.memory_space<vmem>> -> memref<1x1x128xi32, #tpu.memory_space<vmem>>
      %dma_wait3A_179 = tpu.memref_squeeze %dma_wait3A_178 : memref<1x1x128xi32, #tpu.memory_space<vmem>> -> memref<128xi32, #tpu.memory_space<vmem>>
      %dma_wait3A_180 = arith.constant 0 : i32
      %dma_wait3A_181 = arith.constant 0 : i32
      %dma_wait3A_182 = tpu.memref_slice %arg2[%dma_wait3A_180, %dma_wait3A_181] : memref<100000x128xf32, #tpu.memory_space<hbm>> -> memref<100000x128xf32, #tpu.memory_space<hbm>>
      tpu.wait_indirect_dma semaphore(%arg18 : memref<!tpu.dma_semaphore, #tpu.memory_space<semaphore_mem>>) src(%dma_wait3A_182 : memref<100000x128xf32, #tpu.memory_space<hbm>>) dst(%arg13 : memref<128x128xf32, #tpu.memory_space<vmem>>)
      %add3A_183 = arith.constant 0 : i32
      %add3A_184 = arith.addi %rem3A_10, %add3A_183 : i32
      %dma_wait3A_185 = arith.constant 1 : i32
      %dma_wait3A_186 = arith.constant 0 : i32
      %dma_wait3A_187 = tpu.memref_slice %arg9[%dma_wait3A_185, %add3A_184, %dma_wait3A_186] : memref<2x24x128xi32, #tpu.memory_space<vmem>> -> memref<1x1x128xi32, #tpu.memory_space<vmem>>
      %dma_wait3A_188 = tpu.memref_squeeze %dma_wait3A_187 : memref<1x1x128xi32, #tpu.memory_space<vmem>> -> memref<128xi32, #tpu.memory_space<vmem>>
      %dma_wait3A_189 = arith.constant 0 : i32
      %dma_wait3A_190 = arith.constant 0 : i32
      %dma_wait3A_191 = tpu.memref_slice %arg2[%dma_wait3A_189, %dma_wait3A_190] : memref<100000x128xf32, #tpu.memory_space<hbm>> -> memref<100000x128xf32, #tpu.memory_space<hbm>>
      tpu.wait_indirect_dma semaphore(%arg18 : memref<!tpu.dma_semaphore, #tpu.memory_space<semaphore_mem>>) src(%dma_wait3A_191 : memref<100000x128xf32, #tpu.memory_space<hbm>>) dst(%arg14 : memref<128x128xf32, #tpu.memory_space<vmem>>)
      %add3A_192 = arith.constant 1 : i32
      %add3A_193 = arith.addi %mul3A_112, %add3A_192 : i32
      %scan3A_194 = arith.constant 0 : i32
      %scan3A_195 = arith.constant 0 : i32
      %scan3A_196 = arith.constant 8 : i32
      %scan3A_197 = arith.addi %scan3A_195, %scan3A_196 : i32
      %scan3A_198 = arith.constant 1 : i32
      scf.for %scan3A_200 = %scan3A_195 to %scan3A_197 step %scan3A_198  : i32 {
        %mul3A_201 = arith.constant 16 : i32
        %mul3A_202 = arith.muli %scan3A_200, %mul3A_201 : i32
        %add3A_203 = vector.broadcast %mul3A_202 : i32 to vector<16xi32>
        %add3A_204 = arith.addi %add3A_203, %iota3A : vector<16xi32>
        %mul3A_205 = arith.constant 128 : i32
        %mul3A_206 = arith.muli %add3A_193, %mul3A_205 : i32
        %add3A_207 = vector.broadcast %mul3A_206 : i32 to vector<16xi32>
        %add3A_208 = arith.addi %add3A_207, %add3A_204 : vector<16xi32>
        %jit3A = arith.constant 5 : i32
        %div3A = vector.broadcast %jit3A : i32 to vector<16xi32>
        %div3A_209 = arith.divsi %add3A_208, %div3A : vector<16xi32>
        %sign3A = arith.constant 0 : i32
        %sign3A_210 = vector.broadcast %sign3A : i32 to vector<16xi32>
        %sign3A_211 = arith.cmpi sgt, %add3A_208, %sign3A_210 : vector<16xi32>
        %sign3A_212 = arith.extui %sign3A_211 : vector<16xi1> to vector<16xi32>
        %sign3A_213 = arith.constant 0 : i32
        %sign3A_214 = vector.broadcast %sign3A_213 : i32 to vector<16xi32>
        %sign3A_215 = arith.cmpi slt, %add3A_208, %sign3A_214 : vector<16xi32>
        %sign3A_216 = arith.extui %sign3A_215 : vector<16xi1> to vector<16xi32>
        %sign3A_217 = arith.subi %sign3A_212, %sign3A_216 : vector<16xi32>
        %sign3A_218 = arith.constant 0 : i32
        %sign3A_219 = arith.cmpi sgt, %jit3A, %sign3A_218 : i32
        %sign3A_220 = arith.extui %sign3A_219 : i1 to i32
        %sign3A_221 = arith.constant 0 : i32
        %sign3A_222 = arith.cmpi slt, %jit3A, %sign3A_221 : i32
        %sign3A_223 = arith.extui %sign3A_222 : i1 to i32
        %sign3A_224 = arith.subi %sign3A_220, %sign3A_223 : i32
        %ne3A = vector.broadcast %sign3A_224 : i32 to vector<16xi32>
        %ne3A_225 = arith.cmpi ne, %sign3A_217, %ne3A : vector<16xi32>
        %rem3A_226 = vector.broadcast %jit3A : i32 to vector<16xi32>
        %rem3A_227 = arith.remsi %add3A_208, %rem3A_226 : vector<16xi32>
        %ne3A_228 = arith.constant 0 : i32
        %ne3A_229 = vector.broadcast %ne3A_228 : i32 to vector<16xi32>
        %ne3A_230 = arith.cmpi ne, %rem3A_227, %ne3A_229 : vector<16xi32>
        %and3A = arith.andi %ne3A_225, %ne3A_230 : vector<16xi1>
        %sub3A_231 = arith.constant 1 : i32
        %sub3A_232 = vector.broadcast %sub3A_231 : i32 to vector<16xi32>
        %sub3A_233 = arith.subi %div3A_209, %sub3A_232 : vector<16xi32>
        %select_n3A = arith.select %and3A, %sub3A_233, %div3A_209 : vector<16xi1>, vector<16xi32>
        %shift_right_logical3A = arith.constant 1 : i32
        %shift_right_logical3A_234 = vector.broadcast %shift_right_logical3A : i32 to vector<16xi32>
        %shift_right_logical3A_235 = arith.shrui %select_n3A, %shift_right_logical3A_234 : vector<16xi32>
        %and3A_236 = arith.constant 1 : i32
        %and3A_237 = vector.broadcast %and3A_236 : i32 to vector<16xi32>
        %and3A_238 = arith.andi %select_n3A, %and3A_237 : vector<16xi32>
        %mul3A_239 = arith.constant 64 : i32
        %mul3A_240 = vector.broadcast %mul3A_239 : i32 to vector<16xi32>
        %mul3A_241 = arith.muli %and3A_238, %mul3A_240 : vector<16xi32>
        %scan3A_242 = arith.constant 0 : i32
        %scan3A_243 = arith.constant 16 : i32
        %scan3A_244 = arith.addi %scan3A_242, %scan3A_243 : i32
        %scan3A_245 = arith.constant 1 : i32
        %scan3A_246 = scf.for %scan3A_254 = %scan3A_242 to %scan3A_244 step %scan3A_245 iter_args(%scan3A_255 = %broadcast_in_dim3A_1) -> (vector<16xf32>)  : i32 {
          %mul3A_256 = arith.constant 4 : i32
          %mul3A_257 = arith.muli %scan3A_254, %mul3A_256 : i32
          %add3A_258 = arith.constant 0 : i32
          %add3A_259 = arith.addi %mul3A_257, %add3A_258 : i32
          %add3A_260 = vector.broadcast %add3A_259 : i32 to vector<16xi32>
          %add3A_261 = arith.addi %iota3A, %add3A_260 : vector<16xi32>
          %and3A_262 = arith.constant 63 : i32
          %and3A_263 = vector.broadcast %and3A_262 : i32 to vector<16xi32>
          %and3A_264 = arith.andi %add3A_261, %and3A_263 : vector<16xi32>
          %add3A_265 = arith.addi %mul3A_241, %and3A_264 : vector<16xi32>
          %gather3A = tpu.vector_load_idx %arg10[%shift_right_logical3A_235, %add3A_265] : memref<256x128xf32, #tpu.memory_space<vmem>>[vector<16xi32>, vector<16xi32>], vector<16xf32>,
          %gather3A_266 = tpu.vector_load_idx %arg13[%add3A_204, %and3A_264] : memref<128x128xf32, #tpu.memory_space<vmem>>[vector<16xi32>, vector<16xi32>], vector<16xf32>,
          %add3A_267 = arith.constant 64 : i32
          %add3A_268 = vector.broadcast %add3A_267 : i32 to vector<16xi32>
          %add3A_269 = arith.addi %and3A_264, %add3A_268 : vector<16xi32>
          %gather3A_270 = tpu.vector_load_idx %arg14[%add3A_204, %add3A_269] : memref<128x128xf32, #tpu.memory_space<vmem>>[vector<16xi32>, vector<16xi32>], vector<16xf32>,
          %add3A_271 = arith.addf %gather3A_266, %gather3A_270 : vector<16xf32>
          %mul3A_272 = arith.mulf %gather3A, %add3A_271 : vector<16xf32>
          %add3A_273 = arith.addf %scan3A_255, %mul3A_272 : vector<16xf32>
          %mul3A_274 = arith.constant 4 : i32
          %mul3A_275 = arith.muli %scan3A_254, %mul3A_274 : i32
          %add3A_276 = arith.constant 1 : i32
          %add3A_277 = arith.addi %mul3A_275, %add3A_276 : i32
          %add3A_278 = vector.broadcast %add3A_277 : i32 to vector<16xi32>
          %add3A_279 = arith.addi %iota3A, %add3A_278 : vector<16xi32>
          %and3A_280 = arith.constant 63 : i32
          %and3A_281 = vector.broadcast %and3A_280 : i32 to vector<16xi32>
          %and3A_282 = arith.andi %add3A_279, %and3A_281 : vector<16xi32>
          %add3A_283 = arith.addi %mul3A_241, %and3A_282 : vector<16xi32>
          %gather3A_284 = tpu.vector_load_idx %arg10[%shift_right_logical3A_235, %add3A_283] : memref<256x128xf32, #tpu.memory_space<vmem>>[vector<16xi32>, vector<16xi32>], vector<16xf32>,
          %gather3A_285 = tpu.vector_load_idx %arg13[%add3A_204, %and3A_282] : memref<128x128xf32, #tpu.memory_space<vmem>>[vector<16xi32>, vector<16xi32>], vector<16xf32>,
          %add3A_286 = arith.constant 64 : i32
          %add3A_287 = vector.broadcast %add3A_286 : i32 to vector<16xi32>
          %add3A_288 = arith.addi %and3A_282, %add3A_287 : vector<16xi32>
          %gather3A_289 = tpu.vector_load_idx %arg14[%add3A_204, %add3A_288] : memref<128x128xf32, #tpu.memory_space<vmem>>[vector<16xi32>, vector<16xi32>], vector<16xf32>,
          %add3A_290 = arith.addf %gather3A_285, %gather3A_289 : vector<16xf32>
          %mul3A_291 = arith.mulf %gather3A_284, %add3A_290 : vector<16xf32>
          %add3A_292 = arith.addf %add3A_273, %mul3A_291 : vector<16xf32>
          %mul3A_293 = arith.constant 4 : i32
          %mul3A_294 = arith.muli %scan3A_254, %mul3A_293 : i32
          %add3A_295 = arith.constant 2 : i32
          %add3A_296 = arith.addi %mul3A_294, %add3A_295 : i32
          %add3A_297 = vector.broadcast %add3A_296 : i32 to vector<16xi32>
          %add3A_298 = arith.addi %iota3A, %add3A_297 : vector<16xi32>
          %and3A_299 = arith.constant 63 : i32
          %and3A_300 = vector.broadcast %and3A_299 : i32 to vector<16xi32>
          %and3A_301 = arith.andi %add3A_298, %and3A_300 : vector<16xi32>
          %add3A_302 = arith.addi %mul3A_241, %and3A_301 : vector<16xi32>
          %gather3A_303 = tpu.vector_load_idx %arg10[%shift_right_logical3A_235, %add3A_302] : memref<256x128xf32, #tpu.memory_space<vmem>>[vector<16xi32>, vector<16xi32>], vector<16xf32>,
          %gather3A_304 = tpu.vector_load_idx %arg13[%add3A_204, %and3A_301] : memref<128x128xf32, #tpu.memory_space<vmem>>[vector<16xi32>, vector<16xi32>], vector<16xf32>,
          %add3A_305 = arith.constant 64 : i32
          %add3A_306 = vector.broadcast %add3A_305 : i32 to vector<16xi32>
          %add3A_307 = arith.addi %and3A_301, %add3A_306 : vector<16xi32>
          %gather3A_308 = tpu.vector_load_idx %arg14[%add3A_204, %add3A_307] : memref<128x128xf32, #tpu.memory_space<vmem>>[vector<16xi32>, vector<16xi32>], vector<16xf32>,
          %add3A_309 = arith.addf %gather3A_304, %gather3A_308 : vector<16xf32>
          %mul3A_310 = arith.mulf %gather3A_303, %add3A_309 : vector<16xf32>
          %add3A_311 = arith.addf %add3A_292, %mul3A_310 : vector<16xf32>
          %mul3A_312 = arith.constant 4 : i32
          %mul3A_313 = arith.muli %scan3A_254, %mul3A_312 : i32
          %add3A_314 = arith.constant 3 : i32
          %add3A_315 = arith.addi %mul3A_313, %add3A_314 : i32
          %add3A_316 = vector.broadcast %add3A_315 : i32 to vector<16xi32>
          %add3A_317 = arith.addi %iota3A, %add3A_316 : vector<16xi32>
          %and3A_318 = arith.constant 63 : i32
          %and3A_319 = vector.broadcast %and3A_318 : i32 to vector<16xi32>
          %and3A_320 = arith.andi %add3A_317, %and3A_319 : vector<16xi32>
          %add3A_321 = arith.addi %mul3A_241, %and3A_320 : vector<16xi32>
          %gather3A_322 = tpu.vector_load_idx %arg10[%shift_right_logical3A_235, %add3A_321] : memref<256x128xf32, #tpu.memory_space<vmem>>[vector<16xi32>, vector<16xi32>], vector<16xf32>,
          %gather3A_323 = tpu.vector_load_idx %arg13[%add3A_204, %and3A_320] : memref<128x128xf32, #tpu.memory_space<vmem>>[vector<16xi32>, vector<16xi32>], vector<16xf32>,
          %add3A_324 = arith.constant 64 : i32
          %add3A_325 = vector.broadcast %add3A_324 : i32 to vector<16xi32>
          %add3A_326 = arith.addi %and3A_320, %add3A_325 : vector<16xi32>
          %gather3A_327 = tpu.vector_load_idx %arg14[%add3A_204, %add3A_326] : memref<128x128xf32, #tpu.memory_space<vmem>>[vector<16xi32>, vector<16xi32>], vector<16xf32>,
          %add3A_328 = arith.addf %gather3A_323, %gather3A_327 : vector<16xf32>
          %mul3A_329 = arith.mulf %gather3A_322, %add3A_328 : vector<16xf32>
          %add3A_330 = arith.addf %add3A_311, %mul3A_329 : vector<16xf32>
          scf.yield %add3A_330 : vector<16xf32>
        }
        %scan3A_247 = arith.constant 16 : i32
        %mul3A_248 = arith.constant 128 : i32
        %mul3A_249 = arith.muli %add3A_193, %mul3A_248 : i32
        %mul3A_250 = arith.constant 16 : i32
        %mul3A_251 = arith.muli %scan3A_200, %mul3A_250 : i32
        %add3A_252 = arith.addi %mul3A_249, %mul3A_251 : i32
        %swap3A = arith.index_cast %add3A_252 : i32 to index
        %swap3A_253 = tpu.vector_load %arg16[%swap3A] {strides = array<i32>} : memref<2560xf32, #tpu.memory_space<vmem>>, vector<16xf32>,
        tpu.vector_store %arg16[%swap3A], %scan3A_246 {strides = array<i32>} : memref<2560xf32, #tpu.memory_space<vmem>>, vector<16xf32>,
      }
      %scan3A_199 = arith.constant 8 : i32
    }
    %scan3A_89 = arith.constant 10 : i32
    %add3A_90 = arith.constant 0 : i32
    %add3A_91 = arith.addi %rem3A_10, %add3A_90 : i32
    %dma_wait3A_92 = arith.constant 0 : i32
    %dma_wait3A_93 = arith.constant 0 : i32
    %dma_wait3A_94 = tpu.memref_slice %arg9[%dma_wait3A_92, %add3A_91, %dma_wait3A_93] : memref<2x24x128xi32, #tpu.memory_space<vmem>> -> memref<1x1x128xi32, #tpu.memory_space<vmem>>
    %dma_wait3A_95 = tpu.memref_squeeze %dma_wait3A_94 : memref<1x1x128xi32, #tpu.memory_space<vmem>> -> memref<128xi32, #tpu.memory_space<vmem>>
    %dma_wait3A_96 = arith.constant 0 : i32
    %dma_wait3A_97 = arith.constant 0 : i32
    %dma_wait3A_98 = tpu.memref_slice %arg2[%dma_wait3A_96, %dma_wait3A_97] : memref<100000x128xf32, #tpu.memory_space<hbm>> -> memref<100000x128xf32, #tpu.memory_space<hbm>>
    tpu.wait_indirect_dma semaphore(%arg17 : memref<!tpu.dma_semaphore, #tpu.memory_space<semaphore_mem>>) src(%dma_wait3A_98 : memref<100000x128xf32, #tpu.memory_space<hbm>>) dst(%arg11 : memref<128x128xf32, #tpu.memory_space<vmem>>)
    %add3A_99 = arith.constant 0 : i32
    %add3A_100 = arith.addi %rem3A_10, %add3A_99 : i32
    %dma_wait3A_101 = arith.constant 1 : i32
    %dma_wait3A_102 = arith.constant 0 : i32
    %dma_wait3A_103 = tpu.memref_slice %arg9[%dma_wait3A_101, %add3A_100, %dma_wait3A_102] : memref<2x24x128xi32, #tpu.memory_space<vmem>> -> memref<1x1x128xi32, #tpu.memory_space<vmem>>
    %dma_wait3A_104 = tpu.memref_squeeze %dma_wait3A_103 : memref<1x1x128xi32, #tpu.memory_space<vmem>> -> memref<128xi32, #tpu.memory_space<vmem>>
    %dma_wait3A_105 = arith.constant 0 : i32
    %dma_wait3A_106 = arith.constant 0 : i32
    %dma_wait3A_107 = tpu.memref_slice %arg2[%dma_wait3A_105, %dma_wait3A_106] : memref<100000x128xf32, #tpu.memory_space<hbm>> -> memref<100000x128xf32, #tpu.memory_space<hbm>>
    tpu.wait_indirect_dma semaphore(%arg17 : memref<!tpu.dma_semaphore, #tpu.memory_space<semaphore_mem>>) src(%dma_wait3A_107 : memref<100000x128xf32, #tpu.memory_space<hbm>>) dst(%arg12 : memref<128x128xf32, #tpu.memory_space<vmem>>)
    %mul3A_108 = arith.constant 2560 : i32
    %mul3A_109 = arith.muli %add3A, %mul3A_108 : i32
    "tpu.region"() ({
      %run_scoped3A_110 = tpu.sem_alloc : memref<!tpu.dma_semaphore, #tpu.memory_space<semaphore_mem>>
      %dma_start3A_111 = tpu.memref_slice %arg7[%mul3A_109] : memref<81920xf32, #tpu.memory_space<hbm>> -> memref<2560xf32, #tpu.memory_space<hbm>>
      %dma_start3A_112 = tpu.memref_slice %arg7[%mul3A_109] : memref<81920xf32, #tpu.memory_space<hbm>> -> memref<2560xf32, #tpu.memory_space<hbm>>
      tpu.enqueue_dma source(%arg16 : memref<2560xf32, #tpu.memory_space<vmem>>) target(%dma_start3A_112 : memref<2560xf32, #tpu.memory_space<hbm>>) target_semaphore(%run_scoped3A_110 : memref<!tpu.dma_semaphore, #tpu.memory_space<semaphore_mem>>)
      %dma_wait3A_113 = tpu.memref_slice %arg7[%mul3A_109] : memref<81920xf32, #tpu.memory_space<hbm>> -> memref<2560xf32, #tpu.memory_space<hbm>>
      %dma_wait3A_114 = tpu.memref_slice %arg7[%mul3A_109] : memref<81920xf32, #tpu.memory_space<hbm>> -> memref<2560xf32, #tpu.memory_space<hbm>>
      tpu.wait_dma2 semaphore(%run_scoped3A_110 : memref<!tpu.dma_semaphore, #tpu.memory_space<semaphore_mem>>) src(%arg16 : memref<2560xf32, #tpu.memory_space<vmem>>) dst(%dma_wait3A_114 : memref<2560xf32, #tpu.memory_space<hbm>>)
      tpu.yield
    }) : () -> ()
    return
  }
}

#map = affine_map<(d0, d1) -> (0, 0)>
#map1 = affine_map<(d0, d1) -> (0, 0, 0)>
module attributes {stable_mosaic.version = 14 : i64} {
  func.func @sc_a(%arg0: i32, %arg1: i32, %arg2: memref<100000x128xf32, #tpu.memory_space<hbm>>, %arg3: memref<2x256x64xi32, #tpu.memory_space<hbm>>, %arg4: memref<8192x128xf32, #tpu.memory_space<hbm>>, %arg5: memref<2x8x64xi32, #tpu.memory_space<vmem>>, %arg6: memref<32x128xf32, #tpu.memory_space<vmem>>, %arg7: memref<64x128xf32, #tpu.memory_space<vmem>>, %arg8: memref<64x128xf32, #tpu.memory_space<vmem>>, %arg9: memref<64x128xf32, #tpu.memory_space<vmem>>, %arg10: memref<64x128xf32, #tpu.memory_space<vmem>>, %arg11: memref<!tpu.dma_semaphore, #tpu.memory_space<semaphore_mem>>, %arg12: memref<!tpu.dma_semaphore, #tpu.memory_space<semaphore_mem>>) attributes {dimension_semantics = [#tpu.dimension_semantics<core_parallel>, #tpu.dimension_semantics<subcore_parallel>], iteration_bounds = array<i64: 2, 16>, scalar_prefetch = 0 : i64, scratch_operands = 8 : i64, tpu.core_type = #tpu.core_type<sc_vector_subcore>, window_params = [{transform_indices = #map}, {transform_indices = #map1}, {transform_indices = #map}]} {
    %mul3A = arith.constant 2 : i32
    %mul3A_0 = arith.muli %arg1, %mul3A : i32
    %add3A = arith.addi %mul3A_0, %arg0 : i32
    %mul3A_1 = arith.constant 8 : i32
    %mul3A_2 = arith.muli %add3A, %mul3A_1 : i32
    %multiple_of3A = tpu.assume_multiple %mul3A_2, 8 : i32
    %run_scoped3A = arith.constant 0 : i32
    %run_scoped3A_3 = arith.constant 0 : i32
    "tpu.region"() ({
      %run_scoped3A_41 = tpu.sem_alloc : memref<!tpu.dma_semaphore, #tpu.memory_space<semaphore_mem>>
      %dma_start3A_42 = arith.constant 0 : i32
      %dma_start3A_43 = arith.constant 0 : i32
      %dma_start3A_44 = tpu.memref_slice %arg5[%run_scoped3A_3, %dma_start3A_42, %dma_start3A_43] : memref<2x8x64xi32, #tpu.memory_space<vmem>> -> memref<1x8x64xi32, #tpu.memory_space<vmem>>
      %dma_start3A_45 = tpu.memref_squeeze %dma_start3A_44 : memref<1x8x64xi32, #tpu.memory_space<vmem>> -> memref<8x64xi32, #tpu.memory_space<vmem>>
      %dma_start3A_46 = arith.constant 0 : i32
      %dma_start3A_47 = tpu.memref_slice %arg3[%run_scoped3A, %multiple_of3A, %dma_start3A_46] : memref<2x256x64xi32, #tpu.memory_space<hbm>> -> memref<1x8x64xi32, #tpu.memory_space<hbm>>
      %dma_start3A_48 = tpu.memref_squeeze %dma_start3A_47 : memref<1x8x64xi32, #tpu.memory_space<hbm>> -> memref<8x64xi32, #tpu.memory_space<hbm>>
      %dma_start3A_49 = arith.constant 0 : i32
      %dma_start3A_50 = arith.constant 0 : i32
      %dma_start3A_51 = tpu.memref_slice %arg5[%run_scoped3A_3, %dma_start3A_49, %dma_start3A_50] : memref<2x8x64xi32, #tpu.memory_space<vmem>> -> memref<1x8x64xi32, #tpu.memory_space<vmem>>
      %dma_start3A_52 = tpu.memref_squeeze %dma_start3A_51 : memref<1x8x64xi32, #tpu.memory_space<vmem>> -> memref<8x64xi32, #tpu.memory_space<vmem>>
      %dma_start3A_53 = arith.constant 0 : i32
      %dma_start3A_54 = tpu.memref_slice %arg3[%run_scoped3A, %multiple_of3A, %dma_start3A_53] : memref<2x256x64xi32, #tpu.memory_space<hbm>> -> memref<1x8x64xi32, #tpu.memory_space<hbm>>
      %dma_start3A_55 = tpu.memref_squeeze %dma_start3A_54 : memref<1x8x64xi32, #tpu.memory_space<hbm>> -> memref<8x64xi32, #tpu.memory_space<hbm>>
      tpu.enqueue_dma source(%dma_start3A_55 : memref<8x64xi32, #tpu.memory_space<hbm>>) target(%dma_start3A_52 : memref<8x64xi32, #tpu.memory_space<vmem>>) target_semaphore(%run_scoped3A_41 : memref<!tpu.dma_semaphore, #tpu.memory_space<semaphore_mem>>)
      %dma_wait3A_56 = arith.constant 0 : i32
      %dma_wait3A_57 = arith.constant 0 : i32
      %dma_wait3A_58 = tpu.memref_slice %arg5[%run_scoped3A_3, %dma_wait3A_56, %dma_wait3A_57] : memref<2x8x64xi32, #tpu.memory_space<vmem>> -> memref<1x8x64xi32, #tpu.memory_space<vmem>>
      %dma_wait3A_59 = tpu.memref_squeeze %dma_wait3A_58 : memref<1x8x64xi32, #tpu.memory_space<vmem>> -> memref<8x64xi32, #tpu.memory_space<vmem>>
      %dma_wait3A_60 = arith.constant 0 : i32
      %dma_wait3A_61 = tpu.memref_slice %arg3[%run_scoped3A, %multiple_of3A, %dma_wait3A_60] : memref<2x256x64xi32, #tpu.memory_space<hbm>> -> memref<1x8x64xi32, #tpu.memory_space<hbm>>
      %dma_wait3A_62 = tpu.memref_squeeze %dma_wait3A_61 : memref<1x8x64xi32, #tpu.memory_space<hbm>> -> memref<8x64xi32, #tpu.memory_space<hbm>>
      %dma_wait3A_63 = arith.constant 0 : i32
      %dma_wait3A_64 = arith.constant 0 : i32
      %dma_wait3A_65 = tpu.memref_slice %arg5[%run_scoped3A_3, %dma_wait3A_63, %dma_wait3A_64] : memref<2x8x64xi32, #tpu.memory_space<vmem>> -> memref<1x8x64xi32, #tpu.memory_space<vmem>>
      %dma_wait3A_66 = tpu.memref_squeeze %dma_wait3A_65 : memref<1x8x64xi32, #tpu.memory_space<vmem>> -> memref<8x64xi32, #tpu.memory_space<vmem>>
      %dma_wait3A_67 = arith.constant 0 : i32
      %dma_wait3A_68 = tpu.memref_slice %arg3[%run_scoped3A, %multiple_of3A, %dma_wait3A_67] : memref<2x256x64xi32, #tpu.memory_space<hbm>> -> memref<1x8x64xi32, #tpu.memory_space<hbm>>
      %dma_wait3A_69 = tpu.memref_squeeze %dma_wait3A_68 : memref<1x8x64xi32, #tpu.memory_space<hbm>> -> memref<8x64xi32, #tpu.memory_space<hbm>>
      tpu.wait_dma2 semaphore(%run_scoped3A_41 : memref<!tpu.dma_semaphore, #tpu.memory_space<semaphore_mem>>) src(%dma_wait3A_69 : memref<8x64xi32, #tpu.memory_space<hbm>>) dst(%dma_wait3A_66 : memref<8x64xi32, #tpu.memory_space<vmem>>)
      tpu.yield
    }) : () -> ()
    %run_scoped3A_4 = arith.constant 1 : i32
    %run_scoped3A_5 = arith.constant 1 : i32
    "tpu.region"() ({
      %run_scoped3A_41 = tpu.sem_alloc : memref<!tpu.dma_semaphore, #tpu.memory_space<semaphore_mem>>
      %dma_start3A_42 = arith.constant 0 : i32
      %dma_start3A_43 = arith.constant 0 : i32
      %dma_start3A_44 = tpu.memref_slice %arg5[%run_scoped3A_5, %dma_start3A_42, %dma_start3A_43] : memref<2x8x64xi32, #tpu.memory_space<vmem>> -> memref<1x8x64xi32, #tpu.memory_space<vmem>>
      %dma_start3A_45 = tpu.memref_squeeze %dma_start3A_44 : memref<1x8x64xi32, #tpu.memory_space<vmem>> -> memref<8x64xi32, #tpu.memory_space<vmem>>
      %dma_start3A_46 = arith.constant 0 : i32
      %dma_start3A_47 = tpu.memref_slice %arg3[%run_scoped3A_4, %multiple_of3A, %dma_start3A_46] : memref<2x256x64xi32, #tpu.memory_space<hbm>> -> memref<1x8x64xi32, #tpu.memory_space<hbm>>
      %dma_start3A_48 = tpu.memref_squeeze %dma_start3A_47 : memref<1x8x64xi32, #tpu.memory_space<hbm>> -> memref<8x64xi32, #tpu.memory_space<hbm>>
      %dma_start3A_49 = arith.constant 0 : i32
      %dma_start3A_50 = arith.constant 0 : i32
      %dma_start3A_51 = tpu.memref_slice %arg5[%run_scoped3A_5, %dma_start3A_49, %dma_start3A_50] : memref<2x8x64xi32, #tpu.memory_space<vmem>> -> memref<1x8x64xi32, #tpu.memory_space<vmem>>
      %dma_start3A_52 = tpu.memref_squeeze %dma_start3A_51 : memref<1x8x64xi32, #tpu.memory_space<vmem>> -> memref<8x64xi32, #tpu.memory_space<vmem>>
      %dma_start3A_53 = arith.constant 0 : i32
      %dma_start3A_54 = tpu.memref_slice %arg3[%run_scoped3A_4, %multiple_of3A, %dma_start3A_53] : memref<2x256x64xi32, #tpu.memory_space<hbm>> -> memref<1x8x64xi32, #tpu.memory_space<hbm>>
      %dma_start3A_55 = tpu.memref_squeeze %dma_start3A_54 : memref<1x8x64xi32, #tpu.memory_space<hbm>> -> memref<8x64xi32, #tpu.memory_space<hbm>>
      tpu.enqueue_dma source(%dma_start3A_55 : memref<8x64xi32, #tpu.memory_space<hbm>>) target(%dma_start3A_52 : memref<8x64xi32, #tpu.memory_space<vmem>>) target_semaphore(%run_scoped3A_41 : memref<!tpu.dma_semaphore, #tpu.memory_space<semaphore_mem>>)
      %dma_wait3A_56 = arith.constant 0 : i32
      %dma_wait3A_57 = arith.constant 0 : i32
      %dma_wait3A_58 = tpu.memref_slice %arg5[%run_scoped3A_5, %dma_wait3A_56, %dma_wait3A_57] : memref<2x8x64xi32, #tpu.memory_space<vmem>> -> memref<1x8x64xi32, #tpu.memory_space<vmem>>
      %dma_wait3A_59 = tpu.memref_squeeze %dma_wait3A_58 : memref<1x8x64xi32, #tpu.memory_space<vmem>> -> memref<8x64xi32, #tpu.memory_space<vmem>>
      %dma_wait3A_60 = arith.constant 0 : i32
      %dma_wait3A_61 = tpu.memref_slice %arg3[%run_scoped3A_4, %multiple_of3A, %dma_wait3A_60] : memref<2x256x64xi32, #tpu.memory_space<hbm>> -> memref<1x8x64xi32, #tpu.memory_space<hbm>>
      %dma_wait3A_62 = tpu.memref_squeeze %dma_wait3A_61 : memref<1x8x64xi32, #tpu.memory_space<hbm>> -> memref<8x64xi32, #tpu.memory_space<hbm>>
      %dma_wait3A_63 = arith.constant 0 : i32
      %dma_wait3A_64 = arith.constant 0 : i32
      %dma_wait3A_65 = tpu.memref_slice %arg5[%run_scoped3A_5, %dma_wait3A_63, %dma_wait3A_64] : memref<2x8x64xi32, #tpu.memory_space<vmem>> -> memref<1x8x64xi32, #tpu.memory_space<vmem>>
      %dma_wait3A_66 = tpu.memref_squeeze %dma_wait3A_65 : memref<1x8x64xi32, #tpu.memory_space<vmem>> -> memref<8x64xi32, #tpu.memory_space<vmem>>
      %dma_wait3A_67 = arith.constant 0 : i32
      %dma_wait3A_68 = tpu.memref_slice %arg3[%run_scoped3A_4, %multiple_of3A, %dma_wait3A_67] : memref<2x256x64xi32, #tpu.memory_space<hbm>> -> memref<1x8x64xi32, #tpu.memory_space<hbm>>
      %dma_wait3A_69 = tpu.memref_squeeze %dma_wait3A_68 : memref<1x8x64xi32, #tpu.memory_space<hbm>> -> memref<8x64xi32, #tpu.memory_space<hbm>>
      tpu.wait_dma2 semaphore(%run_scoped3A_41 : memref<!tpu.dma_semaphore, #tpu.memory_space<semaphore_mem>>) src(%dma_wait3A_69 : memref<8x64xi32, #tpu.memory_space<hbm>>) dst(%dma_wait3A_66 : memref<8x64xi32, #tpu.memory_space<vmem>>)
      tpu.yield
    }) : () -> ()
    %dma_start3A = arith.constant 0 : i32
    %dma_start3A_6 = arith.constant 0 : i32
    %dma_start3A_7 = arith.constant 0 : i32
    %dma_start3A_8 = tpu.memref_slice %arg5[%dma_start3A, %dma_start3A_6, %dma_start3A_7] : memref<2x8x64xi32, #tpu.memory_space<vmem>> -> memref<1x1x64xi32, #tpu.memory_space<vmem>>
    %dma_start3A_9 = tpu.memref_squeeze %dma_start3A_8 : memref<1x1x64xi32, #tpu.memory_space<vmem>> -> memref<64xi32, #tpu.memory_space<vmem>>
    %dma_start3A_10 = arith.constant 0 : i32
    %dma_start3A_11 = arith.constant 0 : i32
    %dma_start3A_12 = tpu.memref_slice %arg2[%dma_start3A_10, %dma_start3A_11] : memref<100000x128xf32, #tpu.memory_space<hbm>> -> memref<100000x128xf32, #tpu.memory_space<hbm>>
    tpu.enqueue_indirect_dma source(%dma_start3A_12 : memref<100000x128xf32, #tpu.memory_space<hbm>>) target(%arg7 : memref<64x128xf32, #tpu.memory_space<vmem>>) offsets(%dma_start3A_9 : memref<64xi32, #tpu.memory_space<vmem>>) semaphore(%arg11 : memref<!tpu.dma_semaphore, #tpu.memory_space<semaphore_mem>>)
    %dma_start3A_13 = arith.constant 1 : i32
    %dma_start3A_14 = arith.constant 0 : i32
    %dma_start3A_15 = arith.constant 0 : i32
    %dma_start3A_16 = tpu.memref_slice %arg5[%dma_start3A_13, %dma_start3A_14, %dma_start3A_15] : memref<2x8x64xi32, #tpu.memory_space<vmem>> -> memref<1x1x64xi32, #tpu.memory_space<vmem>>
    %dma_start3A_17 = tpu.memref_squeeze %dma_start3A_16 : memref<1x1x64xi32, #tpu.memory_space<vmem>> -> memref<64xi32, #tpu.memory_space<vmem>>
    %dma_start3A_18 = arith.constant 0 : i32
    %dma_start3A_19 = arith.constant 0 : i32
    %dma_start3A_20 = tpu.memref_slice %arg2[%dma_start3A_18, %dma_start3A_19] : memref<100000x128xf32, #tpu.memory_space<hbm>> -> memref<100000x128xf32, #tpu.memory_space<hbm>>
    tpu.enqueue_indirect_dma source(%dma_start3A_20 : memref<100000x128xf32, #tpu.memory_space<hbm>>) target(%arg8 : memref<64x128xf32, #tpu.memory_space<vmem>>) offsets(%dma_start3A_17 : memref<64xi32, #tpu.memory_space<vmem>>) semaphore(%arg11 : memref<!tpu.dma_semaphore, #tpu.memory_space<semaphore_mem>>)
    %scan3A = arith.constant 0 : i32
    %scan3A_21 = arith.constant 0 : i32
    %scan3A_22 = arith.constant 4 : i32
    %scan3A_23 = arith.addi %scan3A_21, %scan3A_22 : i32
    %scan3A_24 = arith.constant 1 : i32
    scf.for %scan3A_41 = %scan3A_21 to %scan3A_23 step %scan3A_24  : i32 {
      %mul3A_42 = arith.constant 2 : i32
      %mul3A_43 = arith.muli %mul3A_42, %scan3A_41 : i32
      %add3A_44 = arith.constant 1 : i32
      %add3A_45 = arith.addi %mul3A_43, %add3A_44 : i32
      %dma_start3A_46 = arith.constant 0 : i32
      %dma_start3A_47 = arith.constant 0 : i32
      %dma_start3A_48 = tpu.memref_slice %arg5[%dma_start3A_46, %add3A_45, %dma_start3A_47] : memref<2x8x64xi32, #tpu.memory_space<vmem>> -> memref<1x1x64xi32, #tpu.memory_space<vmem>>
      %dma_start3A_49 = tpu.memref_squeeze %dma_start3A_48 : memref<1x1x64xi32, #tpu.memory_space<vmem>> -> memref<64xi32, #tpu.memory_space<vmem>>
      %dma_start3A_50 = arith.constant 0 : i32
      %dma_start3A_51 = arith.constant 0 : i32
      %dma_start3A_52 = tpu.memref_slice %arg2[%dma_start3A_50, %dma_start3A_51] : memref<100000x128xf32, #tpu.memory_space<hbm>> -> memref<100000x128xf32, #tpu.memory_space<hbm>>
      tpu.enqueue_indirect_dma source(%dma_start3A_52 : memref<100000x128xf32, #tpu.memory_space<hbm>>) target(%arg9 : memref<64x128xf32, #tpu.memory_space<vmem>>) offsets(%dma_start3A_49 : memref<64xi32, #tpu.memory_space<vmem>>) semaphore(%arg12 : memref<!tpu.dma_semaphore, #tpu.memory_space<semaphore_mem>>)
      %dma_start3A_53 = arith.constant 1 : i32
      %dma_start3A_54 = arith.constant 0 : i32
      %dma_start3A_55 = tpu.memref_slice %arg5[%dma_start3A_53, %add3A_45, %dma_start3A_54] : memref<2x8x64xi32, #tpu.memory_space<vmem>> -> memref<1x1x64xi32, #tpu.memory_space<vmem>>
      %dma_start3A_56 = tpu.memref_squeeze %dma_start3A_55 : memref<1x1x64xi32, #tpu.memory_space<vmem>> -> memref<64xi32, #tpu.memory_space<vmem>>
      %dma_start3A_57 = arith.constant 0 : i32
      %dma_start3A_58 = arith.constant 0 : i32
      %dma_start3A_59 = tpu.memref_slice %arg2[%dma_start3A_57, %dma_start3A_58] : memref<100000x128xf32, #tpu.memory_space<hbm>> -> memref<100000x128xf32, #tpu.memory_space<hbm>>
      tpu.enqueue_indirect_dma source(%dma_start3A_59 : memref<100000x128xf32, #tpu.memory_space<hbm>>) target(%arg10 : memref<64x128xf32, #tpu.memory_space<vmem>>) offsets(%dma_start3A_56 : memref<64xi32, #tpu.memory_space<vmem>>) semaphore(%arg12 : memref<!tpu.dma_semaphore, #tpu.memory_space<semaphore_mem>>)
      %dma_wait3A_60 = arith.constant 0 : i32
      %dma_wait3A_61 = arith.constant 0 : i32
      %dma_wait3A_62 = arith.constant 0 : i32
      %dma_wait3A_63 = tpu.memref_slice %arg5[%dma_wait3A_60, %dma_wait3A_61, %dma_wait3A_62] : memref<2x8x64xi32, #tpu.memory_space<vmem>> -> memref<1x1x64xi32, #tpu.memory_space<vmem>>
      %dma_wait3A_64 = tpu.memref_squeeze %dma_wait3A_63 : memref<1x1x64xi32, #tpu.memory_space<vmem>> -> memref<64xi32, #tpu.memory_space<vmem>>
      %dma_wait3A_65 = arith.constant 0 : i32
      %dma_wait3A_66 = arith.constant 0 : i32
      %dma_wait3A_67 = tpu.memref_slice %arg2[%dma_wait3A_65, %dma_wait3A_66] : memref<100000x128xf32, #tpu.memory_space<hbm>> -> memref<100000x128xf32, #tpu.memory_space<hbm>>
      tpu.wait_indirect_dma semaphore(%arg11 : memref<!tpu.dma_semaphore, #tpu.memory_space<semaphore_mem>>) src(%dma_wait3A_67 : memref<100000x128xf32, #tpu.memory_space<hbm>>) dst(%arg7 : memref<64x128xf32, #tpu.memory_space<vmem>>)
      %dma_wait3A_68 = arith.constant 1 : i32
      %dma_wait3A_69 = arith.constant 0 : i32
      %dma_wait3A_70 = arith.constant 0 : i32
      %dma_wait3A_71 = tpu.memref_slice %arg5[%dma_wait3A_68, %dma_wait3A_69, %dma_wait3A_70] : memref<2x8x64xi32, #tpu.memory_space<vmem>> -> memref<1x1x64xi32, #tpu.memory_space<vmem>>
      %dma_wait3A_72 = tpu.memref_squeeze %dma_wait3A_71 : memref<1x1x64xi32, #tpu.memory_space<vmem>> -> memref<64xi32, #tpu.memory_space<vmem>>
      %dma_wait3A_73 = arith.constant 0 : i32
      %dma_wait3A_74 = arith.constant 0 : i32
      %dma_wait3A_75 = tpu.memref_slice %arg2[%dma_wait3A_73, %dma_wait3A_74] : memref<100000x128xf32, #tpu.memory_space<hbm>> -> memref<100000x128xf32, #tpu.memory_space<hbm>>
      tpu.wait_indirect_dma semaphore(%arg11 : memref<!tpu.dma_semaphore, #tpu.memory_space<semaphore_mem>>) src(%dma_wait3A_75 : memref<100000x128xf32, #tpu.memory_space<hbm>>) dst(%arg8 : memref<64x128xf32, #tpu.memory_space<vmem>>)
      %scan3A_76 = arith.constant 0 : i32
      %scan3A_77 = arith.constant 0 : i32
      %scan3A_78 = arith.constant 64 : i32
      %scan3A_79 = arith.addi %scan3A_77, %scan3A_78 : i32
      %scan3A_80 = arith.constant 1 : i32
      scf.for %scan3A_135 = %scan3A_77 to %scan3A_79 step %scan3A_80  : i32 {
        %jit3A = arith.constant 2 : i32
        %div3A = arith.divsi %scan3A_135, %jit3A : i32
        %sign3A = arith.constant 0 : i32
        %sign3A_136 = arith.cmpi sgt, %scan3A_135, %sign3A : i32
        %sign3A_137 = arith.extui %sign3A_136 : i1 to i32
        %sign3A_138 = arith.constant 0 : i32
        %sign3A_139 = arith.cmpi slt, %scan3A_135, %sign3A_138 : i32
        %sign3A_140 = arith.extui %sign3A_139 : i1 to i32
        %sign3A_141 = arith.subi %sign3A_137, %sign3A_140 : i32
        %sign3A_142 = arith.constant 0 : i32
        %sign3A_143 = arith.cmpi sgt, %jit3A, %sign3A_142 : i32
        %sign3A_144 = arith.extui %sign3A_143 : i1 to i32
        %sign3A_145 = arith.constant 0 : i32
        %sign3A_146 = arith.cmpi slt, %jit3A, %sign3A_145 : i32
        %sign3A_147 = arith.extui %sign3A_146 : i1 to i32
        %sign3A_148 = arith.subi %sign3A_144, %sign3A_147 : i32
        %ne3A = arith.cmpi ne, %sign3A_141, %sign3A_148 : i32
        %rem3A = arith.remsi %scan3A_135, %jit3A : i32
        %ne3A_149 = arith.constant 0 : i32
        %ne3A_150 = arith.cmpi ne, %rem3A, %ne3A_149 : i32
        %and3A = arith.andi %ne3A, %ne3A_150 : i1
        %sub3A = arith.constant 1 : i32
        %sub3A_151 = arith.subi %div3A, %sub3A : i32
        %select_n3A = arith.select %and3A, %sub3A_151, %div3A : i32
        %jit3A_152 = arith.constant 2 : i32
        %eq3A = arith.constant 0 : i32
        %eq3A_153 = arith.cmpi eq, %jit3A_152, %eq3A : i32
        %jit3A_154 = arith.constant 1 : i32
        %select_n3A_155 = arith.select %eq3A_153, %jit3A_154, %jit3A_152 : i32
        %rem3A_156 = arith.remsi %scan3A_135, %select_n3A_155 : i32
        %ne3A_157 = arith.constant 0 : i32
        %ne3A_158 = arith.cmpi ne, %rem3A_156, %ne3A_157 : i32
        %lt3A = arith.constant 0 : i32
        %lt3A_159 = arith.cmpi slt, %rem3A_156, %lt3A : i32
        %lt3A_160 = arith.constant 0 : i32
        %lt3A_161 = arith.cmpi slt, %select_n3A_155, %lt3A_160 : i32
        %ne3A_162 = arith.xori %lt3A_159, %lt3A_161 : i1
        %and3A_163 = arith.andi %ne3A_162, %ne3A_158 : i1
        %add3A_164 = arith.addi %rem3A_156, %select_n3A_155 : i32
        %select_n3A_165 = arith.select %and3A_163, %add3A_164, %rem3A_156 : i32
        %mul3A_166 = arith.constant 64 : i32
        %mul3A_167 = arith.muli %select_n3A_165, %mul3A_166 : i32
        %get3A = arith.index_cast %scan3A_135 : i32 to index
        %get3A_168 = arith.constant 0 : index
        %get3A_169 = tpu.vector_load %arg7[%get3A, %get3A_168] {strides = array<i32>} : memref<64x128xf32, #tpu.memory_space<vmem>>, vector<16xf32>,
        %get3A_170 = arith.index_cast %scan3A_135 : i32 to index
        %get3A_171 = arith.constant 64 : index
        %get3A_172 = tpu.vector_load %arg8[%get3A_170, %get3A_171] {strides = array<i32>} : memref<64x128xf32, #tpu.memory_space<vmem>>, vector<16xf32>,
        %add3A_173 = arith.addf %get3A_169, %get3A_172 : vector<16xf32>
        %add3A_174 = arith.constant 0 : i32
        %add3A_175 = arith.addi %mul3A_167, %add3A_174 : i32
        %swap3A = arith.index_cast %select_n3A : i32 to index
        %swap3A_176 = arith.index_cast %add3A_175 : i32 to index
        %swap3A_177 = tpu.vector_load %arg6[%swap3A, %swap3A_176] {strides = array<i32>} : memref<32x128xf32, #tpu.memory_space<vmem>>, vector<16xf32>,
        tpu.vector_store %arg6[%swap3A, %swap3A_176], %add3A_173 {strides = array<i32>} : memref<32x128xf32, #tpu.memory_space<vmem>>, vector<16xf32>,
        %get3A_178 = arith.index_cast %scan3A_135 : i32 to index
        %get3A_179 = arith.constant 16 : index
        %get3A_180 = tpu.vector_load %arg7[%get3A_178, %get3A_179] {strides = array<i32>} : memref<64x128xf32, #tpu.memory_space<vmem>>, vector<16xf32>,
        %get3A_181 = arith.index_cast %scan3A_135 : i32 to index
        %get3A_182 = arith.constant 80 : index
        %get3A_183 = tpu.vector_load %arg8[%get3A_181, %get3A_182] {strides = array<i32>} : memref<64x128xf32, #tpu.memory_space<vmem>>, vector<16xf32>,
        %add3A_184 = arith.addf %get3A_180, %get3A_183 : vector<16xf32>
        %add3A_185 = arith.constant 16 : i32
        %add3A_186 = arith.addi %mul3A_167, %add3A_185 : i32
        %swap3A_187 = arith.index_cast %select_n3A : i32 to index
        %swap3A_188 = arith.index_cast %add3A_186 : i32 to index
        %swap3A_189 = tpu.vector_load %arg6[%swap3A_187, %swap3A_188] {strides = array<i32>} : memref<32x128xf32, #tpu.memory_space<vmem>>, vector<16xf32>,
        tpu.vector_store %arg6[%swap3A_187, %swap3A_188], %add3A_184 {strides = array<i32>} : memref<32x128xf32, #tpu.memory_space<vmem>>, vector<16xf32>,
        %get3A_190 = arith.index_cast %scan3A_135 : i32 to index
        %get3A_191 = arith.constant 32 : index
        %get3A_192 = tpu.vector_load %arg7[%get3A_190, %get3A_191] {strides = array<i32>} : memref<64x128xf32, #tpu.memory_space<vmem>>, vector<16xf32>,
        %get3A_193 = arith.index_cast %scan3A_135 : i32 to index
        %get3A_194 = arith.constant 96 : index
        %get3A_195 = tpu.vector_load %arg8[%get3A_193, %get3A_194] {strides = array<i32>} : memref<64x128xf32, #tpu.memory_space<vmem>>, vector<16xf32>,
        %add3A_196 = arith.addf %get3A_192, %get3A_195 : vector<16xf32>
        %add3A_197 = arith.constant 32 : i32
        %add3A_198 = arith.addi %mul3A_167, %add3A_197 : i32
        %swap3A_199 = arith.index_cast %select_n3A : i32 to index
        %swap3A_200 = arith.index_cast %add3A_198 : i32 to index
        %swap3A_201 = tpu.vector_load %arg6[%swap3A_199, %swap3A_200] {strides = array<i32>} : memref<32x128xf32, #tpu.memory_space<vmem>>, vector<16xf32>,
        tpu.vector_store %arg6[%swap3A_199, %swap3A_200], %add3A_196 {strides = array<i32>} : memref<32x128xf32, #tpu.memory_space<vmem>>, vector<16xf32>,
        %get3A_202 = arith.index_cast %scan3A_135 : i32 to index
        %get3A_203 = arith.constant 48 : index
        %get3A_204 = tpu.vector_load %arg7[%get3A_202, %get3A_203] {strides = array<i32>} : memref<64x128xf32, #tpu.memory_space<vmem>>, vector<16xf32>,
        %get3A_205 = arith.index_cast %scan3A_135 : i32 to index
        %get3A_206 = arith.constant 112 : index
        %get3A_207 = tpu.vector_load %arg8[%get3A_205, %get3A_206] {strides = array<i32>} : memref<64x128xf32, #tpu.memory_space<vmem>>, vector<16xf32>,
        %add3A_208 = arith.addf %get3A_204, %get3A_207 : vector<16xf32>
        %add3A_209 = arith.constant 48 : i32
        %add3A_210 = arith.addi %mul3A_167, %add3A_209 : i32
        %swap3A_211 = arith.index_cast %select_n3A : i32 to index
        %swap3A_212 = arith.index_cast %add3A_210 : i32 to index
        %swap3A_213 = tpu.vector_load %arg6[%swap3A_211, %swap3A_212] {strides = array<i32>} : memref<32x128xf32, #tpu.memory_space<vmem>>, vector<16xf32>,
        tpu.vector_store %arg6[%swap3A_211, %swap3A_212], %add3A_208 {strides = array<i32>} : memref<32x128xf32, #tpu.memory_space<vmem>>, vector<16xf32>,
      }
      %scan3A_81 = arith.constant 64 : i32
      %mul3A_82 = arith.constant 8 : i32
      %mul3A_83 = arith.muli %add3A, %mul3A_82 : i32
      %add3A_84 = arith.addi %mul3A_83, %mul3A_43 : i32
      %mul3A_85 = arith.constant 32 : i32
      %mul3A_86 = arith.muli %add3A_84, %mul3A_85 : i32
      %multiple_of3A_87 = tpu.assume_multiple %mul3A_86, 8 : i32
      "tpu.region"() ({
        %run_scoped3A_135 = tpu.sem_alloc : memref<!tpu.dma_semaphore, #tpu.memory_space<semaphore_mem>>
        %dma_start3A_136 = arith.constant 0 : i32
        %dma_start3A_137 = tpu.memref_slice %arg4[%multiple_of3A_87, %dma_start3A_136] : memref<8192x128xf32, #tpu.memory_space<hbm>> -> memref<32x128xf32, #tpu.memory_space<hbm>>
        %dma_start3A_138 = arith.constant 0 : i32
        %dma_start3A_139 = tpu.memref_slice %arg4[%multiple_of3A_87, %dma_start3A_138] : memref<8192x128xf32, #tpu.memory_space<hbm>> -> memref<32x128xf32, #tpu.memory_space<hbm>>
        tpu.enqueue_dma source(%arg6 : memref<32x128xf32, #tpu.memory_space<vmem>>) target(%dma_start3A_139 : memref<32x128xf32, #tpu.memory_space<hbm>>) target_semaphore(%run_scoped3A_135 : memref<!tpu.dma_semaphore, #tpu.memory_space<semaphore_mem>>)
        %dma_wait3A_140 = arith.constant 0 : i32
        %dma_wait3A_141 = tpu.memref_slice %arg4[%multiple_of3A_87, %dma_wait3A_140] : memref<8192x128xf32, #tpu.memory_space<hbm>> -> memref<32x128xf32, #tpu.memory_space<hbm>>
        %dma_wait3A_142 = arith.constant 0 : i32
        %dma_wait3A_143 = tpu.memref_slice %arg4[%multiple_of3A_87, %dma_wait3A_142] : memref<8192x128xf32, #tpu.memory_space<hbm>> -> memref<32x128xf32, #tpu.memory_space<hbm>>
        tpu.wait_dma2 semaphore(%run_scoped3A_135 : memref<!tpu.dma_semaphore, #tpu.memory_space<semaphore_mem>>) src(%arg6 : memref<32x128xf32, #tpu.memory_space<vmem>>) dst(%dma_wait3A_143 : memref<32x128xf32, #tpu.memory_space<hbm>>)
        tpu.yield
      }) : () -> ()
      %add3A_88 = arith.constant 2 : i32
      %add3A_89 = arith.addi %mul3A_43, %add3A_88 : i32
      %min3A = arith.constant 7 : i32
      %min3A_90 = arith.minsi %add3A_89, %min3A : i32
      %dma_start3A_91 = arith.constant 0 : i32
      %dma_start3A_92 = arith.constant 0 : i32
      %dma_start3A_93 = tpu.memref_slice %arg5[%dma_start3A_91, %min3A_90, %dma_start3A_92] : memref<2x8x64xi32, #tpu.memory_space<vmem>> -> memref<1x1x64xi32, #tpu.memory_space<vmem>>
      %dma_start3A_94 = tpu.memref_squeeze %dma_start3A_93 : memref<1x1x64xi32, #tpu.memory_space<vmem>> -> memref<64xi32, #tpu.memory_space<vmem>>
      %dma_start3A_95 = arith.constant 0 : i32
      %dma_start3A_96 = arith.constant 0 : i32
      %dma_start3A_97 = tpu.memref_slice %arg2[%dma_start3A_95, %dma_start3A_96] : memref<100000x128xf32, #tpu.memory_space<hbm>> -> memref<100000x128xf32, #tpu.memory_space<hbm>>
      tpu.enqueue_indirect_dma source(%dma_start3A_97 : memref<100000x128xf32, #tpu.memory_space<hbm>>) target(%arg7 : memref<64x128xf32, #tpu.memory_space<vmem>>) offsets(%dma_start3A_94 : memref<64xi32, #tpu.memory_space<vmem>>) semaphore(%arg11 : memref<!tpu.dma_semaphore, #tpu.memory_space<semaphore_mem>>)
      %dma_start3A_98 = arith.constant 1 : i32
      %dma_start3A_99 = arith.constant 0 : i32
      %dma_start3A_100 = tpu.memref_slice %arg5[%dma_start3A_98, %min3A_90, %dma_start3A_99] : memref<2x8x64xi32, #tpu.memory_space<vmem>> -> memref<1x1x64xi32, #tpu.memory_space<vmem>>
      %dma_start3A_101 = tpu.memref_squeeze %dma_start3A_100 : memref<1x1x64xi32, #tpu.memory_space<vmem>> -> memref<64xi32, #tpu.memory_space<vmem>>
      %dma_start3A_102 = arith.constant 0 : i32
      %dma_start3A_103 = arith.constant 0 : i32
      %dma_start3A_104 = tpu.memref_slice %arg2[%dma_start3A_102, %dma_start3A_103] : memref<100000x128xf32, #tpu.memory_space<hbm>> -> memref<100000x128xf32, #tpu.memory_space<hbm>>
      tpu.enqueue_indirect_dma source(%dma_start3A_104 : memref<100000x128xf32, #tpu.memory_space<hbm>>) target(%arg8 : memref<64x128xf32, #tpu.memory_space<vmem>>) offsets(%dma_start3A_101 : memref<64xi32, #tpu.memory_space<vmem>>) semaphore(%arg11 : memref<!tpu.dma_semaphore, #tpu.memory_space<semaphore_mem>>)
      %dma_wait3A_105 = arith.constant 0 : i32
      %dma_wait3A_106 = arith.constant 0 : i32
      %dma_wait3A_107 = arith.constant 0 : i32
      %dma_wait3A_108 = tpu.memref_slice %arg5[%dma_wait3A_105, %dma_wait3A_106, %dma_wait3A_107] : memref<2x8x64xi32, #tpu.memory_space<vmem>> -> memref<1x1x64xi32, #tpu.memory_space<vmem>>
      %dma_wait3A_109 = tpu.memref_squeeze %dma_wait3A_108 : memref<1x1x64xi32, #tpu.memory_space<vmem>> -> memref<64xi32, #tpu.memory_space<vmem>>
      %dma_wait3A_110 = arith.constant 0 : i32
      %dma_wait3A_111 = arith.constant 0 : i32
      %dma_wait3A_112 = tpu.memref_slice %arg2[%dma_wait3A_110, %dma_wait3A_111] : memref<100000x128xf32, #tpu.memory_space<hbm>> -> memref<100000x128xf32, #tpu.memory_space<hbm>>
      tpu.wait_indirect_dma semaphore(%arg12 : memref<!tpu.dma_semaphore, #tpu.memory_space<semaphore_mem>>) src(%dma_wait3A_112 : memref<100000x128xf32, #tpu.memory_space<hbm>>) dst(%arg9 : memref<64x128xf32, #tpu.memory_space<vmem>>)
      %dma_wait3A_113 = arith.constant 1 : i32
      %dma_wait3A_114 = arith.constant 0 : i32
      %dma_wait3A_115 = arith.constant 0 : i32
      %dma_wait3A_116 = tpu.memref_slice %arg5[%dma_wait3A_113, %dma_wait3A_114, %dma_wait3A_115] : memref<2x8x64xi32, #tpu.memory_space<vmem>> -> memref<1x1x64xi32, #tpu.memory_space<vmem>>
      %dma_wait3A_117 = tpu.memref_squeeze %dma_wait3A_116 : memref<1x1x64xi32, #tpu.memory_space<vmem>> -> memref<64xi32, #tpu.memory_space<vmem>>
      %dma_wait3A_118 = arith.constant 0 : i32
      %dma_wait3A_119 = arith.constant 0 : i32
      %dma_wait3A_120 = tpu.memref_slice %arg2[%dma_wait3A_118, %dma_wait3A_119] : memref<100000x128xf32, #tpu.memory_space<hbm>> -> memref<100000x128xf32, #tpu.memory_space<hbm>>
      tpu.wait_indirect_dma semaphore(%arg12 : memref<!tpu.dma_semaphore, #tpu.memory_space<semaphore_mem>>) src(%dma_wait3A_120 : memref<100000x128xf32, #tpu.memory_space<hbm>>) dst(%arg10 : memref<64x128xf32, #tpu.memory_space<vmem>>)
      %add3A_121 = arith.constant 1 : i32
      %add3A_122 = arith.addi %mul3A_43, %add3A_121 : i32
      %scan3A_123 = arith.constant 0 : i32
      %scan3A_124 = arith.constant 0 : i32
      %scan3A_125 = arith.constant 64 : i32
      %scan3A_126 = arith.addi %scan3A_124, %scan3A_125 : i32
      %scan3A_127 = arith.constant 1 : i32
      scf.for %scan3A_135 = %scan3A_124 to %scan3A_126 step %scan3A_127  : i32 {
        %jit3A = arith.constant 2 : i32
        %div3A = arith.divsi %scan3A_135, %jit3A : i32
        %sign3A = arith.constant 0 : i32
        %sign3A_136 = arith.cmpi sgt, %scan3A_135, %sign3A : i32
        %sign3A_137 = arith.extui %sign3A_136 : i1 to i32
        %sign3A_138 = arith.constant 0 : i32
        %sign3A_139 = arith.cmpi slt, %scan3A_135, %sign3A_138 : i32
        %sign3A_140 = arith.extui %sign3A_139 : i1 to i32
        %sign3A_141 = arith.subi %sign3A_137, %sign3A_140 : i32
        %sign3A_142 = arith.constant 0 : i32
        %sign3A_143 = arith.cmpi sgt, %jit3A, %sign3A_142 : i32
        %sign3A_144 = arith.extui %sign3A_143 : i1 to i32
        %sign3A_145 = arith.constant 0 : i32
        %sign3A_146 = arith.cmpi slt, %jit3A, %sign3A_145 : i32
        %sign3A_147 = arith.extui %sign3A_146 : i1 to i32
        %sign3A_148 = arith.subi %sign3A_144, %sign3A_147 : i32
        %ne3A = arith.cmpi ne, %sign3A_141, %sign3A_148 : i32
        %rem3A = arith.remsi %scan3A_135, %jit3A : i32
        %ne3A_149 = arith.constant 0 : i32
        %ne3A_150 = arith.cmpi ne, %rem3A, %ne3A_149 : i32
        %and3A = arith.andi %ne3A, %ne3A_150 : i1
        %sub3A = arith.constant 1 : i32
        %sub3A_151 = arith.subi %div3A, %sub3A : i32
        %select_n3A = arith.select %and3A, %sub3A_151, %div3A : i32
        %jit3A_152 = arith.constant 2 : i32
        %eq3A = arith.constant 0 : i32
        %eq3A_153 = arith.cmpi eq, %jit3A_152, %eq3A : i32
        %jit3A_154 = arith.constant 1 : i32
        %select_n3A_155 = arith.select %eq3A_153, %jit3A_154, %jit3A_152 : i32
        %rem3A_156 = arith.remsi %scan3A_135, %select_n3A_155 : i32
        %ne3A_157 = arith.constant 0 : i32
        %ne3A_158 = arith.cmpi ne, %rem3A_156, %ne3A_157 : i32
        %lt3A = arith.constant 0 : i32
        %lt3A_159 = arith.cmpi slt, %rem3A_156, %lt3A : i32
        %lt3A_160 = arith.constant 0 : i32
        %lt3A_161 = arith.cmpi slt, %select_n3A_155, %lt3A_160 : i32
        %ne3A_162 = arith.xori %lt3A_159, %lt3A_161 : i1
        %and3A_163 = arith.andi %ne3A_162, %ne3A_158 : i1
        %add3A_164 = arith.addi %rem3A_156, %select_n3A_155 : i32
        %select_n3A_165 = arith.select %and3A_163, %add3A_164, %rem3A_156 : i32
        %mul3A_166 = arith.constant 64 : i32
        %mul3A_167 = arith.muli %select_n3A_165, %mul3A_166 : i32
        %get3A = arith.index_cast %scan3A_135 : i32 to index
        %get3A_168 = arith.constant 0 : index
        %get3A_169 = tpu.vector_load %arg9[%get3A, %get3A_168] {strides = array<i32>} : memref<64x128xf32, #tpu.memory_space<vmem>>, vector<16xf32>,
        %get3A_170 = arith.index_cast %scan3A_135 : i32 to index
        %get3A_171 = arith.constant 64 : index
        %get3A_172 = tpu.vector_load %arg10[%get3A_170, %get3A_171] {strides = array<i32>} : memref<64x128xf32, #tpu.memory_space<vmem>>, vector<16xf32>,
        %add3A_173 = arith.addf %get3A_169, %get3A_172 : vector<16xf32>
        %add3A_174 = arith.constant 0 : i32
        %add3A_175 = arith.addi %mul3A_167, %add3A_174 : i32
        %swap3A = arith.index_cast %select_n3A : i32 to index
        %swap3A_176 = arith.index_cast %add3A_175 : i32 to index
        %swap3A_177 = tpu.vector_load %arg6[%swap3A, %swap3A_176] {strides = array<i32>} : memref<32x128xf32, #tpu.memory_space<vmem>>, vector<16xf32>,
        tpu.vector_store %arg6[%swap3A, %swap3A_176], %add3A_173 {strides = array<i32>} : memref<32x128xf32, #tpu.memory_space<vmem>>, vector<16xf32>,
        %get3A_178 = arith.index_cast %scan3A_135 : i32 to index
        %get3A_179 = arith.constant 16 : index
        %get3A_180 = tpu.vector_load %arg9[%get3A_178, %get3A_179] {strides = array<i32>} : memref<64x128xf32, #tpu.memory_space<vmem>>, vector<16xf32>,
        %get3A_181 = arith.index_cast %scan3A_135 : i32 to index
        %get3A_182 = arith.constant 80 : index
        %get3A_183 = tpu.vector_load %arg10[%get3A_181, %get3A_182] {strides = array<i32>} : memref<64x128xf32, #tpu.memory_space<vmem>>, vector<16xf32>,
        %add3A_184 = arith.addf %get3A_180, %get3A_183 : vector<16xf32>
        %add3A_185 = arith.constant 16 : i32
        %add3A_186 = arith.addi %mul3A_167, %add3A_185 : i32
        %swap3A_187 = arith.index_cast %select_n3A : i32 to index
        %swap3A_188 = arith.index_cast %add3A_186 : i32 to index
        %swap3A_189 = tpu.vector_load %arg6[%swap3A_187, %swap3A_188] {strides = array<i32>} : memref<32x128xf32, #tpu.memory_space<vmem>>, vector<16xf32>,
        tpu.vector_store %arg6[%swap3A_187, %swap3A_188], %add3A_184 {strides = array<i32>} : memref<32x128xf32, #tpu.memory_space<vmem>>, vector<16xf32>,
        %get3A_190 = arith.index_cast %scan3A_135 : i32 to index
        %get3A_191 = arith.constant 32 : index
        %get3A_192 = tpu.vector_load %arg9[%get3A_190, %get3A_191] {strides = array<i32>} : memref<64x128xf32, #tpu.memory_space<vmem>>, vector<16xf32>,
        %get3A_193 = arith.index_cast %scan3A_135 : i32 to index
        %get3A_194 = arith.constant 96 : index
        %get3A_195 = tpu.vector_load %arg10[%get3A_193, %get3A_194] {strides = array<i32>} : memref<64x128xf32, #tpu.memory_space<vmem>>, vector<16xf32>,
        %add3A_196 = arith.addf %get3A_192, %get3A_195 : vector<16xf32>
        %add3A_197 = arith.constant 32 : i32
        %add3A_198 = arith.addi %mul3A_167, %add3A_197 : i32
        %swap3A_199 = arith.index_cast %select_n3A : i32 to index
        %swap3A_200 = arith.index_cast %add3A_198 : i32 to index
        %swap3A_201 = tpu.vector_load %arg6[%swap3A_199, %swap3A_200] {strides = array<i32>} : memref<32x128xf32, #tpu.memory_space<vmem>>, vector<16xf32>,
        tpu.vector_store %arg6[%swap3A_199, %swap3A_200], %add3A_196 {strides = array<i32>} : memref<32x128xf32, #tpu.memory_space<vmem>>, vector<16xf32>,
        %get3A_202 = arith.index_cast %scan3A_135 : i32 to index
        %get3A_203 = arith.constant 48 : index
        %get3A_204 = tpu.vector_load %arg9[%get3A_202, %get3A_203] {strides = array<i32>} : memref<64x128xf32, #tpu.memory_space<vmem>>, vector<16xf32>,
        %get3A_205 = arith.index_cast %scan3A_135 : i32 to index
        %get3A_206 = arith.constant 112 : index
        %get3A_207 = tpu.vector_load %arg10[%get3A_205, %get3A_206] {strides = array<i32>} : memref<64x128xf32, #tpu.memory_space<vmem>>, vector<16xf32>,
        %add3A_208 = arith.addf %get3A_204, %get3A_207 : vector<16xf32>
        %add3A_209 = arith.constant 48 : i32
        %add3A_210 = arith.addi %mul3A_167, %add3A_209 : i32
        %swap3A_211 = arith.index_cast %select_n3A : i32 to index
        %swap3A_212 = arith.index_cast %add3A_210 : i32 to index
        %swap3A_213 = tpu.vector_load %arg6[%swap3A_211, %swap3A_212] {strides = array<i32>} : memref<32x128xf32, #tpu.memory_space<vmem>>, vector<16xf32>,
        tpu.vector_store %arg6[%swap3A_211, %swap3A_212], %add3A_208 {strides = array<i32>} : memref<32x128xf32, #tpu.memory_space<vmem>>, vector<16xf32>,
      }
      %scan3A_128 = arith.constant 64 : i32
      %mul3A_129 = arith.constant 8 : i32
      %mul3A_130 = arith.muli %add3A, %mul3A_129 : i32
      %add3A_131 = arith.addi %mul3A_130, %add3A_122 : i32
      %mul3A_132 = arith.constant 32 : i32
      %mul3A_133 = arith.muli %add3A_131, %mul3A_132 : i32
      %multiple_of3A_134 = tpu.assume_multiple %mul3A_133, 8 : i32
      "tpu.region"() ({
        %run_scoped3A_135 = tpu.sem_alloc : memref<!tpu.dma_semaphore, #tpu.memory_space<semaphore_mem>>
        %dma_start3A_136 = arith.constant 0 : i32
        %dma_start3A_137 = tpu.memref_slice %arg4[%multiple_of3A_134, %dma_start3A_136] : memref<8192x128xf32, #tpu.memory_space<hbm>> -> memref<32x128xf32, #tpu.memory_space<hbm>>
        %dma_start3A_138 = arith.constant 0 : i32
        %dma_start3A_139 = tpu.memref_slice %arg4[%multiple_of3A_134, %dma_start3A_138] : memref<8192x128xf32, #tpu.memory_space<hbm>> -> memref<32x128xf32, #tpu.memory_space<hbm>>
        tpu.enqueue_dma source(%arg6 : memref<32x128xf32, #tpu.memory_space<vmem>>) target(%dma_start3A_139 : memref<32x128xf32, #tpu.memory_space<hbm>>) target_semaphore(%run_scoped3A_135 : memref<!tpu.dma_semaphore, #tpu.memory_space<semaphore_mem>>)
        %dma_wait3A_140 = arith.constant 0 : i32
        %dma_wait3A_141 = tpu.memref_slice %arg4[%multiple_of3A_134, %dma_wait3A_140] : memref<8192x128xf32, #tpu.memory_space<hbm>> -> memref<32x128xf32, #tpu.memory_space<hbm>>
        %dma_wait3A_142 = arith.constant 0 : i32
        %dma_wait3A_143 = tpu.memref_slice %arg4[%multiple_of3A_134, %dma_wait3A_142] : memref<8192x128xf32, #tpu.memory_space<hbm>> -> memref<32x128xf32, #tpu.memory_space<hbm>>
        tpu.wait_dma2 semaphore(%run_scoped3A_135 : memref<!tpu.dma_semaphore, #tpu.memory_space<semaphore_mem>>) src(%arg6 : memref<32x128xf32, #tpu.memory_space<vmem>>) dst(%dma_wait3A_143 : memref<32x128xf32, #tpu.memory_space<hbm>>)
        tpu.yield
      }) : () -> ()
    }
    %scan3A_25 = arith.constant 4 : i32
    %dma_wait3A = arith.constant 0 : i32
    %dma_wait3A_26 = arith.constant 0 : i32
    %dma_wait3A_27 = arith.constant 0 : i32
    %dma_wait3A_28 = tpu.memref_slice %arg5[%dma_wait3A, %dma_wait3A_26, %dma_wait3A_27] : memref<2x8x64xi32, #tpu.memory_space<vmem>> -> memref<1x1x64xi32, #tpu.memory_space<vmem>>
    %dma_wait3A_29 = tpu.memref_squeeze %dma_wait3A_28 : memref<1x1x64xi32, #tpu.memory_space<vmem>> -> memref<64xi32, #tpu.memory_space<vmem>>
    %dma_wait3A_30 = arith.constant 0 : i32
    %dma_wait3A_31 = arith.constant 0 : i32
    %dma_wait3A_32 = tpu.memref_slice %arg2[%dma_wait3A_30, %dma_wait3A_31] : memref<100000x128xf32, #tpu.memory_space<hbm>> -> memref<100000x128xf32, #tpu.memory_space<hbm>>
    tpu.wait_indirect_dma semaphore(%arg11 : memref<!tpu.dma_semaphore, #tpu.memory_space<semaphore_mem>>) src(%dma_wait3A_32 : memref<100000x128xf32, #tpu.memory_space<hbm>>) dst(%arg7 : memref<64x128xf32, #tpu.memory_space<vmem>>)
    %dma_wait3A_33 = arith.constant 1 : i32
    %dma_wait3A_34 = arith.constant 0 : i32
    %dma_wait3A_35 = arith.constant 0 : i32
    %dma_wait3A_36 = tpu.memref_slice %arg5[%dma_wait3A_33, %dma_wait3A_34, %dma_wait3A_35] : memref<2x8x64xi32, #tpu.memory_space<vmem>> -> memref<1x1x64xi32, #tpu.memory_space<vmem>>
    %dma_wait3A_37 = tpu.memref_squeeze %dma_wait3A_36 : memref<1x1x64xi32, #tpu.memory_space<vmem>> -> memref<64xi32, #tpu.memory_space<vmem>>
    %dma_wait3A_38 = arith.constant 0 : i32
    %dma_wait3A_39 = arith.constant 0 : i32
    %dma_wait3A_40 = tpu.memref_slice %arg2[%dma_wait3A_38, %dma_wait3A_39] : memref<100000x128xf32, #tpu.memory_space<hbm>> -> memref<100000x128xf32, #tpu.memory_space<hbm>>
    tpu.wait_indirect_dma semaphore(%arg11 : memref<!tpu.dma_semaphore, #tpu.memory_space<semaphore_mem>>) src(%dma_wait3A_40 : memref<100000x128xf32, #tpu.memory_space<hbm>>) dst(%arg8 : memref<64x128xf32, #tpu.memory_space<vmem>>)
    return
  }
}

module attributes {stable_mosaic.version = 14 : i64} {
  func.func @tc_fn(%arg0: memref<128x128xf32, #tpu.memory_space<vmem>>, %arg1: memref<640x128xf32, #tpu.memory_space<vmem>>, %arg2: memref<1x1xf32, #tpu.memory_space<smem>>) attributes {dimension_semantics = [], scalar_prefetch = 0 : i64, scratch_operands = 0 : i64, tpu.core_type = #tpu.core_type<tc>} {
    %get3A = arith.constant 0 : index
    %get3A_0 = arith.constant 0 : index
    %get3A_1 = vector.load %arg0[%get3A, %get3A_0] : memref<128x128xf32, #tpu.memory_space<vmem>>, vector<128x128xf32>
    %mul3A = arith.constant 6.250000e-02 : f32
    %mul3A_2 = vector.broadcast %mul3A : f32 to vector<128x128xf32>
    %mul3A_3 = arith.mulf %mul3A_2, %get3A_1 : vector<128x128xf32>
    %jit3A = arith.constant -1.000000e+01 : f32
    %jit3A_4 = arith.constant 1.000000e+01 : f32
    %max3A = vector.broadcast %jit3A : f32 to vector<128x128xf32>
    %max3A_5 = arith.maximumf %max3A, %mul3A_3 : vector<128x128xf32>
    %min3A = vector.broadcast %jit3A_4 : f32 to vector<128x128xf32>
    %min3A_6 = arith.minimumf %min3A, %max3A_5 : vector<128x128xf32>
    %get3A_7 = arith.constant 0 : index
    %get3A_8 = arith.constant 0 : index
    %get3A_9 = vector.load %arg1[%get3A_7, %get3A_8] : memref<640x128xf32, #tpu.memory_space<vmem>>, vector<640x128xf32>
    %mul3A_10 = arith.constant 6.250000e-02 : f32
    %mul3A_11 = vector.broadcast %mul3A_10 : f32 to vector<640x128xf32>
    %mul3A_12 = arith.mulf %mul3A_11, %get3A_9 : vector<640x128xf32>
    %jit3A_13 = arith.constant -1.000000e+01 : f32
    %jit3A_14 = arith.constant 1.000000e+01 : f32
    %max3A_15 = vector.broadcast %jit3A_13 : f32 to vector<640x128xf32>
    %max3A_16 = arith.maximumf %max3A_15, %mul3A_12 : vector<640x128xf32>
    %min3A_17 = vector.broadcast %jit3A_14 : f32 to vector<640x128xf32>
    %min3A_18 = arith.minimumf %min3A_17, %max3A_16 : vector<640x128xf32>
    %neg3A = arith.constant 0.000000e+00 : f32
    %neg3A_19 = vector.broadcast %neg3A : f32 to vector<128x128xf32>
    %neg3A_20 = arith.subf %neg3A_19, %min3A_6 : vector<128x128xf32>
    %exp3A = math.exp %neg3A_20 : vector<128x128xf32>
    %add3A = arith.constant 1.000000e+00 : f32
    %add3A_21 = vector.broadcast %add3A : f32 to vector<128x128xf32>
    %add3A_22 = arith.addf %add3A_21, %exp3A : vector<128x128xf32>
    %log3A = math.log %add3A_22 : vector<128x128xf32>
    %reduce_sum3A = vector.shape_cast %log3A : vector<128x128xf32> to vector<1x128x128xf32>
    %reduce_sum3A_23 = arith.constant dense<0.000000e+00> : vector<1xf32>
    %reduce_sum3A_24 = vector.multi_reduction <add>, %reduce_sum3A, %reduce_sum3A_23 [1, 2] : vector<1x128x128xf32> to vector<1xf32>
    %reduce_sum3A_25 = vector.shape_cast %reduce_sum3A_24 : vector<1xf32> to vector<1x1x1xf32>
    %reduce_sum3A_26 = vector.extract %reduce_sum3A_25[0, 0, 0] : f32 from vector<1x1x1xf32>
    %exp3A_27 = math.exp %min3A_18 : vector<640x128xf32>
    %add3A_28 = arith.constant 1.000000e+00 : f32
    %add3A_29 = vector.broadcast %add3A_28 : f32 to vector<640x128xf32>
    %add3A_30 = arith.addf %add3A_29, %exp3A_27 : vector<640x128xf32>
    %log3A_31 = math.log %add3A_30 : vector<640x128xf32>
    %reduce_sum3A_32 = vector.shape_cast %log3A_31 : vector<640x128xf32> to vector<1x640x128xf32>
    %reduce_sum3A_33 = arith.constant dense<0.000000e+00> : vector<1xf32>
    %reduce_sum3A_34 = vector.multi_reduction <add>, %reduce_sum3A_32, %reduce_sum3A_33 [1, 2] : vector<1x640x128xf32> to vector<1xf32>
    %reduce_sum3A_35 = vector.shape_cast %reduce_sum3A_34 : vector<1xf32> to vector<1x1x1xf32>
    %reduce_sum3A_36 = vector.extract %reduce_sum3A_35[0, 0, 0] : f32 from vector<1x1x1xf32>
    %add3A_37 = arith.addf %reduce_sum3A_26, %reduce_sum3A_36 : f32
    %mul3A_38 = arith.constant 6.10351563E-5 : f32
    %mul3A_39 = arith.mulf %add3A_37, %mul3A_38 : f32
    %swap3A = arith.constant 0 : index
    %swap3A_40 = arith.constant 0 : index
    %swap3A_41 = memref.load %arg2[%swap3A, %swap3A_40] : memref<1x1xf32, #tpu.memory_space<smem>>
    memref.store %mul3A_39, %arg2[%swap3A, %swap3A_40] : memref<1x1xf32, #tpu.memory_space<smem>>
    return
  }
}

</mosaic_0001>

<sc_bundles>
// kernel: kernel.5.cloned.1.call-start
scs
__scs_entry_jumppad:
0x0: {  	(pc) =	sbr.rel $0x88, $3  }
0x1: {  	(tag) =	ssettag $0x0;
	lr =	simm.s32 $0x1  }
0x2: {  	[smem:$0x3F9C] =	sst lr;
	_ =	strace $0xD0000000  }
0x3: {  	_ = 	snop  }
0x4: {  	_ = 	snop  }
0x5: {  	_ = 	snop  }
0x6: {  	_ = 	snop  }
0x7: {  	_ = 	snop  }
__scs_overlays_trampoline_lowered:
0x8: {  	[smem:$0x3FAB] =	sst s0  }
0x9: {  	[smem:$0x3FAC] =	sst s1  }
0xa: {  	[smem:$0x3FAD] =	sst s2  }
0xb: {  	[smem:$0x3FAE] =	sst s3  }
0xc: {  	[smem:$0x3FAF] =	sst s4  }
0xd: {  	[smem:$0x3FB0] =	sst s5  }
0xe: {  	[smem:$0x3FB1] =	sst s6  }
0xf: {  	[smem:$0x3FB2] =	sst s7  }
0x10: {  	[smem:$0x3FB3] =	sst s8  }
0x11: {  	[smem:$0x3FB4] =	sst s9;
	s0 =	simm.s32 @!p0 $0x0  }
0x12: {  	s1 =	sld [smem:$0x3F9A];
	s0 =	simm.s32 @p0 $0x1  }
0x13: {  	[smem:$0x3FB5] =	sst s0;
	s0 =	simm.s32 @!p1 $0x0  }
0x14: {  	s2 =	sld [smem:$0x3F99];
	s0 =	simm.s32 @p1 $0x1  }
0x15: {  	[smem:$0x3FB6] =	sst s0;
	s0 =	simm.s32 @!p2 $0x0  }
0x16: {  	s3 =	sld [smem:$0x3FDB];
	s0 =	simm.s32 @p2 $0x1  }
0x17: {  	s4 =	simm.s32 $0x1BF5;
	[smem:$0x3FB8] =	sst s0  }
0x18: {  	s0 =	sld [smem:$0x3F9B];
	_ =	swait.ge [sflag:s4], $0x0  }
0x19: {  	s7 =	sld [smem:$0x3F9C]  }
0x1a: {  	s8 =	sadd.s32 $0xFFFFE003, lr  }
0x1b: {  	s9 =	sadd.s32 $0xFFFFFEF7, lr;
	s5 =	simm.s32 $0xFFFFFFFF;
	p2 =	slt.u32 s8, $0xFFFFF086  }
0x1c: {  	p1 =	slt.u32 s9, $0xF7A;
	s5 =	simm.s32 @!p2 $0x0  }
0x1d: {  	s5 =	simm.s32 @p1 $0x1;
	p0 =	seq.s32 s7, s2  }
0x1e: {  	s7 =	smul.u32 @!p0 $0xF7A, s2;
	p2 =	seq.s32 @!p0 s5, $0x0  }
0x1f: {  	s9 =	smul.u32 $0xF7A, s1;
	s8 =	simm.s32 @!p0 $0x1BF5;
	p2 =	por !p2, p0  }
0x20: {  	[sflag:s8] =	ssyncset.s32 @!p0 $0xFFFFF086;
	s6 =	sadd.s32 @!p0 s3, s7;
	s7 =	simm.s32 @!p0 $0x108  }
0x21: {  	s3 =	sadd.s32 s3, s9;
	s6 =	sadd.s32 @!p0 $0x88, s6;
	s7 =	simm.s32 @p2 $0x1082  }
0x22: {  	[simem:s7], [sflag:s8] =	dma.local @!p0 [hbm:s6], $0xF7A  }
0x23: {  	s9 =	sor.u32 $0xD0000000, s2;
	s6 =	simm.s32 $0x108;
	_ =	swait.ge @!p0 [sflag:s8], $0x0  }
0x24: {  	s3 =	sadd.s32 $0x88, s3;
	s6 =	simm.s32 @!p1 $0x1082;
	[sflag:s4] =	ssyncset.s32 $0xFFFFF086  }
0x25: {  	[simem:s6], [sflag:s4] =	dma.local [hbm:s3], $0xF7A  }
0x26: {  	[smem:$0x3F9C] =	sst s1;
	(tag) =	ssettag s2;
	_ =	strace s9  }
0x27: {  	s1 =	sld [smem:$0x3FAC]  }
0x28: {  	s2 =	sld [smem:$0x3FAD]  }
0x29: {  	s4 =	sld [smem:$0x3FAF]  }
0x2a: {  	p0 =	seq.s32 s5, $0x0;
	s5 =	sld [smem:$0x3FB0]  }
0x2b: {  	s6 =	sld [smem:$0x3FB1]  }
0x2c: {  	s7 =	sld [smem:$0x3FB2]  }
0x2d: {  	s3 =	simm.s32 $0x108;
	s8 =	sld [smem:$0x3FB3]  }
0x2e: {  	s3 =	simm.s32 @!p0 $0x1082;
	s9 =	sld [smem:$0x3FB4]  }
0x2f: {  	lr =	sadd.s32 s0, s3;
	s0 =	sld [smem:$0x3FAB]  }
0x30: {  	s3 =	sld [smem:$0x3FAE]  }
0x31: {  	[smem:$0x3FB7] =	sst s10  }
0x32: {  	s10 =	sld [smem:$0x3FB5];
	_ =	sdelay $0x3  }
0x33: {  	p0 =	seq.s32 s10, $0x1;
	s10 =	sld [smem:$0x3FB7];
	_ =	sdelay $0x3  }
0x34: {  	[smem:$0x3FB7] =	sst s10  }
0x35: {  	s10 =	sld [smem:$0x3FB6];
	_ =	sdelay $0x3  }
0x36: {  	p1 =	seq.s32 s10, $0x1;
	s10 =	sld [smem:$0x3FB7];
	_ =	sdelay $0x3  }
0x37: {  	[smem:$0x3FB7] =	sst s10  }
0x38: {  	s10 =	sld [smem:$0x3FB8]  }
0x39: {  	_ = 	snop;
	(pc) =	sbr.ind lr, $3  }
0x3a: {  	_ = 	snop  }
0x3b: {  	_ = 	snop  }
0x3c: {  	p2 =	seq.s32 s10, $0x1;
	s10 =	sld [smem:$0x3FB7]  }
0x3d: {  	_ =	shalt  }
0x3e: {  	_ =	shalt  }
0x3f: {  	_ =	shalt  }
0x40: {  	_ =	shalt  }
0x41: {  	_ =	shalt  }
0x42: {  	_ =	shalt  }
0x43: {  	_ =	shalt  }
0x44: {  	_ =	shalt  }
0x45: {  	_ =	shalt  }
0x46: {  	_ =	shalt  }
0x47: {  	_ =	shalt  }
0x48: {  	_ =	shalt  }
0x49: {  	_ =	shalt  }
0x4a: {  	_ =	shalt  }
0x4b: {  	_ =	shalt  }
0x4c: {  	_ =	shalt  }
0x4d: {  	_ =	shalt  }
0x4e: {  	_ =	shalt  }
0x4f: {  	_ =	shalt  }
0x50: {  	_ =	shalt  }
0x51: {  	_ =	shalt  }
0x52: {  	_ =	shalt  }
0x53: {  	_ =	shalt  }
0x54: {  	_ =	shalt  }
0x55: {  	_ =	shalt  }
0x56: {  	_ =	shalt  }
0x57: {  	_ =	shalt  }
0x58: {  	_ =	shalt  }
0x59: {  	_ =	shalt  }
0x5a: {  	_ =	shalt  }
0x5b: {  	_ =	shalt  }
0x5c: {  	_ =	shalt  }
0x5d: {  	_ =	shalt  }
0x5e: {  	_ =	shalt  }
0x5f: {  	_ =	shalt  }
0x60: {  	_ =	shalt  }
0x61: {  	_ =	shalt  }
0x62: {  	_ =	shalt  }
0x63: {  	_ =	shalt  }
0x64: {  	_ =	shalt  }
0x65: {  	_ =	shalt  }
0x66: {  	_ =	shalt  }
0x67: {  	_ =	shalt  }
0x68: {  	_ =	shalt  }
0x69: {  	_ =	shalt  }
0x6a: {  	_ =	shalt  }
0x6b: {  	_ =	shalt  }
0x6c: {  	_ =	shalt  }
0x6d: {  	_ =	shalt  }
0x6e: {  	_ =	shalt  }
0x6f: {  	_ =	shalt  }
0x70: {  	_ =	shalt  }
0x71: {  	_ =	shalt  }
0x72: {  	_ =	shalt  }
0x73: {  	_ =	shalt  }
0x74: {  	_ =	shalt  }
0x75: {  	_ =	shalt  }
0x76: {  	_ =	shalt  }
0x77: {  	_ =	shalt  }
0x78: {  	_ =	shalt  }
0x79: {  	_ =	shalt  }
0x7a: {  	_ =	shalt  }
0x7b: {  	_ =	shalt  }
0x7c: {  	_ =	shalt  }
0x7d: {  	_ =	shalt  }
0x7e: {  	_ =	shalt  }
0x7f: {  	_ =	shalt  }
0x80: {  	_ =	shalt  }
0x81: {  	_ =	shalt  }
0x82: {  	_ =	shalt  }
0x83: {  	_ =	shalt  }
0x84: {  	_ =	shalt  }
0x85: {  	_ =	shalt  }
0x86: {  	_ =	shalt  }
0x87: {  	_ =	shalt  }
.Lfunc_end0:
.L_simem_size_0:
called_computation_lowered:
.L_overlay_start_0:
0x88: {  	s2 =	sld [smem:$0x3FD9]  }
0x89: {  	s3 =	sld [smem:$0x3FFE];
	_ =	sdelay $0x1  }
0x8a: {  	s1 =	srdreg.scid  }
0x8b: {  	s0 =	sand.u32 $0x1, s1  }
0x8c: {  	s16 =	sshll.u32 s0, $0xA;
	s2 =	sadd.s32 s3, s2  }
0x8d: {  	s2 =	sadd.s32 s2, s16  }
0x8e: {  	[smem:$0x3FC3] =	sst s2  }
0x8f: {  	_ = 	snop  }
0x90: {  	(tm) =	ssettm $0x1  }
0x91: {  	s17 =	sld [smem:$0x3FFB];
	_ =	sdelay $0x3  }
0x92: {  	_ =	strace s17  }
0x93: {  	s2 =	sld [smem:$0x3FFC];
	_ =	sdelay $0x3  }
0x94: {  	_ =	strace s2  }
0x95: {  	s2 =	sld [smem:$0x3FFD];
	_ =	sdelay $0x3  }
0x96: {  	_ =	strace s2  }
0x97: {  	_ =	strace $0x8FFFFFFF  }
0x98: {  	s18 =	sld [smem:$0x3FDB];
	_ =	sdelay $0x1  }
0x99: {  	s19 =	simm.s32 $_scs_section_size  }
0x9a: {  	s4 =	simm.s32 $_size__tile_overlayer_lowered;
	s5 =	simm.s32 $_tile_overlayer_lowered  }
0x9b: {  	s22 =	simm.s32 $0x1BFF;
	s21 =	sshll.u32 s5, $0x1;
	s2 =	sadd.s32 s19, s18  }
0x9c: {  	s6 =	simm.s32 $0x0;
	s20 =	sshll.u32 s4, $0x1;
	s4 =	sadd.s32 s21, s2  }
0x9d: {  	[timem:s6], [sflag:s22] =	dma.local [hbm:s4], s20  }
0x9e: {  	_ =	swait.ge [sflag:s22], s20  }
0x9f: {  	s3 =	ssub.s32 $0x0, s20;
	[sflag:s22] =	ssyncset.done $0x0  }
0xa0: {  	[sflag:s22] =	ssyncadd.s32 s3;
	_ =	sdelay $0x1  }
0xa1: {  	s23 =	simm.s32 $0x1B8B  }
0xa2: {  	_ =	swait.ge [sflag:s23], $0x1  }
0xa3: {  	[sflag:s23] =	ssyncset.done $0x0  }
0xa4: {  	s25 =	simm.s32 $0x1B8E;
	s24 =	sld [smem:$0x3FFE];
	[sflag:s23] =	ssyncadd.s32 $0xFFFFFFFF  }
0xa5: {  	s26 =	simm.s32 $execute0_lowered;
	[smem:$0x3FD2] =	sst s25  }
0xa6: {  	s4 =	sshll.u32 s26, $0x1;
	_ =	strace $0x80000046;
	[dreg:$0x1] =	wrdreg $0xFFFFFFFF  }
0xa7: {  	s28 =	simm.s32 $_size_execute0_lowered;
	s2 =	sadd.s32 s2, s4;
	[dreg:$0x0] =	wrdreg $0x0  }
0xa8: {  	s4 =	sshll.u32 s28, $0x1;
	[dreg:$0x2] =	wrdreg s2  }
0xa9: {  	[dreg:$0x3] =	wrdreg s4  }
0xaa: {  	[dreg:$0x4] =	wrdreg $0xC0  }
0xab: {  	_ =	task [dreg:s6], $0x5FFFF  }
0xac: {  	[dreg:$0x1] =	wrdreg $0xFFFFFFFF  }
0xad: {  	[dreg:$0x0] =	wrdreg $0x60  }
0xae: {  	[dreg:$0x2] =	wrdreg s24  }
0xaf: {  	[dreg:$0x3] =	wrdreg $0x9  }
0xb0: {  	_ =	task.clear_ibuf [dreg:s6], $0x4FFFF;
	_ =	strace $0x90000046  }
0xb1: {  	s29 =	simm.s32 $0x9;
	_ =	strace $0x80000048  }
0xb2: {  	_ =	swait.ge [sflag:s29], $0x1  }
0xb3: {  	[sflag:s29] =	ssyncadd.s32 $0xFFFFFFFF  }
0xb4: {  	_ =	strace $0x90000048  }
0xb5: {  	_ =	sfence  }
0xb6: {  	s30 =	sld [smem:$0x0];
	_ =	sdelay $0x2  }
0xb7: {  	s31 =	sshll.u32 s1, $0xD;
	s1 =	sshrl.u32 s1, $0x2  }
0xb8: {  	s3 =	sand.u32 $0x4000, s31;
	s1 =	sadd.s32 s1, s30  }
0xb9: {  	s0 =	sor.u32 s3, s0;
	s1 =	sshll.u32 s1, $0x11  }
0xba: {  	s0 =	sor.u32 s1, s0  }
0xbb: {  	s0 =	sadd.s32 $0x8F2B, s0  }
0xbc: {  	[sflag:s0] =	ssyncadd.remote.s32 $0x1  }
0xbd: {  	_ =	sfence.sel $0xFFFF  }
0xbe: {  	[dreg:$0x0] =	wrdreg $0xFFFFFFFF;
	(pc) =	sbr.abs _section_cstart, $3  }
0xbf: {  	[dreg:$0x1] =	wrdreg $0xFFFFFFFF  }
0xc0: {  	_ =	task.clear_ibuf [dreg:s6], $0x2FFFF;
	_ =	strace $0x9FFFFFFF  }
0xc1: {  	(tm) =	ssettm $0x7FFFFFFF  }
tec
execute0_lowered:
.L_overlay_start_1:
0x0: {  	(tag) =	ssettag $0x1  }
0x1: {  	s5 =	rddreg [dreg:$0x0]  }
0x2: {  	s0 =	rddreg [dreg:$0x1]  }
0x3: {  	s3 =	srdreg.scid;
	s2 =	simm.s32 $0x0;
	s1 =	stileid.u32  }
0x4: {  	s9 =	simm.s32 $0x3;
	s10 =	simm.s32 $0x400;
	s11 =	simm.s32 $0x40  }
0x5: {  	s12 =	simm.s32 $0x1800;
	s13 =	simm.s32 $0x3800;
	s14 =	simm.s32 $0x5800  }
0x6: {  	s15 =	simm.s32 $0x7800;
	s16 =	simm.s32 $0x1;
	s17 =	simm.s32 $0x800  }
0x7: {  	s18 =	simm.s32 $0x2;
	s19 =	simm.s32 $0x0;
	s6 =	sand.u32 $0x1, s3  }
0x8: {  	[smem:$0x7FF] =	sst s2;
	s31 =	sshll.u32 s1, $0x4;
	s4 =	sshll.u32 s6, $0x3  }
0x9: {  	_ =	strace $0x80000047;
	s6 =	ssub.s32 $0x2, s6;
	s3 =	sor.u32 s4, s31  }
0xa: {  	s4 =	sadd.s32 $0x3400, s5;
	s8 =	sshrl.u32 s6, $0x1;
	s7 =	sshll.u32 s3, $0x4  }
0xb: {  	s8 =	ssub.s32 s6, s8;
	s7 =	sadd.s32 s7, s5;
	s5 =	sadd.s32 $0x189E00, s5  }
0xc: {  	s8 =	smax.u32 s8, $0x1;
	s6 =	sadd.s32 $0x1400, s7;
	s7 =	sadd.s32 $0x2400, s7  }
.LBB2_1:
0xd: {  	[tilespmem:s2], [sflag:$0x3] =	stream.linear.gather [hbm4b:s6+s2], $0x400, $0x38;
	[tilespmem:$0x9800] =	vst v63  }
0xe: {  	_ =	swait.ge [sflag:s9], $0x400  }
0xf: {  	[sflag:s9] =	ssyncset.done $0x0  }
0x10: {  	[sflag:s9] =	ssyncadd.s32 $0xFFFFFC00  }
0x11: {  	[tilespmem:s10], [sflag:$0x3] =	stream.linear.gather [hbm4b:s7+s2], $0x400, $0x38;
	[tilespmem:$0x9800] =	vst v63  }
0x12: {  	_ =	swait.ge [sflag:s9], $0x400  }
0x13: {  	[sflag:s9] =	ssyncset.done $0x0  }
0x14: {  	[sflag:s9] =	ssyncadd.s32 $0xFFFFFC00  }
0x15: {  	[tilespmem:s12], [sflag:$0x1] =	stream.indirect.gather [hbm4b:s4+s11], $0x80, s2, s11, $0xb8;
	[tilespmem:$0x9800] =	vst v63  }
0x16: {  	s20 =	simm.s32 $0x0  }
0x17: {  	[tilespmem:s13], [sflag:$0x1] =	stream.indirect.gather [hbm4b:s4+s11], $0x80, s10, s11, $0xb8;
	[tilespmem:$0x9800] =	vst v63  }
.LBB2_2:
0x18: {  	s21 =	sshllo.u32 s20, $0x1  }
0x19: {  	s22 =	sshll.u32 s21, $0x7  }
0x1a: {  	s22 =	sand.u32 $0x3FFFFF80, s22  }
0x1b: {  	[tilespmem:s14], [sflag:$0x2] =	stream.indirect.gather [hbm4b:s4+s11], $0x80, s22, s11, $0xb8;
	[tilespmem:$0x9800] =	vst v63  }
0x1c: {  	s22 =	sadd.s32 $0x400, s22  }
0x1d: {  	[tilespmem:s15], [sflag:$0x2] =	stream.indirect.gather [hbm4b:s4+s11], $0x80, s22, s11, $0xb8;
	[tilespmem:$0x9800] =	vst v63  }
0x1e: {  	_ =	swait.ge [sflag:s16], $0x2000  }
0x1f: {  	[sflag:s16] =	ssyncset.done $0x0  }
0x20: {  	[sflag:s16] =	ssyncadd.s32 $0xFFFFE000  }
0x21: {  	_ =	swait.ge [sflag:s16], $0x2000  }
0x22: {  	[sflag:s16] =	ssyncset.done $0x0  }
0x23: {  	s22 =	simm.s32 $0x1820;
	[sflag:s16] =	ssyncadd.s32 $0xFFFFE000  }
0x24: {  	s23 =	simm.s32 $0x3870;
	v0 =	vld [tilespmem:s22+$0xFFFFFFE0]  }
0x25: {  	v1 =	vld [tilespmem:s23+$0xFFFFFFD0];
	_ =	sdelay $0x4  }
0x26: {  	s24 =	simm.s32 $0x0;
	v0 =	vadd.f32 v1, v0  }
0x27: {  	s25 =	sand.u32 $0xFC0, s24  }
0x28: {  	[tilespmem:s25+$0x800] =	vst v0  }
0x29: {  	v0 =	vld [tilespmem:s22+$0xFFFFFFF0]  }
0x2a: {  	v1 =	vld [tilespmem:s23+$0xFFFFFFE0];
	_ =	sdelay $0x4  }
0x2b: {  	v0 =	vadd.f32 v1, v0;
	_ =	sdelay $0x1  }
0x2c: {  	[tilespmem:s25+$0x810] =	vst v0  }
0x2d: {  	v0 =	vld [tilespmem:s22+$0x0]  }
0x2e: {  	v1 =	vld [tilespmem:s23+$0xFFFFFFF0];
	_ =	sdelay $0x4  }
0x2f: {  	v0 =	vadd.f32 v1, v0;
	_ =	sdelay $0x1  }
0x30: {  	[tilespmem:s25+$0x820] =	vst v0  }
0x31: {  	v0 =	vld [tilespmem:s22+$0x10]  }
0x32: {  	s26 =	simm.s32 $0x40;
	s24 =	sshll.u32 s20, $0x1;
	v1 =	vld [tilespmem:s23+$0x0]  }
.LBB2_3:
0x33: {  	_ =	sdelay $0x2  }
0x34: {  	p0 =	sne.s32 s26, $0xFC0;
	s22 =	sadd.s32 $0x80, s22;
	s23 =	sadd.s32 $0x80, s23  }
0x35: {  	s28 =	smov.u32 s26;
	s26 =	sadd.s32 $0x40, s26;
	v0 =	vadd.f32 v1, v0;
	_ =	sdelay $0x1  }
0x36: {  	[tilespmem:s25+$0x830] =	vst v0  }
0x37: {  	v0 =	vld [tilespmem:s22+$0xFFFFFFE0]  }
0x38: {  	v1 =	vld [tilespmem:s23+$0xFFFFFFD0];
	_ =	sdelay $0x4  }
0x39: {  	v0 =	vadd.f32 v1, v0  }
0x3a: {  	s25 =	sand.u32 $0xFC0, s28  }
0x3b: {  	[tilespmem:s25+$0x800] =	vst v0  }
0x3c: {  	v0 =	vld [tilespmem:s22+$0xFFFFFFF0]  }
0x3d: {  	v1 =	vld [tilespmem:s23+$0xFFFFFFE0];
	_ =	sdelay $0x4  }
0x3e: {  	v0 =	vadd.f32 v1, v0;
	_ =	sdelay $0x1  }
0x3f: {  	[tilespmem:s25+$0x810] =	vst v0  }
0x40: {  	v0 =	vld [tilespmem:s22+$0x0]  }
0x41: {  	v1 =	vld [tilespmem:s23+$0xFFFFFFF0];
	_ =	sdelay $0x4  }
.Ltmp0:
0x42: {  	v0 =	vadd.f32 v1, v0;
	(pc) =	sbr.rel @p0 .LBB2_3-.Ltmp0, $4  }
0x43: {  	_ = 	snop  }
0x44: {  	[tilespmem:s25+$0x820] =	vst v0  }
0x45: {  	v0 =	vld [tilespmem:s22+$0x10]  }
0x46: {  	v1 =	vld [tilespmem:s23+$0x0]  }
0x47: {  	_ =	sdelay $0x3  }
0x48: {  	s22 =	sadd.s32 s3, s24;
	v0 =	vadd.f32 v1, v0  }
0x49: {  	s22 =	sshll.u32 s22, $0x9  }
0x4a: {  	s30 =	simm.s32 $0x0;
	s22 =	sadd.s32 s5, s22;
	[tilespmem:s25+$0x830] =	vst v0  }
0x4b: {  	[hbm4b:s22+s30] =	stream.linear.scatter [tilespmem:s17], [sflag:$0x3], $0x1000, $0x38;
	[tilespmem:$0x9800] =	vst v63  }
0x4c: {  	s31 =	smin.u32 s24, $0x5;
	_ =	swait.ge [sflag:s9], $0x1000  }
0x4d: {  	s22 =	sshll.u32 s31, $0x7;
	[sflag:s9] =	ssyncset.done $0x0  }
0x4e: {  	s23 =	sadd.s32 $0x100, s22;
	[sflag:s9] =	ssyncadd.s32 $0xFFFFF000  }
0x4f: {  	[tilespmem:s12], [sflag:$0x1] =	stream.indirect.gather [hbm4b:s4+s11], $0x80, s23, s11, $0xb8;
	[tilespmem:$0x9800] =	vst v63  }
0x50: {  	s22 =	sadd.s32 $0x500, s22  }
0x51: {  	[tilespmem:s13], [sflag:$0x1] =	stream.indirect.gather [hbm4b:s4+s11], $0x80, s22, s11, $0xb8;
	[tilespmem:$0x9800] =	vst v63  }
0x52: {  	_ =	swait.ge [sflag:s18], $0x2000  }
0x53: {  	[sflag:s18] =	ssyncset.done $0x0  }
0x54: {  	[sflag:s18] =	ssyncadd.s32 $0xFFFFE000  }
0x55: {  	_ =	swait.ge [sflag:s18], $0x2000  }
0x56: {  	[sflag:s18] =	ssyncset.done $0x0  }
0x57: {  	s22 =	simm.s32 $0x5820;
	[sflag:s18] =	ssyncadd.s32 $0xFFFFE000  }
0x58: {  	s23 =	simm.s32 $0x7870;
	v0 =	vld [tilespmem:s22+$0xFFFFFFE0]  }
0x59: {  	v1 =	vld [tilespmem:s23+$0xFFFFFFD0];
	_ =	sdelay $0x4  }
0x5a: {  	v0 =	vadd.f32 v1, v0  }
0x5b: {  	s24 =	sand.u32 $0xFC0, s30  }
0x5c: {  	[tilespmem:s24+$0x800] =	vst v0  }
0x5d: {  	v0 =	vld [tilespmem:s22+$0xFFFFFFF0]  }
0x5e: {  	v1 =	vld [tilespmem:s23+$0xFFFFFFE0];
	_ =	sdelay $0x4  }
0x5f: {  	v0 =	vadd.f32 v1, v0;
	_ =	sdelay $0x1  }
0x60: {  	[tilespmem:s24+$0x810] =	vst v0  }
0x61: {  	v0 =	vld [tilespmem:s22+$0x0]  }
0x62: {  	v1 =	vld [tilespmem:s23+$0xFFFFFFF0];
	_ =	sdelay $0x4  }
0x63: {  	v0 =	vadd.f32 v1, v0;
	_ =	sdelay $0x1  }
0x64: {  	[tilespmem:s24+$0x820] =	vst v0  }
0x65: {  	v0 =	vld [tilespmem:s22+$0x10]  }
0x66: {  	s25 =	simm.s32 $0x40;
	v1 =	vld [tilespmem:s23+$0x0]  }
.LBB2_5:
0x67: {  	_ =	sdelay $0x2  }
0x68: {  	p0 =	sne.s32 s25, $0xFC0;
	s22 =	sadd.s32 $0x80, s22;
	s23 =	sadd.s32 $0x80, s23  }
0x69: {  	s26 =	smov.u32 s25;
	s25 =	sadd.s32 $0x40, s25;
	v0 =	vadd.f32 v1, v0;
	_ =	sdelay $0x1  }
0x6a: {  	[tilespmem:s24+$0x830] =	vst v0  }
0x6b: {  	v0 =	vld [tilespmem:s22+$0xFFFFFFE0]  }
0x6c: {  	v1 =	vld [tilespmem:s23+$0xFFFFFFD0];
	_ =	sdelay $0x4  }
0x6d: {  	v0 =	vadd.f32 v1, v0  }
0x6e: {  	s24 =	sand.u32 $0xFC0, s26  }
0x6f: {  	[tilespmem:s24+$0x800] =	vst v0  }
0x70: {  	v0 =	vld [tilespmem:s22+$0xFFFFFFF0]  }
0x71: {  	v1 =	vld [tilespmem:s23+$0xFFFFFFE0];
	_ =	sdelay $0x4  }
0x72: {  	v0 =	vadd.f32 v1, v0;
	_ =	sdelay $0x1  }
0x73: {  	[tilespmem:s24+$0x810] =	vst v0  }
0x74: {  	v0 =	vld [tilespmem:s22+$0x0]  }
0x75: {  	v1 =	vld [tilespmem:s23+$0xFFFFFFF0];
	_ =	sdelay $0x4  }
.Ltmp1:
0x76: {  	v0 =	vadd.f32 v1, v0;
	(pc) =	sbr.rel @p0 .LBB2_5-.Ltmp1, $4  }
0x77: {  	_ = 	snop  }
0x78: {  	[tilespmem:s24+$0x820] =	vst v0  }
0x79: {  	v0 =	vld [tilespmem:s22+$0x10]  }
0x7a: {  	v1 =	vld [tilespmem:s23+$0x0]  }
0x7b: {  	_ =	sdelay $0x3  }
0x7c: {  	s21 =	sadd.s32 s3, s21;
	s20 =	sadd.s32 $0x1, s20;
	v0 =	vadd.f32 v1, v0  }
0x7d: {  	s21 =	sshll.u32 s21, $0x9;
	p0 =	sne.s32 s20, $0x4  }
.Ltmp2:
0x7e: {  	s21 =	sadd.s32 s5, s21;
	[tilespmem:s24+$0x830] =	vst v0;
	(pc) =	sbr.rel @p0 .LBB2_2-.Ltmp2, $4  }
0x7f: {  	[hbm4b:s21+s2] =	stream.linear.scatter [tilespmem:s17], [sflag:$0x3], $0x1000, $0x38;
	[tilespmem:$0x9800] =	vst v63  }
0x80: {  	_ =	swait.ge [sflag:s9], $0x1000  }
0x81: {  	[sflag:s9] =	ssyncset.done $0x0  }
0x82: {  	[sflag:s9] =	ssyncadd.s32 $0xFFFFF000  }
0x83: {  	s19 =	sadd.s32 $0x1, s19  }
0x84: {  	_ =	swait.ge [sflag:s16], $0x2000;
	p0 =	sne.s32 s19, s8  }
.Ltmp3:
0x85: {  	[sflag:s16] =	ssyncset.done $0x0;
	(pc) =	sbr.rel @p0 .LBB2_1-.Ltmp3, $4  }
0x86: {  	[sflag:s16] =	ssyncadd.s32 $0xFFFFE000  }
0x87: {  	_ =	swait.ge [sflag:s16], $0x2000  }
0x88: {  	[sflag:s16] =	ssyncset.done $0x0  }
0x89: {  	[sflag:s16] =	ssyncadd.s32 $0xFFFFE000  }
0x8a: {  	_ =	sfence.sel $0x180000  }
0x8b: {  	[bflag:$0x0] =	sbarrier.arrive $0xFFFF  }
0x8c: {  	p0 =	sne.s32 s1, $0x0;
	_ =	strace $0x90000047  }
0x8d: {  	s0 =	sadd.s32 @!p0 $0x100000, s0;
	[bflag:$0x2] =	sbarrier.arrive $0xFFFF  }
0x8e: {  	[sflag:s0] =	ssyncadd.tile.s32 @!p0 $0x1;
	_ =	shalt  }
.Lfunc_end2:
_tile_overlayer_lowered:
.L_overlay_start_2:
0x8f: {  	(tag) =	ssettag $0x2  }
0x90: {  	s0 =	rddreg [dreg:$0x0];
	s2 =	stileid.u32  }
0x91: {  	s1 =	rddreg [dreg:$0x1];
	p0 =	sne.s32 s2, $0x0  }
0x92: {  	s3 =	rddreg [dreg:$0x2];
	[bflag:$0x3] =	sbarrier.arrive $0xFFFF;
	s2 =	simm.s32 @!p0 $0x1C03  }
0x93: {  	[timem:s3], [sflag:s2] =	dma.local @!p0 [hbm:s0], s1  }
0x94: {  	s0 =	simm.s32 @!p0 $0x3  }
0x95: {  	_ =	swait.ge @!p0 [sflag:s0], s1  }
0x96: {  	s1 =	ssub.s32 @!p0 $0x0, s1;
	[sflag:s0] =	ssyncset.done @!p0 $0x0  }
0x97: {  	[sflag:s0] =	ssyncadd.s32 @!p0 s1  }
0x98: {  	[bflag:$0x3] =	sbarrier.arrive $0xFFFF  }
0x99: {  	_ =	shalt  }

// kernel: kernel.8.cloned.1.call-start
scs
__scs_entry_jumppad:
0x0: {  	(pc) =	sbr.rel $0x88, $3  }
0x1: {  	(tag) =	ssettag $0x0;
	lr =	simm.s32 $0x1  }
0x2: {  	[smem:$0x3F9C] =	sst lr;
	_ =	strace $0xD0000000  }
0x3: {  	_ = 	snop  }
0x4: {  	_ = 	snop  }
0x5: {  	_ = 	snop  }
0x6: {  	_ = 	snop  }
0x7: {  	_ = 	snop  }
__scs_overlays_trampoline_lowered:
0x8: {  	[smem:$0x3FAB] =	sst s0  }
0x9: {  	[smem:$0x3FAC] =	sst s1  }
0xa: {  	[smem:$0x3FAD] =	sst s2  }
0xb: {  	[smem:$0x3FAE] =	sst s3  }
0xc: {  	[smem:$0x3FAF] =	sst s4  }
0xd: {  	[smem:$0x3FB0] =	sst s5  }
0xe: {  	[smem:$0x3FB1] =	sst s6  }
0xf: {  	[smem:$0x3FB2] =	sst s7  }
0x10: {  	[smem:$0x3FB3] =	sst s8  }
0x11: {  	[smem:$0x3FB4] =	sst s9;
	s0 =	simm.s32 @!p0 $0x0  }
0x12: {  	s1 =	sld [smem:$0x3F9A];
	s0 =	simm.s32 @p0 $0x1  }
0x13: {  	[smem:$0x3FB5] =	sst s0;
	s0 =	simm.s32 @!p1 $0x0  }
0x14: {  	s2 =	sld [smem:$0x3F99];
	s0 =	simm.s32 @p1 $0x1  }
0x15: {  	[smem:$0x3FB6] =	sst s0;
	s0 =	simm.s32 @!p2 $0x0  }
0x16: {  	s3 =	sld [smem:$0x3FDB];
	s0 =	simm.s32 @p2 $0x1  }
0x17: {  	s4 =	simm.s32 $0x1BF5;
	[smem:$0x3FB8] =	sst s0  }
0x18: {  	s0 =	sld [smem:$0x3F9B];
	_ =	swait.ge [sflag:s4], $0x0  }
0x19: {  	s7 =	sld [smem:$0x3F9C]  }
0x1a: {  	s8 =	sadd.s32 $0xFFFFE003, lr  }
0x1b: {  	s9 =	sadd.s32 $0xFFFFFEF7, lr;
	s5 =	simm.s32 $0xFFFFFFFF;
	p2 =	slt.u32 s8, $0xFFFFF086  }
0x1c: {  	p1 =	slt.u32 s9, $0xF7A;
	s5 =	simm.s32 @!p2 $0x0  }
0x1d: {  	s5 =	simm.s32 @p1 $0x1;
	p0 =	seq.s32 s7, s2  }
0x1e: {  	s7 =	smul.u32 @!p0 $0xF7A, s2;
	p2 =	seq.s32 @!p0 s5, $0x0  }
0x1f: {  	s9 =	smul.u32 $0xF7A, s1;
	s8 =	simm.s32 @!p0 $0x1BF5;
	p2 =	por !p2, p0  }
0x20: {  	[sflag:s8] =	ssyncset.s32 @!p0 $0xFFFFF086;
	s6 =	sadd.s32 @!p0 s3, s7;
	s7 =	simm.s32 @!p0 $0x108  }
0x21: {  	s3 =	sadd.s32 s3, s9;
	s6 =	sadd.s32 @!p0 $0x88, s6;
	s7 =	simm.s32 @p2 $0x1082  }
0x22: {  	[simem:s7], [sflag:s8] =	dma.local @!p0 [hbm:s6], $0xF7A  }
0x23: {  	s9 =	sor.u32 $0xD0000000, s2;
	s6 =	simm.s32 $0x108;
	_ =	swait.ge @!p0 [sflag:s8], $0x0  }
0x24: {  	s3 =	sadd.s32 $0x88, s3;
	s6 =	simm.s32 @!p1 $0x1082;
	[sflag:s4] =	ssyncset.s32 $0xFFFFF086  }
0x25: {  	[simem:s6], [sflag:s4] =	dma.local [hbm:s3], $0xF7A  }
0x26: {  	[smem:$0x3F9C] =	sst s1;
	(tag) =	ssettag s2;
	_ =	strace s9  }
0x27: {  	s1 =	sld [smem:$0x3FAC]  }
0x28: {  	s2 =	sld [smem:$0x3FAD]  }
0x29: {  	s4 =	sld [smem:$0x3FAF]  }
0x2a: {  	p0 =	seq.s32 s5, $0x0;
	s5 =	sld [smem:$0x3FB0]  }
0x2b: {  	s6 =	sld [smem:$0x3FB1]  }
0x2c: {  	s7 =	sld [smem:$0x3FB2]  }
0x2d: {  	s3 =	simm.s32 $0x108;
	s8 =	sld [smem:$0x3FB3]  }
0x2e: {  	s3 =	simm.s32 @!p0 $0x1082;
	s9 =	sld [smem:$0x3FB4]  }
0x2f: {  	lr =	sadd.s32 s0, s3;
	s0 =	sld [smem:$0x3FAB]  }
0x30: {  	s3 =	sld [smem:$0x3FAE]  }
0x31: {  	[smem:$0x3FB7] =	sst s10  }
0x32: {  	s10 =	sld [smem:$0x3FB5];
	_ =	sdelay $0x3  }
0x33: {  	p0 =	seq.s32 s10, $0x1;
	s10 =	sld [smem:$0x3FB7];
	_ =	sdelay $0x3  }
0x34: {  	[smem:$0x3FB7] =	sst s10  }
0x35: {  	s10 =	sld [smem:$0x3FB6];
	_ =	sdelay $0x3  }
0x36: {  	p1 =	seq.s32 s10, $0x1;
	s10 =	sld [smem:$0x3FB7];
	_ =	sdelay $0x3  }
0x37: {  	[smem:$0x3FB7] =	sst s10  }
0x38: {  	s10 =	sld [smem:$0x3FB8]  }
0x39: {  	_ = 	snop;
	(pc) =	sbr.ind lr, $3  }
0x3a: {  	_ = 	snop  }
0x3b: {  	_ = 	snop  }
0x3c: {  	p2 =	seq.s32 s10, $0x1;
	s10 =	sld [smem:$0x3FB7]  }
0x3d: {  	_ =	shalt  }
0x3e: {  	_ =	shalt  }
0x3f: {  	_ =	shalt  }
0x40: {  	_ =	shalt  }
0x41: {  	_ =	shalt  }
0x42: {  	_ =	shalt  }
0x43: {  	_ =	shalt  }
0x44: {  	_ =	shalt  }
0x45: {  	_ =	shalt  }
0x46: {  	_ =	shalt  }
0x47: {  	_ =	shalt  }
0x48: {  	_ =	shalt  }
0x49: {  	_ =	shalt  }
0x4a: {  	_ =	shalt  }
0x4b: {  	_ =	shalt  }
0x4c: {  	_ =	shalt  }
0x4d: {  	_ =	shalt  }
0x4e: {  	_ =	shalt  }
0x4f: {  	_ =	shalt  }
0x50: {  	_ =	shalt  }
0x51: {  	_ =	shalt  }
0x52: {  	_ =	shalt  }
0x53: {  	_ =	shalt  }
0x54: {  	_ =	shalt  }
0x55: {  	_ =	shalt  }
0x56: {  	_ =	shalt  }
0x57: {  	_ =	shalt  }
0x58: {  	_ =	shalt  }
0x59: {  	_ =	shalt  }
0x5a: {  	_ =	shalt  }
0x5b: {  	_ =	shalt  }
0x5c: {  	_ =	shalt  }
0x5d: {  	_ =	shalt  }
0x5e: {  	_ =	shalt  }
0x5f: {  	_ =	shalt  }
0x60: {  	_ =	shalt  }
0x61: {  	_ =	shalt  }
0x62: {  	_ =	shalt  }
0x63: {  	_ =	shalt  }
0x64: {  	_ =	shalt  }
0x65: {  	_ =	shalt  }
0x66: {  	_ =	shalt  }
0x67: {  	_ =	shalt  }
0x68: {  	_ =	shalt  }
0x69: {  	_ =	shalt  }
0x6a: {  	_ =	shalt  }
0x6b: {  	_ =	shalt  }
0x6c: {  	_ =	shalt  }
0x6d: {  	_ =	shalt  }
0x6e: {  	_ =	shalt  }
0x6f: {  	_ =	shalt  }
0x70: {  	_ =	shalt  }
0x71: {  	_ =	shalt  }
0x72: {  	_ =	shalt  }
0x73: {  	_ =	shalt  }
0x74: {  	_ =	shalt  }
0x75: {  	_ =	shalt  }
0x76: {  	_ =	shalt  }
0x77: {  	_ =	shalt  }
0x78: {  	_ =	shalt  }
0x79: {  	_ =	shalt  }
0x7a: {  	_ =	shalt  }
0x7b: {  	_ =	shalt  }
0x7c: {  	_ =	shalt  }
0x7d: {  	_ =	shalt  }
0x7e: {  	_ =	shalt  }
0x7f: {  	_ =	shalt  }
0x80: {  	_ =	shalt  }
0x81: {  	_ =	shalt  }
0x82: {  	_ =	shalt  }
0x83: {  	_ =	shalt  }
0x84: {  	_ =	shalt  }
0x85: {  	_ =	shalt  }
0x86: {  	_ =	shalt  }
0x87: {  	_ =	shalt  }
.Lfunc_end0:
.L_simem_size_0:
called_computation.1_lowered:
.L_overlay_start_0:
0x88: {  	s2 =	sld [smem:$0x3FD9]  }
0x89: {  	s3 =	sld [smem:$0x3FFE];
	_ =	sdelay $0x1  }
0x8a: {  	s1 =	srdreg.scid  }
0x8b: {  	s0 =	sand.u32 $0x1, s1  }
0x8c: {  	s16 =	sshll.u32 s0, $0xA;
	s2 =	sadd.s32 s3, s2  }
0x8d: {  	s2 =	sadd.s32 s2, s16  }
0x8e: {  	[smem:$0x3FC3] =	sst s2  }
0x8f: {  	_ = 	snop  }
0x90: {  	(tm) =	ssettm $0x1  }
0x91: {  	s17 =	sld [smem:$0x3FFB];
	_ =	sdelay $0x3  }
0x92: {  	_ =	strace s17  }
0x93: {  	s2 =	sld [smem:$0x3FFC];
	_ =	sdelay $0x3  }
0x94: {  	_ =	strace s2  }
0x95: {  	s2 =	sld [smem:$0x3FFD];
	_ =	sdelay $0x3  }
0x96: {  	_ =	strace s2  }
0x97: {  	_ =	strace $0x8FFFFFFF  }
0x98: {  	s18 =	sld [smem:$0x3FDB];
	_ =	sdelay $0x1  }
0x99: {  	s19 =	simm.s32 $_scs_section_size  }
0x9a: {  	s4 =	simm.s32 $_size__tile_overlayer_lowered;
	s5 =	simm.s32 $_tile_overlayer_lowered  }
0x9b: {  	s22 =	simm.s32 $0x1BFF;
	s21 =	sshll.u32 s5, $0x1;
	s2 =	sadd.s32 s19, s18  }
0x9c: {  	s6 =	simm.s32 $0x0;
	s20 =	sshll.u32 s4, $0x1;
	s4 =	sadd.s32 s21, s2  }
0x9d: {  	[timem:s6], [sflag:s22] =	dma.local [hbm:s4], s20  }
0x9e: {  	_ =	swait.ge [sflag:s22], s20  }
0x9f: {  	s3 =	ssub.s32 $0x0, s20;
	[sflag:s22] =	ssyncset.done $0x0  }
0xa0: {  	[sflag:s22] =	ssyncadd.s32 s3;
	_ =	sdelay $0x1  }
0xa1: {  	s23 =	simm.s32 $0x1B8B  }
0xa2: {  	_ =	swait.ge [sflag:s23], $0x1  }
0xa3: {  	[sflag:s23] =	ssyncset.done $0x0  }
0xa4: {  	s25 =	simm.s32 $0x1B8E;
	s24 =	sld [smem:$0x3FFE];
	[sflag:s23] =	ssyncadd.s32 $0xFFFFFFFF  }
0xa5: {  	s26 =	simm.s32 $execute0_lowered;
	[smem:$0x3FD2] =	sst s25  }
0xa6: {  	s4 =	sshll.u32 s26, $0x1;
	_ =	strace $0x80000049;
	[dreg:$0x1] =	wrdreg $0xFFFFFFFF  }
0xa7: {  	s28 =	simm.s32 $_size_execute0_lowered;
	s2 =	sadd.s32 s2, s4;
	[dreg:$0x0] =	wrdreg $0x0  }
0xa8: {  	s4 =	sshll.u32 s28, $0x1;
	[dreg:$0x2] =	wrdreg s2  }
0xa9: {  	[dreg:$0x3] =	wrdreg s4  }
0xaa: {  	[dreg:$0x4] =	wrdreg $0xC0  }
0xab: {  	_ =	task [dreg:s6], $0x5FFFF  }
0xac: {  	[dreg:$0x1] =	wrdreg $0xFFFFFFFF  }
0xad: {  	[dreg:$0x0] =	wrdreg $0x60  }
0xae: {  	[dreg:$0x2] =	wrdreg s24  }
0xaf: {  	[dreg:$0x3] =	wrdreg $0x9  }
0xb0: {  	_ =	task.clear_ibuf [dreg:s6], $0x4FFFF;
	_ =	strace $0x90000049  }
0xb1: {  	s29 =	simm.s32 $0x9;
	_ =	strace $0x8000004B  }
0xb2: {  	_ =	swait.ge [sflag:s29], $0x1  }
0xb3: {  	[sflag:s29] =	ssyncadd.s32 $0xFFFFFFFF  }
0xb4: {  	_ =	strace $0x9000004B  }
0xb5: {  	_ =	sfence  }
0xb6: {  	s30 =	sld [smem:$0x0];
	_ =	sdelay $0x2  }
0xb7: {  	s31 =	sshll.u32 s1, $0xD;
	s1 =	sshrl.u32 s1, $0x2  }
0xb8: {  	s3 =	sand.u32 $0x4000, s31;
	s1 =	sadd.s32 s1, s30  }
0xb9: {  	s0 =	sor.u32 s3, s0;
	s1 =	sshll.u32 s1, $0x11  }
0xba: {  	s0 =	sor.u32 s1, s0  }
0xbb: {  	s0 =	sadd.s32 $0x8F2B, s0  }
0xbc: {  	[sflag:s0] =	ssyncadd.remote.s32 $0x1  }
0xbd: {  	_ =	sfence.sel $0xFFFF  }
0xbe: {  	[dreg:$0x0] =	wrdreg $0xFFFFFFFF;
	(pc) =	sbr.abs _section_cstart, $3  }
0xbf: {  	[dreg:$0x1] =	wrdreg $0xFFFFFFFF  }
0xc0: {  	_ =	task.clear_ibuf [dreg:s6], $0x2FFFF;
	_ =	strace $0x9FFFFFFF  }
0xc1: {  	(tm) =	ssettm $0x7FFFFFFF  }
tec
execute0_lowered:
.L_overlay_start_1:
0x0: {  	(tag) =	ssettag $0x1  }
0x1: {  	s0 =	rddreg [dreg:$0x0];
	s1 =	srdreg.scid  }
0x2: {  	s7 =	stileid.u32;
	s2 =	simm.s32 $0x0;
	s18 =	simm.s32 $0x2000  }
0x3: {  	s19 =	simm.s32 $0x3;
	s28 =	simm.s32 $0x16000;
	s29 =	simm.s32 $0x1  }
0x4: {  	s30 =	simm.s32 $0x2;
	s1 =	sand.u32 $0x1, s1;
	s3 =	sshll.u32 s7, $0x1  }
0x5: {  	[smem:$0x7FF] =	sst s2;
	s7 =	sshll.u32 s7, $0x7;
	s4 =	sor.u32 s1, s3  }
0x6: {  	_ =	strace $0x8000004A;
	s3 =	sadd.s32 $0x1AFE00, s0;
	s7 =	sadd.s32 s7, s0  }
0x7: {  	s23 =	ssub.s32 $0x2, s1;
	s9 =	sshll.u32 s1, $0x2;
	s5 =	smul.u32 $0xA00, s4  }
0x8: {  	s6 =	sshll.u32 s4, $0xC;
	s8 =	sshll.u32 s4, $0x6;
	s4 =	smul.u32 $0x140, s4  }
0x9: {  	s24 =	sshrl.u32 s23, $0x1;
	s25 =	sadd.s32 $0x1A9E00, s7;
	s31 =	sadd.s32 $0x1AA600, s7  }
0xa: {  	s15 =	sor.u32 $0x2, s9;
	s6 =	sadd.s32 s6, s0;
	[dreg:$0x3] =	wrdreg s25  }
0xb: {  	s12 =	sadd.s32 s8, s0;
	[dreg:$0x5] =	wrdreg s31;
	s8 =	sshll.u32 s1, $0x9  }
0xc: {  	s25 =	simm.s32 $0xE000;
	s1 =	simm.s32 $0x0;
	s5 =	sand.u32 $0x1FC00, s5  }
0xd: {  	s6 =	sadd.s32 $0x189E00, s6;
	s11 =	sor.u32 $0x400, s8;
	s12 =	sadd.s32 $0x3C00, s12  }
0xe: {  	s13 =	sor.u32 $0x800, s8;
	s14 =	sor.u32 $0x1400, s8;
	s5 =	sshrl.u32 s5, $0x3  }
0xf: {  	[dreg:$0x2] =	wrdreg s6;
	s5 =	sadd.s32 s5, s0;
	s0 =	sadd.s32 s4, s0  }
0x10: {  	v0 =	vlaneseq.u32;
	s4 =	ssub.s32 s23, s24;
	s23 =	simm.s32 $0x80;
	s26 =	sadd.s32 $0x1AAE00, s5  }
0x11: {  	v1 =	vand.u32 $0x1, v0;
	s24 =	simm.s32 $0xA000;
	s10 =	sadd.s32 $0x1AD600, s5;
	s16 =	sadd.s32 $0x1400, s0  }
0x12: {  	v2 =	vmul.u32 $0x80, v0;
	v1 =	vmul.u32 $0x40, v1;
	s17 =	smax.u32 s4, $0x1;
	[dreg:$0x4] =	wrdreg s26;
	s26 =	simm.s32 $0x12000  }
.LBB2_1:
0x13: {  	s0 =	rddreg [dreg:$0x2]  }
0x14: {  	[tilespmem:s18], [sflag:$0x3] =	stream.linear.gather [hbm4b:s0+s2], $0x8000, $0x38;
	[tilespmem:$0x1AC00] =	vst v63  }
0x15: {  	_ =	swait.ge [sflag:s19], $0x8000  }
0x16: {  	[sflag:s19] =	ssyncset.done $0x0  }
0x17: {  	s7 =	rddreg [dreg:$0x3];
	[sflag:s19] =	ssyncadd.s32 $0xFFFF8000  }
0x18: {  	[tilespmem:s2], [sflag:$0x3] =	stream.linear.gather [hbm4b:s7+s2], $0x400, $0x38;
	[tilespmem:$0x1AC00] =	vst v63  }
0x19: {  	_ =	swait.ge [sflag:s19], $0x400  }
0x1a: {  	[sflag:s19] =	ssyncset.done $0x0  }
0x1b: {  	s4 =	simm.s32 $0x800;
	s20 =	rddreg [dreg:$0x4];
	[sflag:s19] =	ssyncadd.s32 $0xFFFFFC00  }
0x1c: {  	[tilespmem:s4], [sflag:$0x3] =	stream.linear.gather [hbm4b:s20+s2], $0xC00, $0x38;
	[tilespmem:$0x1AC00] =	vst v63  }
0x1d: {  	_ =	swait.ge [sflag:s19], $0xC00  }
0x1e: {  	[sflag:s19] =	ssyncset.done $0x0  }
0x1f: {  	s22 =	simm.s32 $0x400;
	s21 =	rddreg [dreg:$0x5];
	[sflag:s19] =	ssyncadd.s32 $0xFFFFF400  }
0x20: {  	[tilespmem:s22], [sflag:$0x3] =	stream.linear.gather [hbm4b:s21+s2], $0x400, $0x38;
	[tilespmem:$0x1AC00] =	vst v63  }
0x21: {  	_ =	swait.ge [sflag:s19], $0x400  }
0x22: {  	[sflag:s19] =	ssyncset.done $0x0  }
0x23: {  	s31 =	simm.s32 $0x1400;
	[sflag:s19] =	ssyncadd.s32 $0xFFFFFC00  }
0x24: {  	[tilespmem:s31], [sflag:$0x3] =	stream.linear.gather [hbm4b:s10+s2], $0xC00, $0x38;
	[tilespmem:$0x1AC00] =	vst v63  }
0x25: {  	_ =	swait.ge [sflag:s19], $0xC00  }
0x26: {  	[sflag:s19] =	ssyncset.done $0x0  }
0x27: {  	[sflag:s19] =	ssyncadd.s32 $0xFFFFF400  }
0x28: {  	[tilespmem:s24], [sflag:$0x1] =	stream.indirect.gather [hbm4b:s3+s23], $0x80, s8, s23, $0xb8;
	[tilespmem:$0x1AC00] =	vst v63  }
0x29: {  	p1 =	por $0x1, $0x1;
	s0 =	simm.s32 $0x0  }
0x2a: {  	[tilespmem:s25], [sflag:$0x1] =	stream.indirect.gather [hbm4b:s3+s23], $0x80, s11, s23, $0xb8;
	[tilespmem:$0x1AC00] =	vst v63  }
.LBB2_2:
0x2b: {  	s20 =	sshllo.u32 s0, $0x1  }
0x2c: {  	s4 =	sor.u32 s9, s20  }
0x2d: {  	s4 =	sshll.u32 s4, $0x7  }
0x2e: {  	s4 =	sand.u32 $0x3FFFFF80, s4  }
0x2f: {  	[tilespmem:s26], [sflag:$0x2] =	stream.indirect.gather [hbm4b:s3+s23], $0x80, s4, s23, $0xb8;
	[tilespmem:$0x1AC00] =	vst v63  }
0x30: {  	s4 =	sadd.s32 $0x400, s4  }
0x31: {  	[tilespmem:s28], [sflag:$0x2] =	stream.indirect.gather [hbm4b:s3+s23], $0x80, s4, s23, $0xb8;
	[tilespmem:$0x1AC00] =	vst v63  }
0x32: {  	_ =	swait.ge [sflag:s29], $0x4000  }
0x33: {  	[sflag:s29] =	ssyncset.done $0x0  }
0x34: {  	[sflag:s29] =	ssyncadd.s32 $0xFFFFC000  }
0x35: {  	s6 =	sshll.u32 s0, $0x8;
	s21 =	sshll.u32 s0, $0x1;
	_ =	swait.ge [sflag:s29], $0x4000  }
0x36: {  	p0 =	por p1, p1;
	s7 =	sadd.s32 $0x1A000, s6;
	[sflag:s29] =	ssyncset.done $0x0  }
0x37: {  	s22 =	simm.s32 $0x0;
	s31 =	simm.s32 $0x0;
	v3 =	vmov s6;
	v4 =	vmov s7;
	[sflag:s29] =	ssyncadd.s32 $0xFFFFC000  }
.LBB2_3:
0x38: {  	s0 =	sshll.u32 s31, $0x4  }
0x39: {  	v5 =	vor.u32 s0, v0  }
0x3a: {  	v6 =	vadd.s32 v3, v5  }
0x3b: {  	v7 =	vshll.u32 v5, $0x7;
	v6 =	vshll.u32 v6, $0x6  }
0x3c: {  	v8 =	vadd.s32 s22, v0;
	v5 =	vand.u32 $0x7FFFFF80, v6;
	v6 =	vor.u32 $0x40, v7  }
0x3d: {  	s4 =	simm.s32 $0x2;
	v5 =	vor.u32 v1, v5;
	v9 =	vor.u32 v8, v6;
	v8 =	vand.u32 $0x3F, v8  }
0x3e: {  	s5 =	simm.s32 $0x1;
	v11 =	vadd.s32 s4, v0;
	v10 =	vor.u32 v8, v5  }
0x3f: {  	v13 =	vand.u32 $0x3F, v11;
	v12 =	vor.u32 v7, v8;
	v8 =	vadd.s32 s5, v0  }
0x40: {  	v14 =	vor.u32 v13, v5;
	v11 =	vand.u32 $0x3F, v8  }
0x41: {  	v15 =	vor.u32 v11, v5  }
0x42: {  	v16 =	vor.u32 v7, v11;
	v9 =	vld.idx.msk [tilespmem:v9+s25+$0x0], $0xffff  }
0x43: {  	s6 =	simm.s32 $0x3;
	v17 =	vor.u32 v11, v6;
	v8 =	vld.idx.msk [tilespmem:v10+s18+$0x0], $0xffff  }
0x44: {  	v18 =	vor.u32 v7, v13;
	v10 =	vadd.s32 s6, v0;
	v12 =	vld.idx.msk [tilespmem:v12+s24+$0x0], $0xffff  }
0x45: {  	v21 =	vor.u32 v13, v6;
	v11 =	vld.idx.msk [tilespmem:v14+s18+$0x0], $0xffff;
	v19 =	vand.u32 $0x3F, v10  }
0x46: {  	s4 =	simm.s32 $0x4;
	v26 =	vor.u32 v7, v19;
	v10 =	vld.idx.msk [tilespmem:v15+s18+$0x0], $0xffff  }
0x47: {  	v13 =	vadd.s32 s4, v0;
	v14 =	vld.idx.msk [tilespmem:v16+s24+$0x0], $0xffff;
	v24 =	vor.u32 v19, v6  }
0x48: {  	v22 =	vor.u32 v13, v6;
	v17 =	vld.idx.msk [tilespmem:v17+s25+$0x0], $0xffff  }
0x49: {  	s7 =	simm.s32 $0x6;
	s6 =	simm.s32 $0x5;
	v16 =	vand.u32 $0x3F, v13;
	v13 =	vld.idx.msk [tilespmem:v18+s24+$0x0], $0xffff;
	v23 =	vor.u32 v19, v5  }
0x4a: {  	v25 =	vadd.s32 s6, v0;
	v19 =	vadd.s32 s7, v0;
	v18 =	vld.idx.msk [tilespmem:v21+s25+$0x0], $0xffff;
	v20 =	vor.u32 v16, v5  }
0x4b: {  	s5 =	simm.s32 $0x8;
	v15 =	vimm.f32 $0.0e+00;
	v21 =	vor.u32 v7, v16;
	v19 =	vand.u32 $0x3F, v19;
	v16 =	vld.idx.msk [tilespmem:v26+s24+$0x0], $0xffff  }
.LBB2_4:
0x4c: {  	p1 =	sne.s32 s5, $0x3C;
	v25 =	vand.u32 $0x3F, v25;
	v26 =	vor.u32 v19, v5;
	s6 =	sadd.s32 $0x3, s4;
	v12 =	vadd.f32 v9, v12;
	v24 =	vld.idx.msk [tilespmem:v24+s25+$0x0], $0xffff;
	s4 =	smov.u32 s5  }
0x4d: {  	v9 =	vld.idx.msk [tilespmem:v22+s25+$0x0], $0xffff;
	v22 =	vor.u32 v25, v5;
	v27 =	vadd.s32 s6, v0  }
0x4e: {  	v28 =	vor.u32 v7, v25;
	v14 =	vadd.f32 v17, v14;
	v29 =	vmul.f32 v12, v8;
	v23 =	vld.idx.msk [tilespmem:v23+s18+$0x0], $0xffff  }
0x4f: {  	v17 =	vor.u32 v25, v6;
	v25 =	vand.u32 $0x3F, v27;
	v8 =	vld.idx.msk [tilespmem:v20+s18+$0x0], $0xffff;
	v20 =	vor.u32 v7, v19  }
0x50: {  	v14 =	vmul.f32 v14, v10;
	v13 =	vadd.f32 v18, v13;
	v12 =	vld.idx.msk [tilespmem:v21+s24+$0x0], $0xffff;
	v15 =	vadd.f32 v29, v15  }
0x51: {  	v18 =	vor.u32 v19, v6;
	v27 =	vor.u32 v7, v25;
	v26 =	vld.idx.msk [tilespmem:v26+s18+$0x0], $0xffff  }
0x52: {  	v11 =	vmul.f32 v13, v11;
	v13 =	vadd.f32 v24, v16;
	v10 =	vld.idx.msk [tilespmem:v22+s18+$0x0], $0xffff;
	v15 =	vadd.f32 v14, v15  }
.Ltmp0:
0x53: {  	v16 =	vadd.s32 s5, v0;
	v24 =	vor.u32 v25, v6;
	v14 =	vld.idx.msk [tilespmem:v28+s24+$0x0], $0xffff;
	(pc) =	sbr.rel @p1 .LBB2_4-.Ltmp0, $4  }
0x54: {  	v22 =	vor.u32 v16, v6;
	v17 =	vld.idx.msk [tilespmem:v17+s25+$0x0], $0xffff;
	v28 =	vadd.f32 v11, v15;
	v15 =	vmul.f32 v13, v23  }
0x55: {  	s6 =	sadd.s32 $0x2, s5;
	v16 =	vand.u32 $0x3F, v16;
	v23 =	vor.u32 v25, v5;
	v13 =	vld.idx.msk [tilespmem:v20+s24+$0x0], $0xffff  }
0x56: {  	s7 =	sadd.s32 $0x1, s5;
	v19 =	vadd.s32 s6, v0;
	v20 =	vor.u32 v16, v5;
	v18 =	vld.idx.msk [tilespmem:v18+s25+$0x0], $0xffff;
	v15 =	vadd.f32 v15, v28  }
0x57: {  	v19 =	vand.u32 $0x3F, v19;
	s5 =	sadd.s32 $0x4, s5;
	v21 =	vor.u32 v7, v16;
	v25 =	vadd.s32 s7, v0;
	v11 =	vmovc v26;
	v16 =	vld.idx.msk [tilespmem:v27+s24+$0x0], $0xffff  }
0x58: {  	_ =	sdelay $0x3  }
0x59: {  	v26 =	vor.u32 v19, v5;
	v24 =	vld.idx.msk [tilespmem:v24+s25+$0x0], $0xffff  }
0x5a: {  	v25 =	vand.u32 $0x3F, v25;
	v22 =	vld.idx.msk [tilespmem:v22+s25+$0x0], $0xffff;
	v51 =	vor.u32 v7, v19  }
0x5b: {  	v23 =	vld.idx.msk [tilespmem:v23+s18+$0x0], $0xffff;
	v49 =	vor.u32 v7, v25  }
0x5c: {  	s4 =	sadd.s32 $0x3, s4;
	v9 =	vadd.f32 v9, v12;
	v20 =	vld.idx.msk [tilespmem:v20+s18+$0x0], $0xffff;
	v27 =	vor.u32 v25, v5;
	v25 =	vor.u32 v25, v6  }
0x5d: {  	v52 =	vld.idx.msk [tilespmem:v21+s24+$0x0], $0xffff;
	v54 =	vor.u32 v19, v6;
	v28 =	vadd.s32 s4, v0;
	v50 =	vadd.f32 v17, v14  }
0x5e: {  	v8 =	vmul.f32 v9, v8;
	v53 =	vand.u32 $0x3F, v28;
	v26 =	vld.idx.msk [tilespmem:v26+s18+$0x0], $0xffff  }
0x5f: {  	v9 =	vmul.f32 v50, v10;
	v7 =	vor.u32 v7, v53;
	v14 =	vld.idx.msk [tilespmem:v51+s24+$0x0], $0xffff  }
0x60: {  	v13 =	vadd.f32 v18, v13;
	v6 =	vor.u32 v53, v6;
	v8 =	vadd.f32 v8, v15;
	v12 =	vld.idx.msk [tilespmem:v49+s24+$0x0], $0xffff  }
0x61: {  	v5 =	vor.u32 v53, v5;
	v56 =	vld.idx.msk [tilespmem:v25+s25+$0x0], $0xffff  }
0x62: {  	v11 =	vmul.f32 v13, v11;
	v57 =	vadd.f32 v24, v16;
	v58 =	vld.idx.msk [tilespmem:v54+s25+$0x0], $0xffff;
	v8 =	vadd.f32 v9, v8  }
0x63: {  	v55 =	vld.idx.msk [tilespmem:v27+s18+$0x0], $0xffff  }
0x64: {  	v60 =	vadd.f32 v22, v52;
	v59 =	vmul.f32 v57, v23;
	v8 =	vadd.f32 v11, v8;
	v7 =	vld.idx.msk [tilespmem:v7+s24+$0x0], $0xffff  }
0x65: {  	v6 =	vld.idx.msk [tilespmem:v6+s25+$0x0], $0xffff  }
0x66: {  	v61 =	vmul.f32 v60, v20;
	v8 =	vadd.f32 v59, v8;
	v9 =	vadd.f32 v56, v12  }
0x67: {  	v5 =	vld.idx.msk [tilespmem:v5+s18+$0x0], $0xffff  }
0x68: {  	v62 =	vadd.f32 v58, v14;
	v8 =	vadd.f32 v61, v8;
	v9 =	vmul.f32 v9, v55;
	_ =	sdelay $0x1  }
0x69: {  	s31 =	sadd.s32 $0x1, s31;
	v63 =	vmul.f32 v62, v26;
	v6 =	vadd.f32 v6, v7;
	v8 =	vadd.f32 v9, v8  }
0x6a: {  	p1 =	sne.s32 s31, $0x8  }
.Ltmp1:
0x6b: {  	v5 =	vmul.f32 v6, v5;
	v7 =	vadd.f32 v63, v8;
	(pc) =	sbr.rel @p1 .LBB2_3-.Ltmp1, $3  }
0x6c: {  	_ = 	snop  }
0x6d: {  	v5 =	vadd.f32 v5, v7;
	_ =	sdelay $0x1  }
0x6e: {  	[tilespmem:v4+s0+$0x0 ss:$0x1] =	vst.idx.msk $0xffff, v5  }
0x6f: {  	s0 =	smin.u32 s21, $0x1  }
0x70: {  	s0 =	sor.u32 s9, s0  }
0x71: {  	s0 =	sshll.u32 s0, $0x7  }
0x72: {  	s4 =	sadd.s32 $0x100, s0  }
0x73: {  	[tilespmem:s24], [sflag:$0x1] =	stream.indirect.gather [hbm4b:s3+s23], $0x80, s4, s23, $0xb8;
	[tilespmem:$0x1AC00] =	vst v63  }
0x74: {  	s0 =	sadd.s32 $0x500, s0  }
0x75: {  	[tilespmem:s25], [sflag:$0x1] =	stream.indirect.gather [hbm4b:s3+s23], $0x80, s0, s23, $0xb8;
	[tilespmem:$0x1AC00] =	vst v63  }
0x76: {  	_ =	swait.ge [sflag:s30], $0x4000  }
0x77: {  	[sflag:s30] =	ssyncset.done $0x0  }
0x78: {  	[sflag:s30] =	ssyncadd.s32 $0xFFFFC000  }
0x79: {  	s22 =	sshll.u32 s20, $0x7;
	_ =	swait.ge [sflag:s30], $0x4000  }
0x7a: {  	s31 =	sadd.s32 $0x1A000, s22;
	[sflag:s30] =	ssyncset.done $0x0  }
0x7b: {  	s20 =	simm.s32 $0x0;
	s21 =	simm.s32 $0x0;
	v3 =	vmov s22;
	v4 =	vmov s31;
	[sflag:s30] =	ssyncadd.s32 $0xFFFFC000  }
.LBB2_7:
0x7c: {  	s0 =	sshll.u32 s21, $0x4  }
0x7d: {  	v5 =	vor.u32 s0, v0  }
0x7e: {  	v6 =	vadd.s32 v3, v5  }
0x7f: {  	v7 =	vshll.u32 v5, $0x7;
	v6 =	vshll.u32 v6, $0x6  }
0x80: {  	v8 =	vadd.s32 s20, v0;
	v5 =	vand.u32 $0x7FFFFF80, v6;
	v6 =	vor.u32 $0x40, v7  }
0x81: {  	s4 =	simm.s32 $0x2;
	v5 =	vor.u32 v1, v5;
	v9 =	vor.u32 v8, v6;
	v8 =	vand.u32 $0x3F, v8  }
0x82: {  	s5 =	simm.s32 $0x1;
	v11 =	vadd.s32 s4, v0;
	v10 =	vor.u32 v8, v5  }
0x83: {  	v13 =	vand.u32 $0x3F, v11;
	v12 =	vor.u32 v7, v8;
	v8 =	vadd.s32 s5, v0  }
0x84: {  	v14 =	vor.u32 v13, v5;
	v11 =	vand.u32 $0x3F, v8  }
0x85: {  	v15 =	vor.u32 v11, v5  }
0x86: {  	v16 =	vor.u32 v7, v11;
	v9 =	vld.idx.msk [tilespmem:v9+s28+$0x0], $0xffff  }
0x87: {  	s22 =	simm.s32 $0x3;
	v17 =	vor.u32 v11, v6;
	v8 =	vld.idx.msk [tilespmem:v10+s18+$0x0], $0xffff  }
0x88: {  	v18 =	vor.u32 v7, v13;
	v10 =	vadd.s32 s22, v0;
	v12 =	vld.idx.msk [tilespmem:v12+s26+$0x0], $0xffff  }
0x89: {  	v21 =	vor.u32 v13, v6;
	v11 =	vld.idx.msk [tilespmem:v14+s18+$0x0], $0xffff;
	v19 =	vand.u32 $0x3F, v10  }
0x8a: {  	s4 =	simm.s32 $0x4;
	v26 =	vor.u32 v7, v19;
	v10 =	vld.idx.msk [tilespmem:v15+s18+$0x0], $0xffff  }
0x8b: {  	v13 =	vadd.s32 s4, v0;
	v14 =	vld.idx.msk [tilespmem:v16+s26+$0x0], $0xffff;
	v24 =	vor.u32 v19, v6  }
0x8c: {  	v22 =	vor.u32 v13, v6;
	v17 =	vld.idx.msk [tilespmem:v17+s28+$0x0], $0xffff  }
0x8d: {  	s31 =	simm.s32 $0x6;
	s6 =	simm.s32 $0x5;
	v16 =	vand.u32 $0x3F, v13;
	v13 =	vld.idx.msk [tilespmem:v18+s26+$0x0], $0xffff;
	v23 =	vor.u32 v19, v5  }
0x8e: {  	v25 =	vadd.s32 s6, v0;
	v19 =	vadd.s32 s31, v0;
	v18 =	vld.idx.msk [tilespmem:v21+s28+$0x0], $0xffff;
	v20 =	vor.u32 v16, v5  }
0x8f: {  	s5 =	simm.s32 $0x8;
	v15 =	vimm.f32 $0.0e+00;
	v21 =	vor.u32 v7, v16;
	v19 =	vand.u32 $0x3F, v19;
	v16 =	vld.idx.msk [tilespmem:v26+s26+$0x0], $0xffff  }
.LBB2_8:
0x90: {  	p1 =	sne.s32 s5, $0x3C;
	v25 =	vand.u32 $0x3F, v25;
	v26 =	vor.u32 v19, v5;
	s6 =	sadd.s32 $0x3, s4;
	v12 =	vadd.f32 v9, v12;
	v24 =	vld.idx.msk [tilespmem:v24+s28+$0x0], $0xffff;
	s4 =	smov.u32 s5  }
0x91: {  	v9 =	vld.idx.msk [tilespmem:v22+s28+$0x0], $0xffff;
	v22 =	vor.u32 v25, v5;
	v27 =	vadd.s32 s6, v0  }
0x92: {  	v28 =	vor.u32 v7, v25;
	v14 =	vadd.f32 v17, v14;
	v29 =	vmul.f32 v12, v8;
	v23 =	vld.idx.msk [tilespmem:v23+s18+$0x0], $0xffff  }
0x93: {  	v17 =	vor.u32 v25, v6;
	v25 =	vand.u32 $0x3F, v27;
	v8 =	vld.idx.msk [tilespmem:v20+s18+$0x0], $0xffff;
	v20 =	vor.u32 v7, v19  }
0x94: {  	v14 =	vmul.f32 v14, v10;
	v13 =	vadd.f32 v18, v13;
	v12 =	vld.idx.msk [tilespmem:v21+s26+$0x0], $0xffff;
	v15 =	vadd.f32 v29, v15  }
0x95: {  	v18 =	vor.u32 v19, v6;
	v27 =	vor.u32 v7, v25;
	v26 =	vld.idx.msk [tilespmem:v26+s18+$0x0], $0xffff  }
0x96: {  	v11 =	vmul.f32 v13, v11;
	v13 =	vadd.f32 v24, v16;
	v10 =	vld.idx.msk [tilespmem:v22+s18+$0x0], $0xffff;
	v15 =	vadd.f32 v14, v15  }
.Ltmp2:
0x97: {  	v16 =	vadd.s32 s5, v0;
	v24 =	vor.u32 v25, v6;
	v14 =	vld.idx.msk [tilespmem:v28+s26+$0x0], $0xffff;
	(pc) =	sbr.rel @p1 .LBB2_8-.Ltmp2, $4  }
0x98: {  	v22 =	vor.u32 v16, v6;
	v17 =	vld.idx.msk [tilespmem:v17+s28+$0x0], $0xffff;
	v28 =	vadd.f32 v11, v15;
	v15 =	vmul.f32 v13, v23  }
0x99: {  	s6 =	sadd.s32 $0x2, s5;
	v16 =	vand.u32 $0x3F, v16;
	v23 =	vor.u32 v25, v5;
	v13 =	vld.idx.msk [tilespmem:v20+s26+$0x0], $0xffff  }
0x9a: {  	s7 =	sadd.s32 $0x1, s5;
	v19 =	vadd.s32 s6, v0;
	v20 =	vor.u32 v16, v5;
	v18 =	vld.idx.msk [tilespmem:v18+s28+$0x0], $0xffff;
	v15 =	vadd.f32 v15, v28  }
0x9b: {  	v19 =	vand.u32 $0x3F, v19;
	s5 =	sadd.s32 $0x4, s5;
	v21 =	vor.u32 v7, v16;
	v25 =	vadd.s32 s7, v0;
	v11 =	vmovc v26;
	v16 =	vld.idx.msk [tilespmem:v27+s26+$0x0], $0xffff  }
0x9c: {  	_ =	sdelay $0x3  }
0x9d: {  	v26 =	vor.u32 v19, v5;
	v24 =	vld.idx.msk [tilespmem:v24+s28+$0x0], $0xffff  }
0x9e: {  	v25 =	vand.u32 $0x3F, v25;
	v22 =	vld.idx.msk [tilespmem:v22+s28+$0x0], $0xffff;
	v51 =	vor.u32 v7, v19  }
0x9f: {  	v23 =	vld.idx.msk [tilespmem:v23+s18+$0x0], $0xffff;
	v49 =	vor.u32 v7, v25  }
0xa0: {  	s4 =	sadd.s32 $0x3, s4;
	v9 =	vadd.f32 v9, v12;
	v20 =	vld.idx.msk [tilespmem:v20+s18+$0x0], $0xffff;
	v27 =	vor.u32 v25, v5;
	v25 =	vor.u32 v25, v6  }
0xa1: {  	v52 =	vld.idx.msk [tilespmem:v21+s26+$0x0], $0xffff;
	v54 =	vor.u32 v19, v6;
	v28 =	vadd.s32 s4, v0;
	v50 =	vadd.f32 v17, v14  }
0xa2: {  	v8 =	vmul.f32 v9, v8;
	v53 =	vand.u32 $0x3F, v28;
	v26 =	vld.idx.msk [tilespmem:v26+s18+$0x0], $0xffff  }
0xa3: {  	v9 =	vmul.f32 v50, v10;
	v7 =	vor.u32 v7, v53;
	v14 =	vld.idx.msk [tilespmem:v51+s26+$0x0], $0xffff  }
0xa4: {  	v13 =	vadd.f32 v18, v13;
	v6 =	vor.u32 v53, v6;
	v8 =	vadd.f32 v8, v15;
	v12 =	vld.idx.msk [tilespmem:v49+s26+$0x0], $0xffff  }
0xa5: {  	v5 =	vor.u32 v53, v5;
	v56 =	vld.idx.msk [tilespmem:v25+s28+$0x0], $0xffff  }
0xa6: {  	v11 =	vmul.f32 v13, v11;
	v57 =	vadd.f32 v24, v16;
	v58 =	vld.idx.msk [tilespmem:v54+s28+$0x0], $0xffff;
	v8 =	vadd.f32 v9, v8  }
0xa7: {  	v55 =	vld.idx.msk [tilespmem:v27+s18+$0x0], $0xffff  }
0xa8: {  	v60 =	vadd.f32 v22, v52;
	v59 =	vmul.f32 v57, v23;
	v8 =	vadd.f32 v11, v8;
	v7 =	vld.idx.msk [tilespmem:v7+s26+$0x0], $0xffff  }
0xa9: {  	v6 =	vld.idx.msk [tilespmem:v6+s28+$0x0], $0xffff  }
0xaa: {  	v61 =	vmul.f32 v60, v20;
	v8 =	vadd.f32 v59, v8;
	v9 =	vadd.f32 v56, v12  }
0xab: {  	v5 =	vld.idx.msk [tilespmem:v5+s18+$0x0], $0xffff  }
0xac: {  	v62 =	vadd.f32 v58, v14;
	v8 =	vadd.f32 v61, v8;
	v9 =	vmul.f32 v9, v55;
	_ =	sdelay $0x1  }
0xad: {  	s21 =	sadd.s32 $0x1, s21;
	v63 =	vmul.f32 v62, v26;
	v6 =	vadd.f32 v6, v7;
	v8 =	vadd.f32 v9, v8  }
0xae: {  	p1 =	sne.s32 s21, $0x8  }
.Ltmp3:
0xaf: {  	v5 =	vmul.f32 v6, v5;
	v7 =	vadd.f32 v63, v8;
	(pc) =	sbr.rel @p1 .LBB2_7-.Ltmp3, $3  }
0xb0: {  	_ = 	snop  }
0xb1: {  	v5 =	vadd.f32 v5, v7;
	_ =	sdelay $0x1  }
0xb2: {  	[tilespmem:v4+s0+$0x0 ss:$0x1] =	vst.idx.msk $0xffff, v5  }
.Ltmp4:
0xb3: {  	(pc) =	sbr.rel @p0 .LBB2_2-.Ltmp4, $2  }
0xb4: {  	_ =	sdelay $0x2  }
0xb5: {  	s0 =	simm.s32 $0x1;
	p1 =	por $0x0, $0x0  }
0xb6: {  	_ =	swait.ge [sflag:s29], $0x4000  }
0xb7: {  	[sflag:s29] =	ssyncset.done $0x0  }
0xb8: {  	[sflag:s29] =	ssyncadd.s32 $0xFFFFC000  }
0xb9: {  	_ =	swait.ge [sflag:s29], $0x4000  }
0xba: {  	[sflag:s29] =	ssyncset.done $0x0  }
0xbb: {  	s20 =	simm.s32 $0x0;
	s0 =	simm.s32 $0x1A000;
	[sflag:s29] =	ssyncadd.s32 $0xFFFFC000  }
0xbc: {  	[hbm4b:s12+s20] =	stream.linear.scatter [tilespmem:s0], [sflag:$0x3], $0x200, $0x38;
	[tilespmem:$0x1AC00] =	vst v63  }
0xbd: {  	_ =	swait.ge [sflag:s19], $0x200  }
0xbe: {  	[sflag:s19] =	ssyncset.done $0x0  }
0xbf: {  	[sflag:s19] =	ssyncadd.s32 $0xFFFFFE00  }
0xc0: {  	[tilespmem:s24], [sflag:$0x1] =	stream.indirect.gather [hbm4b:s3+s23], $0x80, s13, s23, $0xb8;
	[tilespmem:$0x1AC00] =	vst v63  }
0xc1: {  	_ = 	snop  }
0xc2: {  	[tilespmem:s25], [sflag:$0x1] =	stream.indirect.gather [hbm4b:s3+s23], $0x80, s14, s23, $0xb8;
	[tilespmem:$0x1AC00] =	vst v63  }
.LBB2_12:
0xc3: {  	s21 =	sshllo.u32 s20, $0x1  }
0xc4: {  	s0 =	sadd.s32 s9, s21  }
0xc5: {  	s0 =	sshll.u32 s0, $0x7  }
0xc6: {  	s0 =	sand.u32 $0x3FFFFF80, s0  }
0xc7: {  	s4 =	sadd.s32 $0x800, s0  }
0xc8: {  	[tilespmem:s26], [sflag:$0x2] =	stream.indirect.gather [hbm4b:s3+s23], $0x80, s4, s23, $0xb8;
	[tilespmem:$0x1AC00] =	vst v63  }
0xc9: {  	s0 =	sadd.s32 $0x1400, s0  }
0xca: {  	[tilespmem:s28], [sflag:$0x2] =	stream.indirect.gather [hbm4b:s3+s23], $0x80, s0, s23, $0xb8;
	[tilespmem:$0x1AC00] =	vst v63  }
0xcb: {  	_ =	swait.ge [sflag:s29], $0x4000  }
0xcc: {  	[sflag:s29] =	ssyncset.done $0x0  }
0xcd: {  	[sflag:s29] =	ssyncadd.s32 $0xFFFFC000  }
0xce: {  	s6 =	sshll.u32 s20, $0x8;
	_ =	swait.ge [sflag:s29], $0x4000  }
0xcf: {  	s7 =	sadd.s32 $0x1A200, s6;
	[sflag:s29] =	ssyncset.done $0x0  }
0xd0: {  	s22 =	sshll.u32 s20, $0x1;
	s31 =	simm.s32 $0x0;
	v3 =	vor.u32 s6, v0;
	v4 =	vmov s7;
	[sflag:s29] =	ssyncadd.s32 $0xFFFFC000  }
.LBB2_13:
0xd1: {  	s0 =	sshll.u32 s31, $0x4  }
0xd2: {  	v5 =	vmov s0;
	v6 =	vor.u32 s0, v3  }
0xd3: {  	v5 =	vshll.u32 v5, $0x7;
	v6 =	vmulhi.u32 $0x66666667, v6  }
0xd4: {  	s4 =	simm.s32 $0x0;
	v7 =	vor.u32 v2, v5  }
0xd5: {  	v8 =	vadd.s32 s4, v0;
	v5 =	vshrl.u32 v6, $0x1;
	v6 =	vor.u32 $0x40, v7  }
0xd6: {  	s7 =	simm.s32 $0x2;
	v5 =	vshll.u32 v5, $0x6;
	v9 =	vor.u32 v8, v6;
	v8 =	vand.u32 $0x3F, v8  }
0xd7: {  	s5 =	simm.s32 $0x1;
	v11 =	vadd.s32 s7, v0;
	v10 =	vor.u32 v8, v5  }
0xd8: {  	v13 =	vand.u32 $0x3F, v11;
	v12 =	vor.u32 v7, v8;
	v8 =	vadd.s32 s5, v0  }
0xd9: {  	v14 =	vor.u32 v13, v5;
	v11 =	vand.u32 $0x3F, v8  }
0xda: {  	v15 =	vor.u32 v11, v5  }
0xdb: {  	v16 =	vor.u32 v7, v11;
	v9 =	vld.idx.msk [tilespmem:v9+s25+$0x0], $0xffff  }
0xdc: {  	s6 =	simm.s32 $0x3;
	v17 =	vor.u32 v11, v6;
	v8 =	vld.idx.msk [tilespmem:v10+s18+$0x0], $0xffff  }
0xdd: {  	v18 =	vor.u32 v7, v13;
	v10 =	vadd.s32 s6, v0;
	v12 =	vld.idx.msk [tilespmem:v12+s24+$0x0], $0xffff  }
0xde: {  	v21 =	vor.u32 v13, v6;
	v11 =	vld.idx.msk [tilespmem:v14+s18+$0x0], $0xffff;
	v19 =	vand.u32 $0x3F, v10  }
0xdf: {  	s4 =	simm.s32 $0x4;
	v26 =	vor.u32 v7, v19;
	v10 =	vld.idx.msk [tilespmem:v15+s18+$0x0], $0xffff  }
0xe0: {  	v13 =	vadd.s32 s4, v0;
	v14 =	vld.idx.msk [tilespmem:v16+s24+$0x0], $0xffff;
	v24 =	vor.u32 v19, v6  }
0xe1: {  	v22 =	vor.u32 v13, v6;
	v17 =	vld.idx.msk [tilespmem:v17+s25+$0x0], $0xffff  }
0xe2: {  	s7 =	simm.s32 $0x6;
	s6 =	simm.s32 $0x5;
	v16 =	vand.u32 $0x3F, v13;
	v13 =	vld.idx.msk [tilespmem:v18+s24+$0x0], $0xffff;
	v23 =	vor.u32 v19, v5  }
0xe3: {  	v25 =	vadd.s32 s6, v0;
	v19 =	vadd.s32 s7, v0;
	v18 =	vld.idx.msk [tilespmem:v21+s25+$0x0], $0xffff;
	v20 =	vor.u32 v16, v5  }
0xe4: {  	s5 =	simm.s32 $0x8;
	v15 =	vimm.f32 $0.0e+00;
	v21 =	vor.u32 v7, v16;
	v19 =	vand.u32 $0x3F, v19;
	v16 =	vld.idx.msk [tilespmem:v26+s24+$0x0], $0xffff  }
.LBB2_14:
0xe5: {  	p0 =	sne.s32 s5, $0x3C;
	v25 =	vand.u32 $0x3F, v25;
	v26 =	vor.u32 v19, v5;
	s6 =	sadd.s32 $0x3, s4;
	v12 =	vadd.f32 v9, v12;
	v24 =	vld.idx.msk [tilespmem:v24+s25+$0x0], $0xffff;
	s4 =	smov.u32 s5  }
0xe6: {  	v9 =	vld.idx.msk [tilespmem:v22+s25+$0x0], $0xffff;
	v22 =	vor.u32 v25, v5;
	v27 =	vadd.s32 s6, v0  }
0xe7: {  	v28 =	vor.u32 v7, v25;
	v14 =	vadd.f32 v17, v14;
	v29 =	vmul.f32 v12, v8;
	v23 =	vld.idx.msk [tilespmem:v23+s18+$0x0], $0xffff  }
0xe8: {  	v17 =	vor.u32 v25, v6;
	v25 =	vand.u32 $0x3F, v27;
	v8 =	vld.idx.msk [tilespmem:v20+s18+$0x0], $0xffff;
	v20 =	vor.u32 v7, v19  }
0xe9: {  	v14 =	vmul.f32 v14, v10;
	v13 =	vadd.f32 v18, v13;
	v12 =	vld.idx.msk [tilespmem:v21+s24+$0x0], $0xffff;
	v15 =	vadd.f32 v29, v15  }
0xea: {  	v18 =	vor.u32 v19, v6;
	v27 =	vor.u32 v7, v25;
	v26 =	vld.idx.msk [tilespmem:v26+s18+$0x0], $0xffff  }
0xeb: {  	v11 =	vmul.f32 v13, v11;
	v13 =	vadd.f32 v24, v16;
	v10 =	vld.idx.msk [tilespmem:v22+s18+$0x0], $0xffff;
	v15 =	vadd.f32 v14, v15  }
.Ltmp5:
0xec: {  	v16 =	vadd.s32 s5, v0;
	v24 =	vor.u32 v25, v6;
	v14 =	vld.idx.msk [tilespmem:v28+s24+$0x0], $0xffff;
	(pc) =	sbr.rel @p0 .LBB2_14-.Ltmp5, $4  }
0xed: {  	v22 =	vor.u32 v16, v6;
	v17 =	vld.idx.msk [tilespmem:v17+s25+$0x0], $0xffff;
	v28 =	vadd.f32 v11, v15;
	v15 =	vmul.f32 v13, v23  }
0xee: {  	s6 =	sadd.s32 $0x2, s5;
	v16 =	vand.u32 $0x3F, v16;
	v23 =	vor.u32 v25, v5;
	v13 =	vld.idx.msk [tilespmem:v20+s24+$0x0], $0xffff  }
0xef: {  	s7 =	sadd.s32 $0x1, s5;
	v19 =	vadd.s32 s6, v0;
	v20 =	vor.u32 v16, v5;
	v18 =	vld.idx.msk [tilespmem:v18+s25+$0x0], $0xffff;
	v15 =	vadd.f32 v15, v28  }
0xf0: {  	v19 =	vand.u32 $0x3F, v19;
	s5 =	sadd.s32 $0x4, s5;
	v21 =	vor.u32 v7, v16;
	v25 =	vadd.s32 s7, v0;
	v11 =	vmovc v26;
	v16 =	vld.idx.msk [tilespmem:v27+s24+$0x0], $0xffff  }
0xf1: {  	_ =	sdelay $0x3  }
0xf2: {  	v26 =	vor.u32 v19, v5;
	v24 =	vld.idx.msk [tilespmem:v24+s25+$0x0], $0xffff  }
0xf3: {  	v25 =	vand.u32 $0x3F, v25;
	v22 =	vld.idx.msk [tilespmem:v22+s25+$0x0], $0xffff;
	v51 =	vor.u32 v7, v19  }
0xf4: {  	v23 =	vld.idx.msk [tilespmem:v23+s18+$0x0], $0xffff;
	v49 =	vor.u32 v7, v25  }
0xf5: {  	s4 =	sadd.s32 $0x3, s4;
	v9 =	vadd.f32 v9, v12;
	v20 =	vld.idx.msk [tilespmem:v20+s18+$0x0], $0xffff;
	v27 =	vor.u32 v25, v5;
	v25 =	vor.u32 v25, v6  }
0xf6: {  	v52 =	vld.idx.msk [tilespmem:v21+s24+$0x0], $0xffff;
	v54 =	vor.u32 v19, v6;
	v28 =	vadd.s32 s4, v0;
	v50 =	vadd.f32 v17, v14  }
0xf7: {  	v8 =	vmul.f32 v9, v8;
	v53 =	vand.u32 $0x3F, v28;
	v26 =	vld.idx.msk [tilespmem:v26+s18+$0x0], $0xffff  }
0xf8: {  	v9 =	vmul.f32 v50, v10;
	v7 =	vor.u32 v7, v53;
	v14 =	vld.idx.msk [tilespmem:v51+s24+$0x0], $0xffff  }
0xf9: {  	v13 =	vadd.f32 v18, v13;
	v6 =	vor.u32 v53, v6;
	v8 =	vadd.f32 v8, v15;
	v12 =	vld.idx.msk [tilespmem:v49+s24+$0x0], $0xffff  }
0xfa: {  	v5 =	vor.u32 v53, v5;
	v56 =	vld.idx.msk [tilespmem:v25+s25+$0x0], $0xffff  }
0xfb: {  	v11 =	vmul.f32 v13, v11;
	v57 =	vadd.f32 v24, v16;
	v58 =	vld.idx.msk [tilespmem:v54+s25+$0x0], $0xffff;
	v8 =	vadd.f32 v9, v8  }
0xfc: {  	v55 =	vld.idx.msk [tilespmem:v27+s18+$0x0], $0xffff  }
0xfd: {  	v60 =	vadd.f32 v22, v52;
	v59 =	vmul.f32 v57, v23;
	v8 =	vadd.f32 v11, v8;
	v7 =	vld.idx.msk [tilespmem:v7+s24+$0x0], $0xffff  }
0xfe: {  	v6 =	vld.idx.msk [tilespmem:v6+s25+$0x0], $0xffff  }
0xff: {  	v61 =	vmul.f32 v60, v20;
	v8 =	vadd.f32 v59, v8;
	v9 =	vadd.f32 v56, v12  }
0x100: {  	v5 =	vld.idx.msk [tilespmem:v5+s18+$0x0], $0xffff  }
0x101: {  	v62 =	vadd.f32 v58, v14;
	v8 =	vadd.f32 v61, v8;
	v9 =	vmul.f32 v9, v55;
	_ =	sdelay $0x1  }
0x102: {  	s31 =	sadd.s32 $0x1, s31;
	v63 =	vmul.f32 v62, v26;
	v6 =	vadd.f32 v6, v7;
	v8 =	vadd.f32 v9, v8  }
0x103: {  	p0 =	sne.s32 s31, $0x8  }
.Ltmp6:
0x104: {  	v5 =	vmul.f32 v6, v5;
	v7 =	vadd.f32 v63, v8;
	(pc) =	sbr.rel @p0 .LBB2_13-.Ltmp6, $3  }
0x105: {  	_ = 	snop  }
0x106: {  	v5 =	vadd.f32 v5, v7;
	_ =	sdelay $0x1  }
0x107: {  	[tilespmem:v4+s0+$0x0 ss:$0x1] =	vst.idx.msk $0xffff, v5  }
0x108: {  	s0 =	smin.u32 s22, $0x11  }
0x109: {  	s0 =	sadd.s32 s0, s15  }
0x10a: {  	s0 =	sshll.u32 s0, $0x7  }
0x10b: {  	s4 =	sadd.s32 $0x800, s0  }
0x10c: {  	[tilespmem:s24], [sflag:$0x1] =	stream.indirect.gather [hbm4b:s3+s23], $0x80, s4, s23, $0xb8;
	[tilespmem:$0x1AC00] =	vst v63  }
0x10d: {  	s0 =	sadd.s32 $0x1400, s0  }
0x10e: {  	[tilespmem:s25], [sflag:$0x1] =	stream.indirect.gather [hbm4b:s3+s23], $0x80, s0, s23, $0xb8;
	[tilespmem:$0x1AC00] =	vst v63  }
0x10f: {  	_ =	swait.ge [sflag:s30], $0x4000  }
0x110: {  	[sflag:s30] =	ssyncset.done $0x0  }
0x111: {  	[sflag:s30] =	ssyncadd.s32 $0xFFFFC000  }
0x112: {  	s22 =	sshll.u32 s21, $0x7;
	_ =	swait.ge [sflag:s30], $0x4000  }
0x113: {  	s31 =	sadd.s32 $0x1A200, s22;
	[sflag:s30] =	ssyncset.done $0x0  }
0x114: {  	s21 =	simm.s32 $0x0;
	v3 =	vor.u32 s22, v0;
	s22 =	simm.s32 $0x0;
	v4 =	vmov s31;
	[sflag:s30] =	ssyncadd.s32 $0xFFFFC000  }
.LBB2_17:
0x115: {  	s0 =	sshll.u32 s22, $0x4  }
0x116: {  	v5 =	vmov s0;
	v6 =	vor.u32 s0, v3  }
0x117: {  	v5 =	vshll.u32 v5, $0x7;
	v6 =	vmulhi.u32 $0x66666667, v6  }
0x118: {  	v7 =	vor.u32 v2, v5  }
0x119: {  	v8 =	vadd.s32 s21, v0;
	v5 =	vshrl.u32 v6, $0x1;
	v6 =	vor.u32 $0x40, v7  }
0x11a: {  	s4 =	simm.s32 $0x2;
	v5 =	vshll.u32 v5, $0x6;
	v9 =	vor.u32 v8, v6;
	v8 =	vand.u32 $0x3F, v8  }
0x11b: {  	s5 =	simm.s32 $0x1;
	v11 =	vadd.s32 s4, v0;
	v10 =	vor.u32 v8, v5  }
0x11c: {  	v13 =	vand.u32 $0x3F, v11;
	v12 =	vor.u32 v7, v8;
	v8 =	vadd.s32 s5, v0  }
0x11d: {  	v14 =	vor.u32 v13, v5;
	v11 =	vand.u32 $0x3F, v8  }
0x11e: {  	v15 =	vor.u32 v11, v5  }
0x11f: {  	v16 =	vor.u32 v7, v11;
	v9 =	vld.idx.msk [tilespmem:v9+s28+$0x0], $0xffff  }
0x120: {  	s7 =	simm.s32 $0x3;
	v17 =	vor.u32 v11, v6;
	v8 =	vld.idx.msk [tilespmem:v10+s18+$0x0], $0xffff  }
0x121: {  	v18 =	vor.u32 v7, v13;
	v10 =	vadd.s32 s7, v0;
	v12 =	vld.idx.msk [tilespmem:v12+s26+$0x0], $0xffff  }
0x122: {  	v21 =	vor.u32 v13, v6;
	v11 =	vld.idx.msk [tilespmem:v14+s18+$0x0], $0xffff;
	v19 =	vand.u32 $0x3F, v10  }
0x123: {  	s4 =	simm.s32 $0x4;
	v26 =	vor.u32 v7, v19;
	v10 =	vld.idx.msk [tilespmem:v15+s18+$0x0], $0xffff  }
0x124: {  	v13 =	vadd.s32 s4, v0;
	v14 =	vld.idx.msk [tilespmem:v16+s26+$0x0], $0xffff;
	v24 =	vor.u32 v19, v6  }
0x125: {  	v22 =	vor.u32 v13, v6;
	v17 =	vld.idx.msk [tilespmem:v17+s28+$0x0], $0xffff  }
0x126: {  	s31 =	simm.s32 $0x6;
	s6 =	simm.s32 $0x5;
	v16 =	vand.u32 $0x3F, v13;
	v13 =	vld.idx.msk [tilespmem:v18+s26+$0x0], $0xffff;
	v23 =	vor.u32 v19, v5  }
0x127: {  	v25 =	vadd.s32 s6, v0;
	v19 =	vadd.s32 s31, v0;
	v18 =	vld.idx.msk [tilespmem:v21+s28+$0x0], $0xffff;
	v20 =	vor.u32 v16, v5  }
0x128: {  	s5 =	simm.s32 $0x8;
	v15 =	vimm.f32 $0.0e+00;
	v21 =	vor.u32 v7, v16;
	v19 =	vand.u32 $0x3F, v19;
	v16 =	vld.idx.msk [tilespmem:v26+s26+$0x0], $0xffff  }
.LBB2_18:
0x129: {  	p0 =	sne.s32 s5, $0x3C;
	v25 =	vand.u32 $0x3F, v25;
	v26 =	vor.u32 v19, v5;
	s6 =	sadd.s32 $0x3, s4;
	v12 =	vadd.f32 v9, v12;
	v24 =	vld.idx.msk [tilespmem:v24+s28+$0x0], $0xffff;
	s4 =	smov.u32 s5  }
0x12a: {  	v9 =	vld.idx.msk [tilespmem:v22+s28+$0x0], $0xffff;
	v22 =	vor.u32 v25, v5;
	v27 =	vadd.s32 s6, v0  }
0x12b: {  	v28 =	vor.u32 v7, v25;
	v14 =	vadd.f32 v17, v14;
	v29 =	vmul.f32 v12, v8;
	v23 =	vld.idx.msk [tilespmem:v23+s18+$0x0], $0xffff  }
0x12c: {  	v17 =	vor.u32 v25, v6;
	v25 =	vand.u32 $0x3F, v27;
	v8 =	vld.idx.msk [tilespmem:v20+s18+$0x0], $0xffff;
	v20 =	vor.u32 v7, v19  }
0x12d: {  	v14 =	vmul.f32 v14, v10;
	v13 =	vadd.f32 v18, v13;
	v12 =	vld.idx.msk [tilespmem:v21+s26+$0x0], $0xffff;
	v15 =	vadd.f32 v29, v15  }
0x12e: {  	v18 =	vor.u32 v19, v6;
	v27 =	vor.u32 v7, v25;
	v26 =	vld.idx.msk [tilespmem:v26+s18+$0x0], $0xffff  }
0x12f: {  	v11 =	vmul.f32 v13, v11;
	v13 =	vadd.f32 v24, v16;
	v10 =	vld.idx.msk [tilespmem:v22+s18+$0x0], $0xffff;
	v15 =	vadd.f32 v14, v15  }
.Ltmp7:
0x130: {  	v16 =	vadd.s32 s5, v0;
	v24 =	vor.u32 v25, v6;
	v14 =	vld.idx.msk [tilespmem:v28+s26+$0x0], $0xffff;
	(pc) =	sbr.rel @p0 .LBB2_18-.Ltmp7, $4  }
0x131: {  	v22 =	vor.u32 v16, v6;
	v17 =	vld.idx.msk [tilespmem:v17+s28+$0x0], $0xffff;
	v28 =	vadd.f32 v11, v15;
	v15 =	vmul.f32 v13, v23  }
0x132: {  	s6 =	sadd.s32 $0x2, s5;
	v16 =	vand.u32 $0x3F, v16;
	v23 =	vor.u32 v25, v5;
	v13 =	vld.idx.msk [tilespmem:v20+s26+$0x0], $0xffff  }
0x133: {  	s7 =	sadd.s32 $0x1, s5;
	v19 =	vadd.s32 s6, v0;
	v20 =	vor.u32 v16, v5;
	v18 =	vld.idx.msk [tilespmem:v18+s28+$0x0], $0xffff;
	v15 =	vadd.f32 v15, v28  }
0x134: {  	v19 =	vand.u32 $0x3F, v19;
	s5 =	sadd.s32 $0x4, s5;
	v21 =	vor.u32 v7, v16;
	v25 =	vadd.s32 s7, v0;
	v11 =	vmovc v26;
	v16 =	vld.idx.msk [tilespmem:v27+s26+$0x0], $0xffff  }
0x135: {  	_ =	sdelay $0x3  }
0x136: {  	v26 =	vor.u32 v19, v5;
	v24 =	vld.idx.msk [tilespmem:v24+s28+$0x0], $0xffff  }
0x137: {  	v25 =	vand.u32 $0x3F, v25;
	v22 =	vld.idx.msk [tilespmem:v22+s28+$0x0], $0xffff;
	v51 =	vor.u32 v7, v19  }
0x138: {  	v23 =	vld.idx.msk [tilespmem:v23+s18+$0x0], $0xffff;
	v49 =	vor.u32 v7, v25  }
0x139: {  	s4 =	sadd.s32 $0x3, s4;
	v9 =	vadd.f32 v9, v12;
	v20 =	vld.idx.msk [tilespmem:v20+s18+$0x0], $0xffff;
	v27 =	vor.u32 v25, v5;
	v25 =	vor.u32 v25, v6  }
0x13a: {  	v52 =	vld.idx.msk [tilespmem:v21+s26+$0x0], $0xffff;
	v54 =	vor.u32 v19, v6;
	v28 =	vadd.s32 s4, v0;
	v50 =	vadd.f32 v17, v14  }
0x13b: {  	v8 =	vmul.f32 v9, v8;
	v53 =	vand.u32 $0x3F, v28;
	v26 =	vld.idx.msk [tilespmem:v26+s18+$0x0], $0xffff  }
0x13c: {  	v9 =	vmul.f32 v50, v10;
	v7 =	vor.u32 v7, v53;
	v14 =	vld.idx.msk [tilespmem:v51+s26+$0x0], $0xffff  }
0x13d: {  	v13 =	vadd.f32 v18, v13;
	v6 =	vor.u32 v53, v6;
	v8 =	vadd.f32 v8, v15;
	v12 =	vld.idx.msk [tilespmem:v49+s26+$0x0], $0xffff  }
0x13e: {  	v5 =	vor.u32 v53, v5;
	v56 =	vld.idx.msk [tilespmem:v25+s28+$0x0], $0xffff  }
0x13f: {  	v11 =	vmul.f32 v13, v11;
	v57 =	vadd.f32 v24, v16;
	v58 =	vld.idx.msk [tilespmem:v54+s28+$0x0], $0xffff;
	v8 =	vadd.f32 v9, v8  }
0x140: {  	v55 =	vld.idx.msk [tilespmem:v27+s18+$0x0], $0xffff  }
0x141: {  	v60 =	vadd.f32 v22, v52;
	v59 =	vmul.f32 v57, v23;
	v8 =	vadd.f32 v11, v8;
	v7 =	vld.idx.msk [tilespmem:v7+s26+$0x0], $0xffff  }
0x142: {  	v6 =	vld.idx.msk [tilespmem:v6+s28+$0x0], $0xffff  }
0x143: {  	v61 =	vmul.f32 v60, v20;
	v8 =	vadd.f32 v59, v8;
	v9 =	vadd.f32 v56, v12  }
0x144: {  	v5 =	vld.idx.msk [tilespmem:v5+s18+$0x0], $0xffff  }
0x145: {  	v62 =	vadd.f32 v58, v14;
	v8 =	vadd.f32 v61, v8;
	v9 =	vmul.f32 v9, v55;
	_ =	sdelay $0x1  }
0x146: {  	s22 =	sadd.s32 $0x1, s22;
	v63 =	vmul.f32 v62, v26;
	v6 =	vadd.f32 v6, v7;
	v8 =	vadd.f32 v9, v8  }
0x147: {  	p0 =	sne.s32 s22, $0x8  }
.Ltmp8:
0x148: {  	v5 =	vmul.f32 v6, v5;
	v7 =	vadd.f32 v63, v8;
	(pc) =	sbr.rel @p0 .LBB2_17-.Ltmp8, $3  }
0x149: {  	_ = 	snop  }
0x14a: {  	v5 =	vadd.f32 v5, v7;
	_ =	sdelay $0x1  }
0x14b: {  	[tilespmem:v4+s0+$0x0 ss:$0x1] =	vst.idx.msk $0xffff, v5  }
0x14c: {  	s20 =	sadd.s32 $0x1, s20  }
0x14d: {  	p0 =	sne.s32 s20, $0xA  }
.Ltmp9:
0x14e: {  	_ = 	snop;
	(pc) =	sbr.rel @p0 .LBB2_12-.Ltmp9, $1  }
0x14f: {  	_ =	sdelay $0x3  }
0x150: {  	_ =	swait.ge [sflag:s29], $0x4000  }
0x151: {  	[sflag:s29] =	ssyncset.done $0x0  }
0x152: {  	[sflag:s29] =	ssyncadd.s32 $0xFFFFC000  }
0x153: {  	s1 =	sadd.s32 $0x1, s1;
	_ =	swait.ge [sflag:s29], $0x4000  }
0x154: {  	p0 =	sne.s32 s1, s17;
	[sflag:s29] =	ssyncset.done $0x0  }
.Ltmp10:
0x155: {  	s0 =	simm.s32 $0x1A200;
	[sflag:s29] =	ssyncadd.s32 $0xFFFFC000;
	(pc) =	sbr.rel @p0 .LBB2_1-.Ltmp10, $4  }
0x156: {  	[hbm4b:s16+s2] =	stream.linear.scatter [tilespmem:s0], [sflag:$0x3], $0xA00, $0x38;
	[tilespmem:$0x1AC00] =	vst v63  }
0x157: {  	_ =	swait.ge [sflag:s19], $0xA00  }
0x158: {  	[sflag:s19] =	ssyncset.done $0x0  }
0x159: {  	[sflag:s19] =	ssyncadd.s32 $0xFFFFF600  }
0x15a: {  	_ =	sfence.sel $0x180000  }
0x15b: {  	[bflag:$0x0] =	sbarrier.arrive $0xFFFF  }
0x15c: {  	_ =	strace $0x9000004A  }
0x15d: {  	s0 =	stileid.u32;
	[bflag:$0x2] =	sbarrier.arrive $0xFFFF  }
0x15e: {  	p0 =	sne.s32 s0, $0x0;
	s0 =	rddreg [dreg:$0x1]  }
0x15f: {  	s0 =	sadd.s32 @!p0 $0x100000, s0  }
0x160: {  	[sflag:s0] =	ssyncadd.tile.s32 @!p0 $0x1;
	_ =	shalt  }
.Lfunc_end2:
_tile_overlayer_lowered:
.L_overlay_start_2:
0x161: {  	(tag) =	ssettag $0x2  }
0x162: {  	s0 =	rddreg [dreg:$0x0];
	s2 =	stileid.u32  }
0x163: {  	s1 =	rddreg [dreg:$0x1];
	p0 =	sne.s32 s2, $0x0  }
0x164: {  	s3 =	rddreg [dreg:$0x2];
	[bflag:$0x3] =	sbarrier.arrive $0xFFFF;
	s2 =	simm.s32 @!p0 $0x1C03  }
0x165: {  	[timem:s3], [sflag:s2] =	dma.local @!p0 [hbm:s0], s1  }
0x166: {  	s0 =	simm.s32 @!p0 $0x3  }
0x167: {  	_ =	swait.ge @!p0 [sflag:s0], s1  }
0x168: {  	s1 =	ssub.s32 @!p0 $0x0, s1;
	[sflag:s0] =	ssyncset.done @!p0 $0x0  }
0x169: {  	[sflag:s0] =	ssyncadd.s32 @!p0 s1  }
0x16a: {  	[bflag:$0x3] =	sbarrier.arrive $0xFFFF  }
0x16b: {  	_ =	shalt  }

</sc_bundles>
